<compile_context>
chip_gen: v7x
topology: tpu7x:2x2x1
jax: 0.10.2.dev20260603
libtpu: 0.0.44.dev20260713+nightly
codegen_flags: <defaults>
</compile_context>

<pallas_src>
import functools

import jax
import jax.numpy as jnp
from jax import lax
from jax.experimental import pallas as pl
from jax.experimental.pallas import tpu as pltpu
from jax.experimental.pallas import tpu_sc as plsc

N = 10000
NPAD = 10240
PAD_ROWS = NPAD - N
E = 320000
D_IN = 128
D_H = 64
NC = 2
NS = 16
NW = NC * NS
CHUNK = 128
CPT = 80
ETP = NW * CPT * CHUNK
IDX_ROWS = ETP // CHUNK
ACC_TILE = NPAD // NS

_SC_MESH = plsc.VectorSubcoreMesh(
    core_axis_name="c", subcore_axis_name="s", num_cores=NC, num_subcores=NS)
_SC_PARAMS = pltpu.CompilerParams(use_tc_tiling_on_sc=False)


def _fill_rows(buf, rows, val):
  cols = buf.shape[1]
  v = jnp.full((16,), val, jnp.float32)

  @pl.loop(0, rows)
  def _(i):
    for c in range(cols // 16):
      buf[i, pl.ds(c * 16, 16)] = v


@functools.partial(
    pl.kernel,
    out_type=jax.ShapeDtypeStruct((NC * NPAD, 16), jnp.float32),
    mesh=_SC_MESH,
    compiler_params=_SC_PARAMS,
    scratch_types=[
        pltpu.VMEM((CPT, CHUNK), jnp.int32),
        pltpu.VMEM((CHUNK, 16), jnp.float32),
        pltpu.VMEM((CHUNK, 16), jnp.float32),
        pltpu.VMEM_SHARED((NPAD, 16), jnp.float32),
    ],
)
def _deg_kernel(dst_hbm, out_hbm, dstbuf, ones, zeros, acc):
  cid = lax.axis_index("c")
  sid = lax.axis_index("s")
  wid = sid * NC + cid

  _fill_rows(ones, CHUNK, 1.0)
  _fill_rows(zeros, CHUNK, 0.0)
  base = sid * ACC_TILE
  for r in range(ACC_TILE // CHUNK):
    pltpu.sync_copy(zeros, acc.at[pl.ds(base + r * CHUNK, CHUNK)])
  plsc.subcore_barrier()

  pltpu.sync_copy(dst_hbm.at[pl.ds(wid * CPT, CPT)], dstbuf)

  @pl.loop(0, CPT)
  def _(j):
    pltpu.sync_copy(ones, acc.at[dstbuf.at[j]], add=True)

  plsc.subcore_barrier()
  pltpu.sync_copy(acc.at[pl.ds(base, ACC_TILE)],
                  out_hbm.at[pl.ds(cid * NPAD + base, ACC_TILE)])


@functools.partial(
    pl.kernel,
    out_type=jax.ShapeDtypeStruct((NC * NPAD, D_H), jnp.float32),
    mesh=_SC_MESH,
    compiler_params=_SC_PARAMS,
    scratch_types=[
        pltpu.VMEM((CPT, CHUNK), jnp.int32),
        pltpu.VMEM((CPT, CHUNK), jnp.int32),
        pltpu.VMEM((CHUNK, D_H), jnp.float32),
        pltpu.VMEM((CHUNK, D_H), jnp.float32),
        pltpu.VMEM((CHUNK, D_H), jnp.float32),
        pltpu.VMEM_SHARED((NPAD, D_H), jnp.float32),
        pltpu.SemaphoreType.DMA,
        pltpu.SemaphoreType.DMA,
    ],
)
def _agg_kernel(src_hbm, dst_hbm, h_hbm, out_hbm,
                srcbuf, dstbuf, rows_a, rows_b, zeros, acc, sem_a, sem_b):
  cid = lax.axis_index("c")
  sid = lax.axis_index("s")
  wid = sid * NC + cid

  _fill_rows(zeros, CHUNK, 0.0)
  base = sid * ACC_TILE
  for r in range(ACC_TILE // CHUNK):
    pltpu.sync_copy(zeros, acc.at[pl.ds(base + r * CHUNK, CHUNK)])
  plsc.subcore_barrier()

  pltpu.sync_copy(src_hbm.at[pl.ds(wid * CPT, CPT)], srcbuf)
  pltpu.sync_copy(dst_hbm.at[pl.ds(wid * CPT, CPT)], dstbuf)

  pltpu.async_copy(h_hbm.at[srcbuf.at[0]], rows_a, sem_a)
  pltpu.async_copy(h_hbm.at[srcbuf.at[1]], rows_b, sem_b)

  @pl.loop(0, CPT - 2, step=2)
  def _(j):
    pltpu.make_async_copy(h_hbm.at[srcbuf.at[0]], rows_a, sem_a).wait()
    pltpu.sync_copy(rows_a, acc.at[dstbuf.at[j]], add=True)
    pltpu.async_copy(h_hbm.at[srcbuf.at[j + 2]], rows_a, sem_a)
    pltpu.make_async_copy(h_hbm.at[srcbuf.at[0]], rows_b, sem_b).wait()
    pltpu.sync_copy(rows_b, acc.at[dstbuf.at[j + 1]], add=True)
    pltpu.async_copy(h_hbm.at[srcbuf.at[j + 3]], rows_b, sem_b)

  pltpu.make_async_copy(h_hbm.at[srcbuf.at[0]], rows_a, sem_a).wait()
  pltpu.sync_copy(rows_a, acc.at[dstbuf.at[CPT - 2]], add=True)
  pltpu.make_async_copy(h_hbm.at[srcbuf.at[0]], rows_b, sem_b).wait()
  pltpu.sync_copy(rows_b, acc.at[dstbuf.at[CPT - 1]], add=True)

  plsc.subcore_barrier()
  pltpu.sync_copy(acc.at[pl.ds(base, ACC_TILE)],
                  out_hbm.at[pl.ds(cid * NPAD + base, ACC_TILE)])


R = 2048
GRID = NPAD // R
DSPEC = [
    pl.BlockSpec((R, 16), lambda i: (i, 0)),
    pl.BlockSpec((R, 16), lambda i: (i + GRID, 0)),
]


def _dinv(dega, degb):
  return lax.rsqrt(dega[:, 0:1] + degb[:, 0:1] + 1.0)


def _k1_body(x_ref, w_ref, da_ref, db_ref, o_ref):
  h = jnp.dot(x_ref[...], w_ref[...], preferred_element_type=jnp.float32)
  o_ref[...] = h * _dinv(da_ref[...], db_ref[...])


def _k1(xp, W1, deg2):
  return pl.pallas_call(
      _k1_body,
      grid=(GRID,),
      in_specs=[
          pl.BlockSpec((R, D_IN), lambda i: (i, 0)),
          pl.BlockSpec((D_IN, D_H), lambda i: (0, 0)),
          *DSPEC,
      ],
      out_specs=pl.BlockSpec((R, D_H), lambda i: (i, 0)),
      out_shape=jax.ShapeDtypeStruct((NPAD, D_H), jnp.float32),
  )(xp, W1, deg2, deg2)


def _k2_body(s1_ref, s2_ref, hp_ref, da_ref, db_ref, b_ref, w_ref, o_ref):
  dinv = _dinv(da_ref[...], db_ref[...])
  t = (s1_ref[...] + s2_ref[...] + hp_ref[...]) * dinv
  z = jnp.maximum(t + b_ref[...], 0.0)
  o_ref[...] = jnp.dot(z, w_ref[...], preferred_element_type=jnp.float32) * dinv


def _k2(s, hp, deg2, b, W):
  return pl.pallas_call(
      _k2_body,
      grid=(GRID,),
      in_specs=[
          pl.BlockSpec((R, D_H), lambda i: (i, 0)),
          pl.BlockSpec((R, D_H), lambda i: (i + GRID, 0)),
          pl.BlockSpec((R, D_H), lambda i: (i, 0)),
          *DSPEC,
          pl.BlockSpec((1, D_H), lambda i: (0, 0)),
          pl.BlockSpec((D_H, D_H), lambda i: (0, 0)),
      ],
      out_specs=pl.BlockSpec((R, D_H), lambda i: (i, 0)),
      out_shape=jax.ShapeDtypeStruct((NPAD, D_H), jnp.float32),
  )(s, s, hp, deg2, deg2, b, W)


def _k2b_body(s1_ref, s2_ref, hp_ref, da_ref, db_ref, b_ref, o_ref):
  dinv = _dinv(da_ref[...], db_ref[...])
  t = (s1_ref[...] + s2_ref[...] + hp_ref[...]) * dinv
  o_ref[...] = jnp.maximum(t + b_ref[...], 0.0) * dinv


def _k2b(s, hp, deg2, b):
  return pl.pallas_call(
      _k2b_body,
      grid=(GRID,),
      in_specs=[
          pl.BlockSpec((R, D_H), lambda i: (i, 0)),
          pl.BlockSpec((R, D_H), lambda i: (i + GRID, 0)),
          pl.BlockSpec((R, D_H), lambda i: (i, 0)),
          *DSPEC,
          pl.BlockSpec((1, D_H), lambda i: (0, 0)),
      ],
      out_specs=pl.BlockSpec((R, D_H), lambda i: (i, 0)),
      out_shape=jax.ShapeDtypeStruct((NPAD, D_H), jnp.float32),
  )(s, s, hp, deg2, deg2, b)


def _k3_body(s1_ref, s2_ref, hp_ref, da_ref, db_ref, b_ref, w_ref, o_ref):
  dinv = _dinv(da_ref[...], db_ref[...])
  t = (s1_ref[...] + s2_ref[...] + hp_ref[...]) * dinv
  o_ref[...] = (jnp.dot(t, w_ref[...], preferred_element_type=jnp.float32)
                + b_ref[...])


def _k3(s, hp, deg2, b, W):
  return pl.pallas_call(
      _k3_body,
      grid=(GRID,),
      in_specs=[
          pl.BlockSpec((R, D_H), lambda i: (i, 0)),
          pl.BlockSpec((R, D_H), lambda i: (i + GRID, 0)),
          pl.BlockSpec((R, D_H), lambda i: (i, 0)),
          *DSPEC,
          pl.BlockSpec((1, D_IN), lambda i: (0, 0)),
          pl.BlockSpec((D_H, D_IN), lambda i: (0, 0)),
      ],
      out_specs=pl.BlockSpec((R, D_IN), lambda i: (i, 0)),
      out_shape=jax.ShapeDtypeStruct((NPAD, D_IN), jnp.float32),
  )(s, s, hp, deg2, deg2, b, W)


def kernel(x, edge_index, is_test, W1, b1, W2, b2, W3, b3):
  del is_test

  pad_idx = N + (jnp.arange(ETP - E, dtype=jnp.int32) % PAD_ROWS)
  srcp = jnp.concatenate(
      [edge_index[0].astype(jnp.int32), pad_idx]).reshape(IDX_ROWS, CHUNK)
  dstp = jnp.concatenate(
      [edge_index[1].astype(jnp.int32), pad_idx]).reshape(IDX_ROWS, CHUNK)
  xp = jnp.pad(x, ((0, NPAD - N), (0, 0)))
  b1r = b1.reshape(1, D_H)
  b2r = b2.reshape(1, D_H)
  b3r = b3.reshape(1, D_IN)

  deg2 = _deg_kernel(dstp)
  h1p = _k1(xp, W1, deg2)
  s1 = _agg_kernel(srcp, dstp, h1p)
  h2p = _k2(s1, h1p, deg2, b1r, W2)
  s2 = _agg_kernel(srcp, dstp, h2p)
  h3p = _k2b(s2, h2p, deg2, b2r)
  s3 = _agg_kernel(srcp, dstp, h3p)
  out = _k3(s3, h3p, deg2, b3r, W3)
  return out[:N]

# --- scband reference (transcript-rebuilt; emitter-appended) ---
"""Pipeline reference for scband-gae-6150393168454 (READ-ONLY COPY).

The authoritative reference and input builder live on the scoring server;
editing this copy changes nothing except your own understanding.
"""

import jax, jax.numpy as jnp
import numpy as np

N = 10000
E = 320000
D_IN = 128
D_H = 64


def setup_inputs(seed: int = 0) -> dict:
    key = jax.random.key(seed)
    ks = jax.random.split(key, 8)
    x = jax.random.normal(ks[0], (N, D_IN), dtype=jnp.float32)
    edge_index = jax.random.randint(ks[1], (2, E), 0, N)
    W1 = jax.random.normal(ks[2], (D_IN, D_H), dtype=jnp.float32) * (1.0 / np.sqrt(D_IN))
    b1 = jnp.zeros((D_H,), dtype=jnp.float32)
    W2 = jax.random.normal(ks[3], (D_H, D_H), dtype=jnp.float32) * (1.0 / np.sqrt(D_H))
    b2 = jnp.zeros((D_H,), dtype=jnp.float32)
    W3 = jax.random.normal(ks[4], (D_H, D_IN), dtype=jnp.float32) * (1.0 / np.sqrt(D_H))
    b3 = jnp.zeros((D_IN,), dtype=jnp.float32)
    return {"x": x, "edge_index": edge_index, "is_test": 0,
            "W1": W1, "b1": b1, "W2": W2, "b2": b2, "W3": W3, "b3": b3}


def _gcn_conv(x, src, dst, W, b):
    # GCNConv: linear transform, symmetric-normalized scatter-add aggregation
    h = x @ W
    deg = jnp.zeros((N,), jnp.float32).at[dst].add(1.0)
    dinv = jnp.where(deg > 0, deg ** -0.5, 0.0)
    norm = dinv[src] * dinv[dst]
    msgs = h[src] * norm[:, None]
    out = jnp.zeros((N, h.shape[1]), jnp.float32).at[dst].add(msgs)
    return out + b


def reference(x, edge_index, is_test, W1, b1, W2, b2, W3, b3):
    # add self-loops (GCNConv default)
    loops = jnp.arange(N, dtype=edge_index.dtype)
    src = jnp.concatenate([edge_index[0], loops])
    dst = jnp.concatenate([edge_index[1], loops])
    h = jax.nn.relu(_gcn_conv(x, src, dst, W1, b1))
    h = _gcn_conv(h, src, dst, W2, b2)
    # is_test=0 -> training path (no noise injection)
    h = jax.nn.relu(h)
    out = _gcn_conv(h, src, dst, W3, b3)
    return out

if __name__ == "__main__":
    import jax
    _d = setup_inputs()
    print(jax.jit(kernel)(*tuple(_d.values())))

</pallas_src>

<mosaic_0001>
#map = affine_map<(d0, d1) -> (0, 0)>
module attributes {stable_mosaic.version = 14 : i64} {
  func.func @_agg_kernel(%arg0: i32, %arg1: i32, %arg2: memref<2560x128xi32, #tpu.memory_space<hbm>>, %arg3: memref<2560x128xi32, #tpu.memory_space<hbm>>, %arg4: memref<10240x64xf32, #tpu.memory_space<hbm>>, %arg5: memref<20480x64xf32, #tpu.memory_space<hbm>>, %arg6: memref<80x128xi32, #tpu.memory_space<vmem>>, %arg7: memref<80x128xi32, #tpu.memory_space<vmem>>, %arg8: memref<128x64xf32, #tpu.memory_space<vmem>>, %arg9: memref<128x64xf32, #tpu.memory_space<vmem>>, %arg10: memref<128x64xf32, #tpu.memory_space<vmem>>, %arg11: memref<10240x64xf32, #tpu.memory_space<vmem_shared>>, %arg12: memref<!tpu.dma_semaphore, #tpu.memory_space<semaphore_mem>>, %arg13: memref<!tpu.dma_semaphore, #tpu.memory_space<semaphore_mem>>) attributes {dimension_semantics = [#tpu.dimension_semantics<core_parallel>, #tpu.dimension_semantics<subcore_parallel>], iteration_bounds = array<i64: 2, 16>, scalar_prefetch = 0 : i64, scratch_operands = 8 : i64, tpu.core_type = #tpu.core_type<sc_vector_subcore>, window_params = [{transform_indices = #map}, {transform_indices = #map}, {transform_indices = #map}, {transform_indices = #map}]} {
    %mul3A = arith.constant 2 : i32
    %mul3A_0 = arith.muli %arg1, %mul3A : i32
    %add3A = arith.addi %mul3A_0, %arg0 : i32
    %broadcast_in_dim3A = arith.constant 0.000000e+00 : f32
    %broadcast_in_dim3A_1 = vector.broadcast %broadcast_in_dim3A : f32 to vector<16xf32>
    %scan3A = arith.constant 0 : i32
    %scan3A_2 = arith.constant 128 : i32
    %scan3A_3 = arith.addi %scan3A, %scan3A_2 : i32
    %scan3A_4 = arith.constant 1 : i32
    scf.for %scan3A_58 = %scan3A to %scan3A_3 step %scan3A_4  : i32 {
      %mul3A_59 = arith.constant 1 : i32
      %mul3A_60 = arith.muli %scan3A_58, %mul3A_59 : i32
      %add3A_61 = arith.constant 0 : i32
      %add3A_62 = arith.addi %add3A_61, %mul3A_60 : i32
      %swap3A = arith.index_cast %add3A_62 : i32 to index
      %swap3A_63 = arith.constant 0 : index
      %swap3A_64 = tpu.vector_load %arg10[%swap3A, %swap3A_63] {strides = array<i32>} : memref<128x64xf32, #tpu.memory_space<vmem>>, vector<1x16xf32>,
      %swap3A_65 = vector.shape_cast %swap3A_64 : vector<1x16xf32> to vector<16xf32>
      %swap3A_66 = vector.shape_cast %broadcast_in_dim3A_1 : vector<16xf32> to vector<1x16xf32>
      tpu.vector_store %arg10[%swap3A, %swap3A_63], %swap3A_66 {strides = array<i32>} : memref<128x64xf32, #tpu.memory_space<vmem>>, vector<1x16xf32>,
      %swap3A_67 = arith.index_cast %add3A_62 : i32 to index
      %swap3A_68 = arith.constant 16 : index
      %swap3A_69 = tpu.vector_load %arg10[%swap3A_67, %swap3A_68] {strides = array<i32>} : memref<128x64xf32, #tpu.memory_space<vmem>>, vector<1x16xf32>,
      %swap3A_70 = vector.shape_cast %swap3A_69 : vector<1x16xf32> to vector<16xf32>
      %swap3A_71 = vector.shape_cast %broadcast_in_dim3A_1 : vector<16xf32> to vector<1x16xf32>
      tpu.vector_store %arg10[%swap3A_67, %swap3A_68], %swap3A_71 {strides = array<i32>} : memref<128x64xf32, #tpu.memory_space<vmem>>, vector<1x16xf32>,
      %swap3A_72 = arith.index_cast %add3A_62 : i32 to index
      %swap3A_73 = arith.constant 32 : index
      %swap3A_74 = tpu.vector_load %arg10[%swap3A_72, %swap3A_73] {strides = array<i32>} : memref<128x64xf32, #tpu.memory_space<vmem>>, vector<1x16xf32>,
      %swap3A_75 = vector.shape_cast %swap3A_74 : vector<1x16xf32> to vector<16xf32>
      %swap3A_76 = vector.shape_cast %broadcast_in_dim3A_1 : vector<16xf32> to vector<1x16xf32>
      tpu.vector_store %arg10[%swap3A_72, %swap3A_73], %swap3A_76 {strides = array<i32>} : memref<128x64xf32, #tpu.memory_space<vmem>>, vector<1x16xf32>,
      %swap3A_77 = arith.index_cast %add3A_62 : i32 to index
      %swap3A_78 = arith.constant 48 : index
      %swap3A_79 = tpu.vector_load %arg10[%swap3A_77, %swap3A_78] {strides = array<i32>} : memref<128x64xf32, #tpu.memory_space<vmem>>, vector<1x16xf32>,
      %swap3A_80 = vector.shape_cast %swap3A_79 : vector<1x16xf32> to vector<16xf32>
      %swap3A_81 = vector.shape_cast %broadcast_in_dim3A_1 : vector<16xf32> to vector<1x16xf32>
      tpu.vector_store %arg10[%swap3A_77, %swap3A_78], %swap3A_81 {strides = array<i32>} : memref<128x64xf32, #tpu.memory_space<vmem>>, vector<1x16xf32>,
    }
    %scan3A_5 = arith.constant 128 : i32
    %mul3A_6 = arith.constant 640 : i32
    %mul3A_7 = arith.muli %arg1, %mul3A_6 : i32
    %add3A_8 = arith.constant 0 : i32
    %add3A_9 = arith.addi %mul3A_7, %add3A_8 : i32
    "tpu.region"() ({
      %run_scoped3A_58 = tpu.sem_alloc : memref<!tpu.dma_semaphore, #tpu.memory_space<semaphore_mem>>
      %dma_start3A_59 = arith.constant 0 : i32
      %dma_start3A_60 = tpu.memref_slice %arg11[%add3A_9, %dma_start3A_59] : memref<10240x64xf32, #tpu.memory_space<vmem_shared>> -> memref<128x64xf32, #tpu.memory_space<vmem_shared>>
      %dma_start3A_61 = arith.constant 0 : i32
      %dma_start3A_62 = tpu.memref_slice %arg11[%add3A_9, %dma_start3A_61] : memref<10240x64xf32, #tpu.memory_space<vmem_shared>> -> memref<128x64xf32, #tpu.memory_space<vmem_shared>>
      tpu.enqueue_dma source(%arg10 : memref<128x64xf32, #tpu.memory_space<vmem>>) target(%dma_start3A_62 : memref<128x64xf32, #tpu.memory_space<vmem_shared>>) target_semaphore(%run_scoped3A_58 : memref<!tpu.dma_semaphore, #tpu.memory_space<semaphore_mem>>)
      %dma_wait3A_63 = arith.constant 0 : i32
      %dma_wait3A_64 = tpu.memref_slice %arg11[%add3A_9, %dma_wait3A_63] : memref<10240x64xf32, #tpu.memory_space<vmem_shared>> -> memref<128x64xf32, #tpu.memory_space<vmem_shared>>
      %dma_wait3A_65 = arith.constant 0 : i32
      %dma_wait3A_66 = tpu.memref_slice %arg11[%add3A_9, %dma_wait3A_65] : memref<10240x64xf32, #tpu.memory_space<vmem_shared>> -> memref<128x64xf32, #tpu.memory_space<vmem_shared>>
      tpu.wait_dma2 semaphore(%run_scoped3A_58 : memref<!tpu.dma_semaphore, #tpu.memory_space<semaphore_mem>>) src(%arg10 : memref<128x64xf32, #tpu.memory_space<vmem>>) dst(%dma_wait3A_66 : memref<128x64xf32, #tpu.memory_space<vmem_shared>>)
      tpu.yield
    }) : () -> ()
    %add3A_10 = arith.constant 128 : i32
    %add3A_11 = arith.addi %mul3A_7, %add3A_10 : i32
    "tpu.region"() ({
      %run_scoped3A_58 = tpu.sem_alloc : memref<!tpu.dma_semaphore, #tpu.memory_space<semaphore_mem>>
      %dma_start3A_59 = arith.constant 0 : i32
      %dma_start3A_60 = tpu.memref_slice %arg11[%add3A_11, %dma_start3A_59] : memref<10240x64xf32, #tpu.memory_space<vmem_shared>> -> memref<128x64xf32, #tpu.memory_space<vmem_shared>>
      %dma_start3A_61 = arith.constant 0 : i32
      %dma_start3A_62 = tpu.memref_slice %arg11[%add3A_11, %dma_start3A_61] : memref<10240x64xf32, #tpu.memory_space<vmem_shared>> -> memref<128x64xf32, #tpu.memory_space<vmem_shared>>
      tpu.enqueue_dma source(%arg10 : memref<128x64xf32, #tpu.memory_space<vmem>>) target(%dma_start3A_62 : memref<128x64xf32, #tpu.memory_space<vmem_shared>>) target_semaphore(%run_scoped3A_58 : memref<!tpu.dma_semaphore, #tpu.memory_space<semaphore_mem>>)
      %dma_wait3A_63 = arith.constant 0 : i32
      %dma_wait3A_64 = tpu.memref_slice %arg11[%add3A_11, %dma_wait3A_63] : memref<10240x64xf32, #tpu.memory_space<vmem_shared>> -> memref<128x64xf32, #tpu.memory_space<vmem_shared>>
      %dma_wait3A_65 = arith.constant 0 : i32
      %dma_wait3A_66 = tpu.memref_slice %arg11[%add3A_11, %dma_wait3A_65] : memref<10240x64xf32, #tpu.memory_space<vmem_shared>> -> memref<128x64xf32, #tpu.memory_space<vmem_shared>>
      tpu.wait_dma2 semaphore(%run_scoped3A_58 : memref<!tpu.dma_semaphore, #tpu.memory_space<semaphore_mem>>) src(%arg10 : memref<128x64xf32, #tpu.memory_space<vmem>>) dst(%dma_wait3A_66 : memref<128x64xf32, #tpu.memory_space<vmem_shared>>)
      tpu.yield
    }) : () -> ()
    %add3A_12 = arith.constant 256 : i32
    %add3A_13 = arith.addi %mul3A_7, %add3A_12 : i32
    "tpu.region"() ({
      %run_scoped3A_58 = tpu.sem_alloc : memref<!tpu.dma_semaphore, #tpu.memory_space<semaphore_mem>>
      %dma_start3A_59 = arith.constant 0 : i32
      %dma_start3A_60 = tpu.memref_slice %arg11[%add3A_13, %dma_start3A_59] : memref<10240x64xf32, #tpu.memory_space<vmem_shared>> -> memref<128x64xf32, #tpu.memory_space<vmem_shared>>
      %dma_start3A_61 = arith.constant 0 : i32
      %dma_start3A_62 = tpu.memref_slice %arg11[%add3A_13, %dma_start3A_61] : memref<10240x64xf32, #tpu.memory_space<vmem_shared>> -> memref<128x64xf32, #tpu.memory_space<vmem_shared>>
      tpu.enqueue_dma source(%arg10 : memref<128x64xf32, #tpu.memory_space<vmem>>) target(%dma_start3A_62 : memref<128x64xf32, #tpu.memory_space<vmem_shared>>) target_semaphore(%run_scoped3A_58 : memref<!tpu.dma_semaphore, #tpu.memory_space<semaphore_mem>>)
      %dma_wait3A_63 = arith.constant 0 : i32
      %dma_wait3A_64 = tpu.memref_slice %arg11[%add3A_13, %dma_wait3A_63] : memref<10240x64xf32, #tpu.memory_space<vmem_shared>> -> memref<128x64xf32, #tpu.memory_space<vmem_shared>>
      %dma_wait3A_65 = arith.constant 0 : i32
      %dma_wait3A_66 = tpu.memref_slice %arg11[%add3A_13, %dma_wait3A_65] : memref<10240x64xf32, #tpu.memory_space<vmem_shared>> -> memref<128x64xf32, #tpu.memory_space<vmem_shared>>
      tpu.wait_dma2 semaphore(%run_scoped3A_58 : memref<!tpu.dma_semaphore, #tpu.memory_space<semaphore_mem>>) src(%arg10 : memref<128x64xf32, #tpu.memory_space<vmem>>) dst(%dma_wait3A_66 : memref<128x64xf32, #tpu.memory_space<vmem_shared>>)
      tpu.yield
    }) : () -> ()
    %add3A_14 = arith.constant 384 : i32
    %add3A_15 = arith.addi %mul3A_7, %add3A_14 : i32
    "tpu.region"() ({
      %run_scoped3A_58 = tpu.sem_alloc : memref<!tpu.dma_semaphore, #tpu.memory_space<semaphore_mem>>
      %dma_start3A_59 = arith.constant 0 : i32
      %dma_start3A_60 = tpu.memref_slice %arg11[%add3A_15, %dma_start3A_59] : memref<10240x64xf32, #tpu.memory_space<vmem_shared>> -> memref<128x64xf32, #tpu.memory_space<vmem_shared>>
      %dma_start3A_61 = arith.constant 0 : i32
      %dma_start3A_62 = tpu.memref_slice %arg11[%add3A_15, %dma_start3A_61] : memref<10240x64xf32, #tpu.memory_space<vmem_shared>> -> memref<128x64xf32, #tpu.memory_space<vmem_shared>>
      tpu.enqueue_dma source(%arg10 : memref<128x64xf32, #tpu.memory_space<vmem>>) target(%dma_start3A_62 : memref<128x64xf32, #tpu.memory_space<vmem_shared>>) target_semaphore(%run_scoped3A_58 : memref<!tpu.dma_semaphore, #tpu.memory_space<semaphore_mem>>)
      %dma_wait3A_63 = arith.constant 0 : i32
      %dma_wait3A_64 = tpu.memref_slice %arg11[%add3A_15, %dma_wait3A_63] : memref<10240x64xf32, #tpu.memory_space<vmem_shared>> -> memref<128x64xf32, #tpu.memory_space<vmem_shared>>
      %dma_wait3A_65 = arith.constant 0 : i32
      %dma_wait3A_66 = tpu.memref_slice %arg11[%add3A_15, %dma_wait3A_65] : memref<10240x64xf32, #tpu.memory_space<vmem_shared>> -> memref<128x64xf32, #tpu.memory_space<vmem_shared>>
      tpu.wait_dma2 semaphore(%run_scoped3A_58 : memref<!tpu.dma_semaphore, #tpu.memory_space<semaphore_mem>>) src(%arg10 : memref<128x64xf32, #tpu.memory_space<vmem>>) dst(%dma_wait3A_66 : memref<128x64xf32, #tpu.memory_space<vmem_shared>>)
      tpu.yield
    }) : () -> ()
    %add3A_16 = arith.constant 512 : i32
    %add3A_17 = arith.addi %mul3A_7, %add3A_16 : i32
    "tpu.region"() ({
      %run_scoped3A_58 = tpu.sem_alloc : memref<!tpu.dma_semaphore, #tpu.memory_space<semaphore_mem>>
      %dma_start3A_59 = arith.constant 0 : i32
      %dma_start3A_60 = tpu.memref_slice %arg11[%add3A_17, %dma_start3A_59] : memref<10240x64xf32, #tpu.memory_space<vmem_shared>> -> memref<128x64xf32, #tpu.memory_space<vmem_shared>>
      %dma_start3A_61 = arith.constant 0 : i32
      %dma_start3A_62 = tpu.memref_slice %arg11[%add3A_17, %dma_start3A_61] : memref<10240x64xf32, #tpu.memory_space<vmem_shared>> -> memref<128x64xf32, #tpu.memory_space<vmem_shared>>
      tpu.enqueue_dma source(%arg10 : memref<128x64xf32, #tpu.memory_space<vmem>>) target(%dma_start3A_62 : memref<128x64xf32, #tpu.memory_space<vmem_shared>>) target_semaphore(%run_scoped3A_58 : memref<!tpu.dma_semaphore, #tpu.memory_space<semaphore_mem>>)
      %dma_wait3A_63 = arith.constant 0 : i32
      %dma_wait3A_64 = tpu.memref_slice %arg11[%add3A_17, %dma_wait3A_63] : memref<10240x64xf32, #tpu.memory_space<vmem_shared>> -> memref<128x64xf32, #tpu.memory_space<vmem_shared>>
      %dma_wait3A_65 = arith.constant 0 : i32
      %dma_wait3A_66 = tpu.memref_slice %arg11[%add3A_17, %dma_wait3A_65] : memref<10240x64xf32, #tpu.memory_space<vmem_shared>> -> memref<128x64xf32, #tpu.memory_space<vmem_shared>>
      tpu.wait_dma2 semaphore(%run_scoped3A_58 : memref<!tpu.dma_semaphore, #tpu.memory_space<semaphore_mem>>) src(%arg10 : memref<128x64xf32, #tpu.memory_space<vmem>>) dst(%dma_wait3A_66 : memref<128x64xf32, #tpu.memory_space<vmem_shared>>)
      tpu.yield
    }) : () -> ()
    %barrier3A = arith.constant 0 : index
    tpu.barrier barrier_id(%barrier3A)
    %mul3A_18 = arith.constant 80 : i32
    %mul3A_19 = arith.muli %add3A, %mul3A_18 : i32
    "tpu.region"() ({
      %run_scoped3A_58 = tpu.sem_alloc : memref<!tpu.dma_semaphore, #tpu.memory_space<semaphore_mem>>
      %dma_start3A_59 = arith.constant 0 : i32
      %dma_start3A_60 = tpu.memref_slice %arg2[%mul3A_19, %dma_start3A_59] : memref<2560x128xi32, #tpu.memory_space<hbm>> -> memref<80x128xi32, #tpu.memory_space<hbm>>
      %dma_start3A_61 = arith.constant 0 : i32
      %dma_start3A_62 = tpu.memref_slice %arg2[%mul3A_19, %dma_start3A_61] : memref<2560x128xi32, #tpu.memory_space<hbm>> -> memref<80x128xi32, #tpu.memory_space<hbm>>
      tpu.enqueue_dma source(%dma_start3A_62 : memref<80x128xi32, #tpu.memory_space<hbm>>) target(%arg6 : memref<80x128xi32, #tpu.memory_space<vmem>>) target_semaphore(%run_scoped3A_58 : memref<!tpu.dma_semaphore, #tpu.memory_space<semaphore_mem>>)
      %dma_wait3A_63 = arith.constant 0 : i32
      %dma_wait3A_64 = tpu.memref_slice %arg2[%mul3A_19, %dma_wait3A_63] : memref<2560x128xi32, #tpu.memory_space<hbm>> -> memref<80x128xi32, #tpu.memory_space<hbm>>
      %dma_wait3A_65 = arith.constant 0 : i32
      %dma_wait3A_66 = tpu.memref_slice %arg2[%mul3A_19, %dma_wait3A_65] : memref<2560x128xi32, #tpu.memory_space<hbm>> -> memref<80x128xi32, #tpu.memory_space<hbm>>
      tpu.wait_dma2 semaphore(%run_scoped3A_58 : memref<!tpu.dma_semaphore, #tpu.memory_space<semaphore_mem>>) src(%dma_wait3A_66 : memref<80x128xi32, #tpu.memory_space<hbm>>) dst(%arg6 : memref<80x128xi32, #tpu.memory_space<vmem>>)
      tpu.yield
    }) : () -> ()
    %mul3A_20 = arith.constant 80 : i32
    %mul3A_21 = arith.muli %add3A, %mul3A_20 : i32
    "tpu.region"() ({
      %run_scoped3A_58 = tpu.sem_alloc : memref<!tpu.dma_semaphore, #tpu.memory_space<semaphore_mem>>
      %dma_start3A_59 = arith.constant 0 : i32
      %dma_start3A_60 = tpu.memref_slice %arg3[%mul3A_21, %dma_start3A_59] : memref<2560x128xi32, #tpu.memory_space<hbm>> -> memref<80x128xi32, #tpu.memory_space<hbm>>
      %dma_start3A_61 = arith.constant 0 : i32
      %dma_start3A_62 = tpu.memref_slice %arg3[%mul3A_21, %dma_start3A_61] : memref<2560x128xi32, #tpu.memory_space<hbm>> -> memref<80x128xi32, #tpu.memory_space<hbm>>
      tpu.enqueue_dma source(%dma_start3A_62 : memref<80x128xi32, #tpu.memory_space<hbm>>) target(%arg7 : memref<80x128xi32, #tpu.memory_space<vmem>>) target_semaphore(%run_scoped3A_58 : memref<!tpu.dma_semaphore, #tpu.memory_space<semaphore_mem>>)
      %dma_wait3A_63 = arith.constant 0 : i32
      %dma_wait3A_64 = tpu.memref_slice %arg3[%mul3A_21, %dma_wait3A_63] : memref<2560x128xi32, #tpu.memory_space<hbm>> -> memref<80x128xi32, #tpu.memory_space<hbm>>
      %dma_wait3A_65 = arith.constant 0 : i32
      %dma_wait3A_66 = tpu.memref_slice %arg3[%mul3A_21, %dma_wait3A_65] : memref<2560x128xi32, #tpu.memory_space<hbm>> -> memref<80x128xi32, #tpu.memory_space<hbm>>
      tpu.wait_dma2 semaphore(%run_scoped3A_58 : memref<!tpu.dma_semaphore, #tpu.memory_space<semaphore_mem>>) src(%dma_wait3A_66 : memref<80x128xi32, #tpu.memory_space<hbm>>) dst(%arg7 : memref<80x128xi32, #tpu.memory_space<vmem>>)
      tpu.yield
    }) : () -> ()
    %dma_start3A = arith.constant 0 : i32
    %dma_start3A_22 = arith.constant 0 : i32
    %dma_start3A_23 = tpu.memref_slice %arg6[%dma_start3A, %dma_start3A_22] : memref<80x128xi32, #tpu.memory_space<vmem>> -> memref<1x128xi32, #tpu.memory_space<vmem>>
    %dma_start3A_24 = tpu.memref_squeeze %dma_start3A_23 : memref<1x128xi32, #tpu.memory_space<vmem>> -> memref<128xi32, #tpu.memory_space<vmem>>
    %dma_start3A_25 = arith.constant 0 : i32
    %dma_start3A_26 = arith.constant 0 : i32
    %dma_start3A_27 = tpu.memref_slice %arg4[%dma_start3A_25, %dma_start3A_26] : memref<10240x64xf32, #tpu.memory_space<hbm>> -> memref<10240x64xf32, #tpu.memory_space<hbm>>
    tpu.enqueue_indirect_dma source(%dma_start3A_27 : memref<10240x64xf32, #tpu.memory_space<hbm>>) target(%arg8 : memref<128x64xf32, #tpu.memory_space<vmem>>) offsets(%dma_start3A_24 : memref<128xi32, #tpu.memory_space<vmem>>) semaphore(%arg12 : memref<!tpu.dma_semaphore, #tpu.memory_space<semaphore_mem>>)
    %dma_start3A_28 = arith.constant 1 : i32
    %dma_start3A_29 = arith.constant 0 : i32
    %dma_start3A_30 = tpu.memref_slice %arg6[%dma_start3A_28, %dma_start3A_29] : memref<80x128xi32, #tpu.memory_space<vmem>> -> memref<1x128xi32, #tpu.memory_space<vmem>>
    %dma_start3A_31 = tpu.memref_squeeze %dma_start3A_30 : memref<1x128xi32, #tpu.memory_space<vmem>> -> memref<128xi32, #tpu.memory_space<vmem>>
    %dma_start3A_32 = arith.constant 0 : i32
    %dma_start3A_33 = arith.constant 0 : i32
    %dma_start3A_34 = tpu.memref_slice %arg4[%dma_start3A_32, %dma_start3A_33] : memref<10240x64xf32, #tpu.memory_space<hbm>> -> memref<10240x64xf32, #tpu.memory_space<hbm>>
    tpu.enqueue_indirect_dma source(%dma_start3A_34 : memref<10240x64xf32, #tpu.memory_space<hbm>>) target(%arg9 : memref<128x64xf32, #tpu.memory_space<vmem>>) offsets(%dma_start3A_31 : memref<128xi32, #tpu.memory_space<vmem>>) semaphore(%arg13 : memref<!tpu.dma_semaphore, #tpu.memory_space<semaphore_mem>>)
    %scan3A_35 = arith.constant 0 : i32
    %scan3A_36 = arith.constant 39 : i32
    %scan3A_37 = arith.addi %scan3A_35, %scan3A_36 : i32
    %scan3A_38 = arith.constant 1 : i32
    scf.for %scan3A_58 = %scan3A_35 to %scan3A_37 step %scan3A_38  : i32 {
      %mul3A_59 = arith.constant 2 : i32
      %mul3A_60 = arith.muli %scan3A_58, %mul3A_59 : i32
      %add3A_61 = arith.constant 0 : i32
      %add3A_62 = arith.addi %add3A_61, %mul3A_60 : i32
      %dma_wait3A_63 = arith.constant 0 : i32
      %dma_wait3A_64 = arith.constant 0 : i32
      %dma_wait3A_65 = tpu.memref_slice %arg6[%dma_wait3A_63, %dma_wait3A_64] : memref<80x128xi32, #tpu.memory_space<vmem>> -> memref<1x128xi32, #tpu.memory_space<vmem>>
      %dma_wait3A_66 = tpu.memref_squeeze %dma_wait3A_65 : memref<1x128xi32, #tpu.memory_space<vmem>> -> memref<128xi32, #tpu.memory_space<vmem>>
      %dma_wait3A_67 = arith.constant 0 : i32
      %dma_wait3A_68 = arith.constant 0 : i32
      %dma_wait3A_69 = tpu.memref_slice %arg4[%dma_wait3A_67, %dma_wait3A_68] : memref<10240x64xf32, #tpu.memory_space<hbm>> -> memref<10240x64xf32, #tpu.memory_space<hbm>>
      tpu.wait_indirect_dma semaphore(%arg12 : memref<!tpu.dma_semaphore, #tpu.memory_space<semaphore_mem>>) src(%dma_wait3A_69 : memref<10240x64xf32, #tpu.memory_space<hbm>>) dst(%arg8 : memref<128x64xf32, #tpu.memory_space<vmem>>)
      "tpu.region"() ({
        %run_scoped3A_95 = tpu.sem_alloc : memref<!tpu.dma_semaphore, #tpu.memory_space<semaphore_mem>>
        %dma_start3A_96 = arith.constant 0 : i32
        %dma_start3A_97 = tpu.memref_slice %arg7[%add3A_62, %dma_start3A_96] : memref<80x128xi32, #tpu.memory_space<vmem>> -> memref<1x128xi32, #tpu.memory_space<vmem>>
        %dma_start3A_98 = tpu.memref_squeeze %dma_start3A_97 : memref<1x128xi32, #tpu.memory_space<vmem>> -> memref<128xi32, #tpu.memory_space<vmem>>
        %dma_start3A_99 = arith.constant 0 : i32
        %dma_start3A_100 = arith.constant 0 : i32
        %dma_start3A_101 = tpu.memref_slice %arg11[%dma_start3A_99, %dma_start3A_100] : memref<10240x64xf32, #tpu.memory_space<vmem_shared>> -> memref<10240x64xf32, #tpu.memory_space<vmem_shared>>
        tpu.enqueue_indirect_dma source(%arg8 : memref<128x64xf32, #tpu.memory_space<vmem>>) target(%dma_start3A_101 : memref<10240x64xf32, #tpu.memory_space<vmem_shared>>) offsets(%dma_start3A_98 : memref<128xi32, #tpu.memory_space<vmem>>) semaphore(%run_scoped3A_95 : memref<!tpu.dma_semaphore, #tpu.memory_space<semaphore_mem>>) {add = true}
        %dma_wait3A_102 = arith.constant 0 : i32
        %dma_wait3A_103 = tpu.memref_slice %arg7[%add3A_62, %dma_wait3A_102] : memref<80x128xi32, #tpu.memory_space<vmem>> -> memref<1x128xi32, #tpu.memory_space<vmem>>
        %dma_wait3A_104 = tpu.memref_squeeze %dma_wait3A_103 : memref<1x128xi32, #tpu.memory_space<vmem>> -> memref<128xi32, #tpu.memory_space<vmem>>
        %dma_wait3A_105 = arith.constant 0 : i32
        %dma_wait3A_106 = arith.constant 0 : i32
        %dma_wait3A_107 = tpu.memref_slice %arg11[%dma_wait3A_105, %dma_wait3A_106] : memref<10240x64xf32, #tpu.memory_space<vmem_shared>> -> memref<10240x64xf32, #tpu.memory_space<vmem_shared>>
        tpu.wait_indirect_dma semaphore(%run_scoped3A_95 : memref<!tpu.dma_semaphore, #tpu.memory_space<semaphore_mem>>) src(%arg8 : memref<128x64xf32, #tpu.memory_space<vmem>>) dst(%dma_wait3A_107 : memref<10240x64xf32, #tpu.memory_space<vmem_shared>>)
        tpu.yield
      }) : () -> ()
      %add3A_70 = arith.constant 2 : i32
      %add3A_71 = arith.addi %add3A_62, %add3A_70 : i32
      %dma_start3A_72 = arith.constant 0 : i32
      %dma_start3A_73 = tpu.memref_slice %arg6[%add3A_71, %dma_start3A_72] : memref<80x128xi32, #tpu.memory_space<vmem>> -> memref<1x128xi32, #tpu.memory_space<vmem>>
      %dma_start3A_74 = tpu.memref_squeeze %dma_start3A_73 : memref<1x128xi32, #tpu.memory_space<vmem>> -> memref<128xi32, #tpu.memory_space<vmem>>
      %dma_start3A_75 = arith.constant 0 : i32
      %dma_start3A_76 = arith.constant 0 : i32
      %dma_start3A_77 = tpu.memref_slice %arg4[%dma_start3A_75, %dma_start3A_76] : memref<10240x64xf32, #tpu.memory_space<hbm>> -> memref<10240x64xf32, #tpu.memory_space<hbm>>
      tpu.enqueue_indirect_dma source(%dma_start3A_77 : memref<10240x64xf32, #tpu.memory_space<hbm>>) target(%arg8 : memref<128x64xf32, #tpu.memory_space<vmem>>) offsets(%dma_start3A_74 : memref<128xi32, #tpu.memory_space<vmem>>) semaphore(%arg12 : memref<!tpu.dma_semaphore, #tpu.memory_space<semaphore_mem>>)
      %dma_wait3A_78 = arith.constant 0 : i32
      %dma_wait3A_79 = arith.constant 0 : i32
      %dma_wait3A_80 = tpu.memref_slice %arg6[%dma_wait3A_78, %dma_wait3A_79] : memref<80x128xi32, #tpu.memory_space<vmem>> -> memref<1x128xi32, #tpu.memory_space<vmem>>
      %dma_wait3A_81 = tpu.memref_squeeze %dma_wait3A_80 : memref<1x128xi32, #tpu.memory_space<vmem>> -> memref<128xi32, #tpu.memory_space<vmem>>
      %dma_wait3A_82 = arith.constant 0 : i32
      %dma_wait3A_83 = arith.constant 0 : i32
      %dma_wait3A_84 = tpu.memref_slice %arg4[%dma_wait3A_82, %dma_wait3A_83] : memref<10240x64xf32, #tpu.memory_space<hbm>> -> memref<10240x64xf32, #tpu.memory_space<hbm>>
      tpu.wait_indirect_dma semaphore(%arg13 : memref<!tpu.dma_semaphore, #tpu.memory_space<semaphore_mem>>) src(%dma_wait3A_84 : memref<10240x64xf32, #tpu.memory_space<hbm>>) dst(%arg9 : memref<128x64xf32, #tpu.memory_space<vmem>>)
      %add3A_85 = arith.constant 1 : i32
      %add3A_86 = arith.addi %add3A_62, %add3A_85 : i32
      "tpu.region"() ({
        %run_scoped3A_95 = tpu.sem_alloc : memref<!tpu.dma_semaphore, #tpu.memory_space<semaphore_mem>>
        %dma_start3A_96 = arith.constant 0 : i32
        %dma_start3A_97 = tpu.memref_slice %arg7[%add3A_86, %dma_start3A_96] : memref<80x128xi32, #tpu.memory_space<vmem>> -> memref<1x128xi32, #tpu.memory_space<vmem>>
        %dma_start3A_98 = tpu.memref_squeeze %dma_start3A_97 : memref<1x128xi32, #tpu.memory_space<vmem>> -> memref<128xi32, #tpu.memory_space<vmem>>
        %dma_start3A_99 = arith.constant 0 : i32
        %dma_start3A_100 = arith.constant 0 : i32
        %dma_start3A_101 = tpu.memref_slice %arg11[%dma_start3A_99, %dma_start3A_100] : memref<10240x64xf32, #tpu.memory_space<vmem_shared>> -> memref<10240x64xf32, #tpu.memory_space<vmem_shared>>
        tpu.enqueue_indirect_dma source(%arg9 : memref<128x64xf32, #tpu.memory_space<vmem>>) target(%dma_start3A_101 : memref<10240x64xf32, #tpu.memory_space<vmem_shared>>) offsets(%dma_start3A_98 : memref<128xi32, #tpu.memory_space<vmem>>) semaphore(%run_scoped3A_95 : memref<!tpu.dma_semaphore, #tpu.memory_space<semaphore_mem>>) {add = true}
        %dma_wait3A_102 = arith.constant 0 : i32
        %dma_wait3A_103 = tpu.memref_slice %arg7[%add3A_86, %dma_wait3A_102] : memref<80x128xi32, #tpu.memory_space<vmem>> -> memref<1x128xi32, #tpu.memory_space<vmem>>
        %dma_wait3A_104 = tpu.memref_squeeze %dma_wait3A_103 : memref<1x128xi32, #tpu.memory_space<vmem>> -> memref<128xi32, #tpu.memory_space<vmem>>
        %dma_wait3A_105 = arith.constant 0 : i32
        %dma_wait3A_106 = arith.constant 0 : i32
        %dma_wait3A_107 = tpu.memref_slice %arg11[%dma_wait3A_105, %dma_wait3A_106] : memref<10240x64xf32, #tpu.memory_space<vmem_shared>> -> memref<10240x64xf32, #tpu.memory_space<vmem_shared>>
        tpu.wait_indirect_dma semaphore(%run_scoped3A_95 : memref<!tpu.dma_semaphore, #tpu.memory_space<semaphore_mem>>) src(%arg9 : memref<128x64xf32, #tpu.memory_space<vmem>>) dst(%dma_wait3A_107 : memref<10240x64xf32, #tpu.memory_space<vmem_shared>>)
        tpu.yield
      }) : () -> ()
      %add3A_87 = arith.constant 3 : i32
      %add3A_88 = arith.addi %add3A_62, %add3A_87 : i32
      %dma_start3A_89 = arith.constant 0 : i32
      %dma_start3A_90 = tpu.memref_slice %arg6[%add3A_88, %dma_start3A_89] : memref<80x128xi32, #tpu.memory_space<vmem>> -> memref<1x128xi32, #tpu.memory_space<vmem>>
      %dma_start3A_91 = tpu.memref_squeeze %dma_start3A_90 : memref<1x128xi32, #tpu.memory_space<vmem>> -> memref<128xi32, #tpu.memory_space<vmem>>
      %dma_start3A_92 = arith.constant 0 : i32
      %dma_start3A_93 = arith.constant 0 : i32
      %dma_start3A_94 = tpu.memref_slice %arg4[%dma_start3A_92, %dma_start3A_93] : memref<10240x64xf32, #tpu.memory_space<hbm>> -> memref<10240x64xf32, #tpu.memory_space<hbm>>
      tpu.enqueue_indirect_dma source(%dma_start3A_94 : memref<10240x64xf32, #tpu.memory_space<hbm>>) target(%arg9 : memref<128x64xf32, #tpu.memory_space<vmem>>) offsets(%dma_start3A_91 : memref<128xi32, #tpu.memory_space<vmem>>) semaphore(%arg13 : memref<!tpu.dma_semaphore, #tpu.memory_space<semaphore_mem>>)
    }
    %scan3A_39 = arith.constant 39 : i32
    %dma_wait3A = arith.constant 0 : i32
    %dma_wait3A_40 = arith.constant 0 : i32
    %dma_wait3A_41 = tpu.memref_slice %arg6[%dma_wait3A, %dma_wait3A_40] : memref<80x128xi32, #tpu.memory_space<vmem>> -> memref<1x128xi32, #tpu.memory_space<vmem>>
    %dma_wait3A_42 = tpu.memref_squeeze %dma_wait3A_41 : memref<1x128xi32, #tpu.memory_space<vmem>> -> memref<128xi32, #tpu.memory_space<vmem>>
    %dma_wait3A_43 = arith.constant 0 : i32
    %dma_wait3A_44 = arith.constant 0 : i32
    %dma_wait3A_45 = tpu.memref_slice %arg4[%dma_wait3A_43, %dma_wait3A_44] : memref<10240x64xf32, #tpu.memory_space<hbm>> -> memref<10240x64xf32, #tpu.memory_space<hbm>>
    tpu.wait_indirect_dma semaphore(%arg12 : memref<!tpu.dma_semaphore, #tpu.memory_space<semaphore_mem>>) src(%dma_wait3A_45 : memref<10240x64xf32, #tpu.memory_space<hbm>>) dst(%arg8 : memref<128x64xf32, #tpu.memory_space<vmem>>)
    %run_scoped3A = arith.constant 78 : i32
    "tpu.region"() ({
      %run_scoped3A_58 = tpu.sem_alloc : memref<!tpu.dma_semaphore, #tpu.memory_space<semaphore_mem>>
      %dma_start3A_59 = arith.constant 0 : i32
      %dma_start3A_60 = tpu.memref_slice %arg7[%run_scoped3A, %dma_start3A_59] : memref<80x128xi32, #tpu.memory_space<vmem>> -> memref<1x128xi32, #tpu.memory_space<vmem>>
      %dma_start3A_61 = tpu.memref_squeeze %dma_start3A_60 : memref<1x128xi32, #tpu.memory_space<vmem>> -> memref<128xi32, #tpu.memory_space<vmem>>
      %dma_start3A_62 = arith.constant 0 : i32
      %dma_start3A_63 = arith.constant 0 : i32
      %dma_start3A_64 = tpu.memref_slice %arg11[%dma_start3A_62, %dma_start3A_63] : memref<10240x64xf32, #tpu.memory_space<vmem_shared>> -> memref<10240x64xf32, #tpu.memory_space<vmem_shared>>
      tpu.enqueue_indirect_dma source(%arg8 : memref<128x64xf32, #tpu.memory_space<vmem>>) target(%dma_start3A_64 : memref<10240x64xf32, #tpu.memory_space<vmem_shared>>) offsets(%dma_start3A_61 : memref<128xi32, #tpu.memory_space<vmem>>) semaphore(%run_scoped3A_58 : memref<!tpu.dma_semaphore, #tpu.memory_space<semaphore_mem>>) {add = true}
      %dma_wait3A_65 = arith.constant 0 : i32
      %dma_wait3A_66 = tpu.memref_slice %arg7[%run_scoped3A, %dma_wait3A_65] : memref<80x128xi32, #tpu.memory_space<vmem>> -> memref<1x128xi32, #tpu.memory_space<vmem>>
      %dma_wait3A_67 = tpu.memref_squeeze %dma_wait3A_66 : memref<1x128xi32, #tpu.memory_space<vmem>> -> memref<128xi32, #tpu.memory_space<vmem>>
      %dma_wait3A_68 = arith.constant 0 : i32
      %dma_wait3A_69 = arith.constant 0 : i32
      %dma_wait3A_70 = tpu.memref_slice %arg11[%dma_wait3A_68, %dma_wait3A_69] : memref<10240x64xf32, #tpu.memory_space<vmem_shared>> -> memref<10240x64xf32, #tpu.memory_space<vmem_shared>>
      tpu.wait_indirect_dma semaphore(%run_scoped3A_58 : memref<!tpu.dma_semaphore, #tpu.memory_space<semaphore_mem>>) src(%arg8 : memref<128x64xf32, #tpu.memory_space<vmem>>) dst(%dma_wait3A_70 : memref<10240x64xf32, #tpu.memory_space<vmem_shared>>)
      tpu.yield
    }) : () -> ()
    %dma_wait3A_46 = arith.constant 0 : i32
    %dma_wait3A_47 = arith.constant 0 : i32
    %dma_wait3A_48 = tpu.memref_slice %arg6[%dma_wait3A_46, %dma_wait3A_47] : memref<80x128xi32, #tpu.memory_space<vmem>> -> memref<1x128xi32, #tpu.memory_space<vmem>>
    %dma_wait3A_49 = tpu.memref_squeeze %dma_wait3A_48 : memref<1x128xi32, #tpu.memory_space<vmem>> -> memref<128xi32, #tpu.memory_space<vmem>>
    %dma_wait3A_50 = arith.constant 0 : i32
    %dma_wait3A_51 = arith.constant 0 : i32
    %dma_wait3A_52 = tpu.memref_slice %arg4[%dma_wait3A_50, %dma_wait3A_51] : memref<10240x64xf32, #tpu.memory_space<hbm>> -> memref<10240x64xf32, #tpu.memory_space<hbm>>
    tpu.wait_indirect_dma semaphore(%arg13 : memref<!tpu.dma_semaphore, #tpu.memory_space<semaphore_mem>>) src(%dma_wait3A_52 : memref<10240x64xf32, #tpu.memory_space<hbm>>) dst(%arg9 : memref<128x64xf32, #tpu.memory_space<vmem>>)
    %run_scoped3A_53 = arith.constant 79 : i32
    "tpu.region"() ({
      %run_scoped3A_58 = tpu.sem_alloc : memref<!tpu.dma_semaphore, #tpu.memory_space<semaphore_mem>>
      %dma_start3A_59 = arith.constant 0 : i32
      %dma_start3A_60 = tpu.memref_slice %arg7[%run_scoped3A_53, %dma_start3A_59] : memref<80x128xi32, #tpu.memory_space<vmem>> -> memref<1x128xi32, #tpu.memory_space<vmem>>
      %dma_start3A_61 = tpu.memref_squeeze %dma_start3A_60 : memref<1x128xi32, #tpu.memory_space<vmem>> -> memref<128xi32, #tpu.memory_space<vmem>>
      %dma_start3A_62 = arith.constant 0 : i32
      %dma_start3A_63 = arith.constant 0 : i32
      %dma_start3A_64 = tpu.memref_slice %arg11[%dma_start3A_62, %dma_start3A_63] : memref<10240x64xf32, #tpu.memory_space<vmem_shared>> -> memref<10240x64xf32, #tpu.memory_space<vmem_shared>>
      tpu.enqueue_indirect_dma source(%arg9 : memref<128x64xf32, #tpu.memory_space<vmem>>) target(%dma_start3A_64 : memref<10240x64xf32, #tpu.memory_space<vmem_shared>>) offsets(%dma_start3A_61 : memref<128xi32, #tpu.memory_space<vmem>>) semaphore(%run_scoped3A_58 : memref<!tpu.dma_semaphore, #tpu.memory_space<semaphore_mem>>) {add = true}
      %dma_wait3A_65 = arith.constant 0 : i32
      %dma_wait3A_66 = tpu.memref_slice %arg7[%run_scoped3A_53, %dma_wait3A_65] : memref<80x128xi32, #tpu.memory_space<vmem>> -> memref<1x128xi32, #tpu.memory_space<vmem>>
      %dma_wait3A_67 = tpu.memref_squeeze %dma_wait3A_66 : memref<1x128xi32, #tpu.memory_space<vmem>> -> memref<128xi32, #tpu.memory_space<vmem>>
      %dma_wait3A_68 = arith.constant 0 : i32
      %dma_wait3A_69 = arith.constant 0 : i32
      %dma_wait3A_70 = tpu.memref_slice %arg11[%dma_wait3A_68, %dma_wait3A_69] : memref<10240x64xf32, #tpu.memory_space<vmem_shared>> -> memref<10240x64xf32, #tpu.memory_space<vmem_shared>>
      tpu.wait_indirect_dma semaphore(%run_scoped3A_58 : memref<!tpu.dma_semaphore, #tpu.memory_space<semaphore_mem>>) src(%arg9 : memref<128x64xf32, #tpu.memory_space<vmem>>) dst(%dma_wait3A_70 : memref<10240x64xf32, #tpu.memory_space<vmem_shared>>)
      tpu.yield
    }) : () -> ()
    %barrier3A_54 = arith.constant 0 : index
    tpu.barrier barrier_id(%barrier3A_54)
    %mul3A_55 = arith.constant 10240 : i32
    %mul3A_56 = arith.muli %arg0, %mul3A_55 : i32
    %add3A_57 = arith.addi %mul3A_56, %mul3A_7 : i32
    "tpu.region"() ({
      %run_scoped3A_58 = tpu.sem_alloc : memref<!tpu.dma_semaphore, #tpu.memory_space<semaphore_mem>>
      %dma_start3A_59 = arith.constant 0 : i32
      %dma_start3A_60 = tpu.memref_slice %arg5[%add3A_57, %dma_start3A_59] : memref<20480x64xf32, #tpu.memory_space<hbm>> -> memref<640x64xf32, #tpu.memory_space<hbm>>
      %dma_start3A_61 = arith.constant 0 : i32
      %dma_start3A_62 = tpu.memref_slice %arg11[%mul3A_7, %dma_start3A_61] : memref<10240x64xf32, #tpu.memory_space<vmem_shared>> -> memref<640x64xf32, #tpu.memory_space<vmem_shared>>
      tpu.enqueue_dma source(%dma_start3A_62 : memref<640x64xf32, #tpu.memory_space<vmem_shared>>) target(%dma_start3A_60 : memref<640x64xf32, #tpu.memory_space<hbm>>) target_semaphore(%run_scoped3A_58 : memref<!tpu.dma_semaphore, #tpu.memory_space<semaphore_mem>>)
      %dma_wait3A_63 = arith.constant 0 : i32
      %dma_wait3A_64 = tpu.memref_slice %arg5[%add3A_57, %dma_wait3A_63] : memref<20480x64xf32, #tpu.memory_space<hbm>> -> memref<640x64xf32, #tpu.memory_space<hbm>>
      %dma_wait3A_65 = arith.constant 0 : i32
      %dma_wait3A_66 = tpu.memref_slice %arg11[%mul3A_7, %dma_wait3A_65] : memref<10240x64xf32, #tpu.memory_space<vmem_shared>> -> memref<640x64xf32, #tpu.memory_space<vmem_shared>>
      tpu.wait_dma2 semaphore(%run_scoped3A_58 : memref<!tpu.dma_semaphore, #tpu.memory_space<semaphore_mem>>) src(%dma_wait3A_66 : memref<640x64xf32, #tpu.memory_space<vmem_shared>>) dst(%dma_wait3A_64 : memref<640x64xf32, #tpu.memory_space<hbm>>)
      tpu.yield
    }) : () -> ()
    return
  }
}

#map = affine_map<(d0, d1) -> (0, 0)>
module attributes {stable_mosaic.version = 14 : i64} {
  func.func @_deg_kernel(%arg0: i32, %arg1: i32, %arg2: memref<2560x128xi32, #tpu.memory_space<hbm>>, %arg3: memref<20480x16xf32, #tpu.memory_space<hbm>>, %arg4: memref<80x128xi32, #tpu.memory_space<vmem>>, %arg5: memref<128x16xf32, #tpu.memory_space<vmem>>, %arg6: memref<128x16xf32, #tpu.memory_space<vmem>>, %arg7: memref<10240x16xf32, #tpu.memory_space<vmem_shared>>) attributes {dimension_semantics = [#tpu.dimension_semantics<core_parallel>, #tpu.dimension_semantics<subcore_parallel>], iteration_bounds = array<i64: 2, 16>, scalar_prefetch = 0 : i64, scratch_operands = 4 : i64, tpu.core_type = #tpu.core_type<sc_vector_subcore>, window_params = [{transform_indices = #map}, {transform_indices = #map}]} {
    %mul3A = arith.constant 2 : i32
    %mul3A_0 = arith.muli %arg1, %mul3A : i32
    %add3A = arith.addi %mul3A_0, %arg0 : i32
    %broadcast_in_dim3A = arith.constant 1.000000e+00 : f32
    %broadcast_in_dim3A_1 = vector.broadcast %broadcast_in_dim3A : f32 to vector<16xf32>
    %scan3A = arith.constant 0 : i32
    %scan3A_2 = arith.constant 128 : i32
    %scan3A_3 = arith.addi %scan3A, %scan3A_2 : i32
    %scan3A_4 = arith.constant 1 : i32
    scf.for %scan3A_36 = %scan3A to %scan3A_3 step %scan3A_4  : i32 {
      %mul3A_37 = arith.constant 1 : i32
      %mul3A_38 = arith.muli %scan3A_36, %mul3A_37 : i32
      %add3A_39 = arith.constant 0 : i32
      %add3A_40 = arith.addi %add3A_39, %mul3A_38 : i32
      %swap3A = arith.index_cast %add3A_40 : i32 to index
      %swap3A_41 = arith.constant 0 : index
      %swap3A_42 = tpu.vector_load %arg5[%swap3A, %swap3A_41] {strides = array<i32>} : memref<128x16xf32, #tpu.memory_space<vmem>>, vector<1x16xf32>,
      %swap3A_43 = vector.shape_cast %swap3A_42 : vector<1x16xf32> to vector<16xf32>
      %swap3A_44 = vector.shape_cast %broadcast_in_dim3A_1 : vector<16xf32> to vector<1x16xf32>
      tpu.vector_store %arg5[%swap3A, %swap3A_41], %swap3A_44 {strides = array<i32>} : memref<128x16xf32, #tpu.memory_space<vmem>>, vector<1x16xf32>,
    }
    %scan3A_5 = arith.constant 128 : i32
    %broadcast_in_dim3A_6 = arith.constant 0.000000e+00 : f32
    %broadcast_in_dim3A_7 = vector.broadcast %broadcast_in_dim3A_6 : f32 to vector<16xf32>
    %scan3A_8 = arith.constant 0 : i32
    %scan3A_9 = arith.constant 128 : i32
    %scan3A_10 = arith.addi %scan3A_8, %scan3A_9 : i32
    %scan3A_11 = arith.constant 1 : i32
    scf.for %scan3A_36 = %scan3A_8 to %scan3A_10 step %scan3A_11  : i32 {
      %mul3A_37 = arith.constant 1 : i32
      %mul3A_38 = arith.muli %scan3A_36, %mul3A_37 : i32
      %add3A_39 = arith.constant 0 : i32
      %add3A_40 = arith.addi %add3A_39, %mul3A_38 : i32
      %swap3A = arith.index_cast %add3A_40 : i32 to index
      %swap3A_41 = arith.constant 0 : index
      %swap3A_42 = tpu.vector_load %arg6[%swap3A, %swap3A_41] {strides = array<i32>} : memref<128x16xf32, #tpu.memory_space<vmem>>, vector<1x16xf32>,
      %swap3A_43 = vector.shape_cast %swap3A_42 : vector<1x16xf32> to vector<16xf32>
      %swap3A_44 = vector.shape_cast %broadcast_in_dim3A_7 : vector<16xf32> to vector<1x16xf32>
      tpu.vector_store %arg6[%swap3A, %swap3A_41], %swap3A_44 {strides = array<i32>} : memref<128x16xf32, #tpu.memory_space<vmem>>, vector<1x16xf32>,
    }
    %scan3A_12 = arith.constant 128 : i32
    %mul3A_13 = arith.constant 640 : i32
    %mul3A_14 = arith.muli %arg1, %mul3A_13 : i32
    %add3A_15 = arith.constant 0 : i32
    %add3A_16 = arith.addi %mul3A_14, %add3A_15 : i32
    "tpu.region"() ({
      %run_scoped3A = tpu.sem_alloc : memref<!tpu.dma_semaphore, #tpu.memory_space<semaphore_mem>>
      %dma_start3A = arith.constant 0 : i32
      %dma_start3A_36 = tpu.memref_slice %arg7[%add3A_16, %dma_start3A] : memref<10240x16xf32, #tpu.memory_space<vmem_shared>> -> memref<128x16xf32, #tpu.memory_space<vmem_shared>>
      %dma_start3A_37 = arith.constant 0 : i32
      %dma_start3A_38 = tpu.memref_slice %arg7[%add3A_16, %dma_start3A_37] : memref<10240x16xf32, #tpu.memory_space<vmem_shared>> -> memref<128x16xf32, #tpu.memory_space<vmem_shared>>
      tpu.enqueue_dma source(%arg6 : memref<128x16xf32, #tpu.memory_space<vmem>>) target(%dma_start3A_38 : memref<128x16xf32, #tpu.memory_space<vmem_shared>>) target_semaphore(%run_scoped3A : memref<!tpu.dma_semaphore, #tpu.memory_space<semaphore_mem>>)
      %dma_wait3A = arith.constant 0 : i32
      %dma_wait3A_39 = tpu.memref_slice %arg7[%add3A_16, %dma_wait3A] : memref<10240x16xf32, #tpu.memory_space<vmem_shared>> -> memref<128x16xf32, #tpu.memory_space<vmem_shared>>
      %dma_wait3A_40 = arith.constant 0 : i32
      %dma_wait3A_41 = tpu.memref_slice %arg7[%add3A_16, %dma_wait3A_40] : memref<10240x16xf32, #tpu.memory_space<vmem_shared>> -> memref<128x16xf32, #tpu.memory_space<vmem_shared>>
      tpu.wait_dma2 semaphore(%run_scoped3A : memref<!tpu.dma_semaphore, #tpu.memory_space<semaphore_mem>>) src(%arg6 : memref<128x16xf32, #tpu.memory_space<vmem>>) dst(%dma_wait3A_41 : memref<128x16xf32, #tpu.memory_space<vmem_shared>>)
      tpu.yield
    }) : () -> ()
    %add3A_17 = arith.constant 128 : i32
    %add3A_18 = arith.addi %mul3A_14, %add3A_17 : i32
    "tpu.region"() ({
      %run_scoped3A = tpu.sem_alloc : memref<!tpu.dma_semaphore, #tpu.memory_space<semaphore_mem>>
      %dma_start3A = arith.constant 0 : i32
      %dma_start3A_36 = tpu.memref_slice %arg7[%add3A_18, %dma_start3A] : memref<10240x16xf32, #tpu.memory_space<vmem_shared>> -> memref<128x16xf32, #tpu.memory_space<vmem_shared>>
      %dma_start3A_37 = arith.constant 0 : i32
      %dma_start3A_38 = tpu.memref_slice %arg7[%add3A_18, %dma_start3A_37] : memref<10240x16xf32, #tpu.memory_space<vmem_shared>> -> memref<128x16xf32, #tpu.memory_space<vmem_shared>>
      tpu.enqueue_dma source(%arg6 : memref<128x16xf32, #tpu.memory_space<vmem>>) target(%dma_start3A_38 : memref<128x16xf32, #tpu.memory_space<vmem_shared>>) target_semaphore(%run_scoped3A : memref<!tpu.dma_semaphore, #tpu.memory_space<semaphore_mem>>)
      %dma_wait3A = arith.constant 0 : i32
      %dma_wait3A_39 = tpu.memref_slice %arg7[%add3A_18, %dma_wait3A] : memref<10240x16xf32, #tpu.memory_space<vmem_shared>> -> memref<128x16xf32, #tpu.memory_space<vmem_shared>>
      %dma_wait3A_40 = arith.constant 0 : i32
      %dma_wait3A_41 = tpu.memref_slice %arg7[%add3A_18, %dma_wait3A_40] : memref<10240x16xf32, #tpu.memory_space<vmem_shared>> -> memref<128x16xf32, #tpu.memory_space<vmem_shared>>
      tpu.wait_dma2 semaphore(%run_scoped3A : memref<!tpu.dma_semaphore, #tpu.memory_space<semaphore_mem>>) src(%arg6 : memref<128x16xf32, #tpu.memory_space<vmem>>) dst(%dma_wait3A_41 : memref<128x16xf32, #tpu.memory_space<vmem_shared>>)
      tpu.yield
    }) : () -> ()
    %add3A_19 = arith.constant 256 : i32
    %add3A_20 = arith.addi %mul3A_14, %add3A_19 : i32
    "tpu.region"() ({
      %run_scoped3A = tpu.sem_alloc : memref<!tpu.dma_semaphore, #tpu.memory_space<semaphore_mem>>
      %dma_start3A = arith.constant 0 : i32
      %dma_start3A_36 = tpu.memref_slice %arg7[%add3A_20, %dma_start3A] : memref<10240x16xf32, #tpu.memory_space<vmem_shared>> -> memref<128x16xf32, #tpu.memory_space<vmem_shared>>
      %dma_start3A_37 = arith.constant 0 : i32
      %dma_start3A_38 = tpu.memref_slice %arg7[%add3A_20, %dma_start3A_37] : memref<10240x16xf32, #tpu.memory_space<vmem_shared>> -> memref<128x16xf32, #tpu.memory_space<vmem_shared>>
      tpu.enqueue_dma source(%arg6 : memref<128x16xf32, #tpu.memory_space<vmem>>) target(%dma_start3A_38 : memref<128x16xf32, #tpu.memory_space<vmem_shared>>) target_semaphore(%run_scoped3A : memref<!tpu.dma_semaphore, #tpu.memory_space<semaphore_mem>>)
      %dma_wait3A = arith.constant 0 : i32
      %dma_wait3A_39 = tpu.memref_slice %arg7[%add3A_20, %dma_wait3A] : memref<10240x16xf32, #tpu.memory_space<vmem_shared>> -> memref<128x16xf32, #tpu.memory_space<vmem_shared>>
      %dma_wait3A_40 = arith.constant 0 : i32
      %dma_wait3A_41 = tpu.memref_slice %arg7[%add3A_20, %dma_wait3A_40] : memref<10240x16xf32, #tpu.memory_space<vmem_shared>> -> memref<128x16xf32, #tpu.memory_space<vmem_shared>>
      tpu.wait_dma2 semaphore(%run_scoped3A : memref<!tpu.dma_semaphore, #tpu.memory_space<semaphore_mem>>) src(%arg6 : memref<128x16xf32, #tpu.memory_space<vmem>>) dst(%dma_wait3A_41 : memref<128x16xf32, #tpu.memory_space<vmem_shared>>)
      tpu.yield
    }) : () -> ()
    %add3A_21 = arith.constant 384 : i32
    %add3A_22 = arith.addi %mul3A_14, %add3A_21 : i32
    "tpu.region"() ({
      %run_scoped3A = tpu.sem_alloc : memref<!tpu.dma_semaphore, #tpu.memory_space<semaphore_mem>>
      %dma_start3A = arith.constant 0 : i32
      %dma_start3A_36 = tpu.memref_slice %arg7[%add3A_22, %dma_start3A] : memref<10240x16xf32, #tpu.memory_space<vmem_shared>> -> memref<128x16xf32, #tpu.memory_space<vmem_shared>>
      %dma_start3A_37 = arith.constant 0 : i32
      %dma_start3A_38 = tpu.memref_slice %arg7[%add3A_22, %dma_start3A_37] : memref<10240x16xf32, #tpu.memory_space<vmem_shared>> -> memref<128x16xf32, #tpu.memory_space<vmem_shared>>
      tpu.enqueue_dma source(%arg6 : memref<128x16xf32, #tpu.memory_space<vmem>>) target(%dma_start3A_38 : memref<128x16xf32, #tpu.memory_space<vmem_shared>>) target_semaphore(%run_scoped3A : memref<!tpu.dma_semaphore, #tpu.memory_space<semaphore_mem>>)
      %dma_wait3A = arith.constant 0 : i32
      %dma_wait3A_39 = tpu.memref_slice %arg7[%add3A_22, %dma_wait3A] : memref<10240x16xf32, #tpu.memory_space<vmem_shared>> -> memref<128x16xf32, #tpu.memory_space<vmem_shared>>
      %dma_wait3A_40 = arith.constant 0 : i32
      %dma_wait3A_41 = tpu.memref_slice %arg7[%add3A_22, %dma_wait3A_40] : memref<10240x16xf32, #tpu.memory_space<vmem_shared>> -> memref<128x16xf32, #tpu.memory_space<vmem_shared>>
      tpu.wait_dma2 semaphore(%run_scoped3A : memref<!tpu.dma_semaphore, #tpu.memory_space<semaphore_mem>>) src(%arg6 : memref<128x16xf32, #tpu.memory_space<vmem>>) dst(%dma_wait3A_41 : memref<128x16xf32, #tpu.memory_space<vmem_shared>>)
      tpu.yield
    }) : () -> ()
    %add3A_23 = arith.constant 512 : i32
    %add3A_24 = arith.addi %mul3A_14, %add3A_23 : i32
    "tpu.region"() ({
      %run_scoped3A = tpu.sem_alloc : memref<!tpu.dma_semaphore, #tpu.memory_space<semaphore_mem>>
      %dma_start3A = arith.constant 0 : i32
      %dma_start3A_36 = tpu.memref_slice %arg7[%add3A_24, %dma_start3A] : memref<10240x16xf32, #tpu.memory_space<vmem_shared>> -> memref<128x16xf32, #tpu.memory_space<vmem_shared>>
      %dma_start3A_37 = arith.constant 0 : i32
      %dma_start3A_38 = tpu.memref_slice %arg7[%add3A_24, %dma_start3A_37] : memref<10240x16xf32, #tpu.memory_space<vmem_shared>> -> memref<128x16xf32, #tpu.memory_space<vmem_shared>>
      tpu.enqueue_dma source(%arg6 : memref<128x16xf32, #tpu.memory_space<vmem>>) target(%dma_start3A_38 : memref<128x16xf32, #tpu.memory_space<vmem_shared>>) target_semaphore(%run_scoped3A : memref<!tpu.dma_semaphore, #tpu.memory_space<semaphore_mem>>)
      %dma_wait3A = arith.constant 0 : i32
      %dma_wait3A_39 = tpu.memref_slice %arg7[%add3A_24, %dma_wait3A] : memref<10240x16xf32, #tpu.memory_space<vmem_shared>> -> memref<128x16xf32, #tpu.memory_space<vmem_shared>>
      %dma_wait3A_40 = arith.constant 0 : i32
      %dma_wait3A_41 = tpu.memref_slice %arg7[%add3A_24, %dma_wait3A_40] : memref<10240x16xf32, #tpu.memory_space<vmem_shared>> -> memref<128x16xf32, #tpu.memory_space<vmem_shared>>
      tpu.wait_dma2 semaphore(%run_scoped3A : memref<!tpu.dma_semaphore, #tpu.memory_space<semaphore_mem>>) src(%arg6 : memref<128x16xf32, #tpu.memory_space<vmem>>) dst(%dma_wait3A_41 : memref<128x16xf32, #tpu.memory_space<vmem_shared>>)
      tpu.yield
    }) : () -> ()
    %barrier3A = arith.constant 0 : index
    tpu.barrier barrier_id(%barrier3A)
    %mul3A_25 = arith.constant 80 : i32
    %mul3A_26 = arith.muli %add3A, %mul3A_25 : i32
    "tpu.region"() ({
      %run_scoped3A = tpu.sem_alloc : memref<!tpu.dma_semaphore, #tpu.memory_space<semaphore_mem>>
      %dma_start3A = arith.constant 0 : i32
      %dma_start3A_36 = tpu.memref_slice %arg2[%mul3A_26, %dma_start3A] : memref<2560x128xi32, #tpu.memory_space<hbm>> -> memref<80x128xi32, #tpu.memory_space<hbm>>
      %dma_start3A_37 = arith.constant 0 : i32
      %dma_start3A_38 = tpu.memref_slice %arg2[%mul3A_26, %dma_start3A_37] : memref<2560x128xi32, #tpu.memory_space<hbm>> -> memref<80x128xi32, #tpu.memory_space<hbm>>
      tpu.enqueue_dma source(%dma_start3A_38 : memref<80x128xi32, #tpu.memory_space<hbm>>) target(%arg4 : memref<80x128xi32, #tpu.memory_space<vmem>>) target_semaphore(%run_scoped3A : memref<!tpu.dma_semaphore, #tpu.memory_space<semaphore_mem>>)
      %dma_wait3A = arith.constant 0 : i32
      %dma_wait3A_39 = tpu.memref_slice %arg2[%mul3A_26, %dma_wait3A] : memref<2560x128xi32, #tpu.memory_space<hbm>> -> memref<80x128xi32, #tpu.memory_space<hbm>>
      %dma_wait3A_40 = arith.constant 0 : i32
      %dma_wait3A_41 = tpu.memref_slice %arg2[%mul3A_26, %dma_wait3A_40] : memref<2560x128xi32, #tpu.memory_space<hbm>> -> memref<80x128xi32, #tpu.memory_space<hbm>>
      tpu.wait_dma2 semaphore(%run_scoped3A : memref<!tpu.dma_semaphore, #tpu.memory_space<semaphore_mem>>) src(%dma_wait3A_41 : memref<80x128xi32, #tpu.memory_space<hbm>>) dst(%arg4 : memref<80x128xi32, #tpu.memory_space<vmem>>)
      tpu.yield
    }) : () -> ()
    %scan3A_27 = arith.constant 0 : i32
    %scan3A_28 = arith.constant 80 : i32
    %scan3A_29 = arith.addi %scan3A_27, %scan3A_28 : i32
    %scan3A_30 = arith.constant 1 : i32
    scf.for %scan3A_36 = %scan3A_27 to %scan3A_29 step %scan3A_30  : i32 {
      %mul3A_37 = arith.constant 1 : i32
      %mul3A_38 = arith.muli %scan3A_36, %mul3A_37 : i32
      %add3A_39 = arith.constant 0 : i32
      %add3A_40 = arith.addi %add3A_39, %mul3A_38 : i32
      "tpu.region"() ({
        %run_scoped3A = tpu.sem_alloc : memref<!tpu.dma_semaphore, #tpu.memory_space<semaphore_mem>>
        %dma_start3A = arith.constant 0 : i32
        %dma_start3A_41 = tpu.memref_slice %arg4[%add3A_40, %dma_start3A] : memref<80x128xi32, #tpu.memory_space<vmem>> -> memref<1x128xi32, #tpu.memory_space<vmem>>
        %dma_start3A_42 = tpu.memref_squeeze %dma_start3A_41 : memref<1x128xi32, #tpu.memory_space<vmem>> -> memref<128xi32, #tpu.memory_space<vmem>>
        %dma_start3A_43 = arith.constant 0 : i32
        %dma_start3A_44 = arith.constant 0 : i32
        %dma_start3A_45 = tpu.memref_slice %arg7[%dma_start3A_43, %dma_start3A_44] : memref<10240x16xf32, #tpu.memory_space<vmem_shared>> -> memref<10240x16xf32, #tpu.memory_space<vmem_shared>>
        tpu.enqueue_indirect_dma source(%arg5 : memref<128x16xf32, #tpu.memory_space<vmem>>) target(%dma_start3A_45 : memref<10240x16xf32, #tpu.memory_space<vmem_shared>>) offsets(%dma_start3A_42 : memref<128xi32, #tpu.memory_space<vmem>>) semaphore(%run_scoped3A : memref<!tpu.dma_semaphore, #tpu.memory_space<semaphore_mem>>) {add = true}
        %dma_wait3A = arith.constant 0 : i32
        %dma_wait3A_46 = tpu.memref_slice %arg4[%add3A_40, %dma_wait3A] : memref<80x128xi32, #tpu.memory_space<vmem>> -> memref<1x128xi32, #tpu.memory_space<vmem>>
        %dma_wait3A_47 = tpu.memref_squeeze %dma_wait3A_46 : memref<1x128xi32, #tpu.memory_space<vmem>> -> memref<128xi32, #tpu.memory_space<vmem>>
        %dma_wait3A_48 = arith.constant 0 : i32
        %dma_wait3A_49 = arith.constant 0 : i32
        %dma_wait3A_50 = tpu.memref_slice %arg7[%dma_wait3A_48, %dma_wait3A_49] : memref<10240x16xf32, #tpu.memory_space<vmem_shared>> -> memref<10240x16xf32, #tpu.memory_space<vmem_shared>>
        tpu.wait_indirect_dma semaphore(%run_scoped3A : memref<!tpu.dma_semaphore, #tpu.memory_space<semaphore_mem>>) src(%arg5 : memref<128x16xf32, #tpu.memory_space<vmem>>) dst(%dma_wait3A_50 : memref<10240x16xf32, #tpu.memory_space<vmem_shared>>)
        tpu.yield
      }) : () -> ()
    }
    %scan3A_31 = arith.constant 80 : i32
    %barrier3A_32 = arith.constant 0 : index
    tpu.barrier barrier_id(%barrier3A_32)
    %mul3A_33 = arith.constant 10240 : i32
    %mul3A_34 = arith.muli %arg0, %mul3A_33 : i32
    %add3A_35 = arith.addi %mul3A_34, %mul3A_14 : i32
    "tpu.region"() ({
      %run_scoped3A = tpu.sem_alloc : memref<!tpu.dma_semaphore, #tpu.memory_space<semaphore_mem>>
      %dma_start3A = arith.constant 0 : i32
      %dma_start3A_36 = tpu.memref_slice %arg3[%add3A_35, %dma_start3A] : memref<20480x16xf32, #tpu.memory_space<hbm>> -> memref<640x16xf32, #tpu.memory_space<hbm>>
      %dma_start3A_37 = arith.constant 0 : i32
      %dma_start3A_38 = tpu.memref_slice %arg7[%mul3A_14, %dma_start3A_37] : memref<10240x16xf32, #tpu.memory_space<vmem_shared>> -> memref<640x16xf32, #tpu.memory_space<vmem_shared>>
      tpu.enqueue_dma source(%dma_start3A_38 : memref<640x16xf32, #tpu.memory_space<vmem_shared>>) target(%dma_start3A_36 : memref<640x16xf32, #tpu.memory_space<hbm>>) target_semaphore(%run_scoped3A : memref<!tpu.dma_semaphore, #tpu.memory_space<semaphore_mem>>)
      %dma_wait3A = arith.constant 0 : i32
      %dma_wait3A_39 = tpu.memref_slice %arg3[%add3A_35, %dma_wait3A] : memref<20480x16xf32, #tpu.memory_space<hbm>> -> memref<640x16xf32, #tpu.memory_space<hbm>>
      %dma_wait3A_40 = arith.constant 0 : i32
      %dma_wait3A_41 = tpu.memref_slice %arg7[%mul3A_14, %dma_wait3A_40] : memref<10240x16xf32, #tpu.memory_space<vmem_shared>> -> memref<640x16xf32, #tpu.memory_space<vmem_shared>>
      tpu.wait_dma2 semaphore(%run_scoped3A : memref<!tpu.dma_semaphore, #tpu.memory_space<semaphore_mem>>) src(%dma_wait3A_41 : memref<640x16xf32, #tpu.memory_space<vmem_shared>>) dst(%dma_wait3A_39 : memref<640x16xf32, #tpu.memory_space<hbm>>)
      tpu.yield
    }) : () -> ()
    return
  }
}

#map = affine_map<(d0, d1) -> (0, 0)>
module attributes {stable_mosaic.version = 14 : i64} {
  func.func @_agg_kernel(%arg0: i32, %arg1: i32, %arg2: memref<2560x128xi32, #tpu.memory_space<hbm>>, %arg3: memref<2560x128xi32, #tpu.memory_space<hbm>>, %arg4: memref<10240x64xf32, #tpu.memory_space<hbm>>, %arg5: memref<20480x64xf32, #tpu.memory_space<hbm>>, %arg6: memref<80x128xi32, #tpu.memory_space<vmem>>, %arg7: memref<80x128xi32, #tpu.memory_space<vmem>>, %arg8: memref<128x64xf32, #tpu.memory_space<vmem>>, %arg9: memref<128x64xf32, #tpu.memory_space<vmem>>, %arg10: memref<128x64xf32, #tpu.memory_space<vmem>>, %arg11: memref<10240x64xf32, #tpu.memory_space<vmem_shared>>, %arg12: memref<!tpu.dma_semaphore, #tpu.memory_space<semaphore_mem>>, %arg13: memref<!tpu.dma_semaphore, #tpu.memory_space<semaphore_mem>>) attributes {dimension_semantics = [#tpu.dimension_semantics<core_parallel>, #tpu.dimension_semantics<subcore_parallel>], iteration_bounds = array<i64: 2, 16>, scalar_prefetch = 0 : i64, scratch_operands = 8 : i64, tpu.core_type = #tpu.core_type<sc_vector_subcore>, window_params = [{transform_indices = #map}, {transform_indices = #map}, {transform_indices = #map}, {transform_indices = #map}]} {
    %mul3A = arith.constant 2 : i32
    %mul3A_0 = arith.muli %arg1, %mul3A : i32
    %add3A = arith.addi %mul3A_0, %arg0 : i32
    %broadcast_in_dim3A = arith.constant 0.000000e+00 : f32
    %broadcast_in_dim3A_1 = vector.broadcast %broadcast_in_dim3A : f32 to vector<16xf32>
    %scan3A = arith.constant 0 : i32
    %scan3A_2 = arith.constant 128 : i32
    %scan3A_3 = arith.addi %scan3A, %scan3A_2 : i32
    %scan3A_4 = arith.constant 1 : i32
    scf.for %scan3A_58 = %scan3A to %scan3A_3 step %scan3A_4  : i32 {
      %mul3A_59 = arith.constant 1 : i32
      %mul3A_60 = arith.muli %scan3A_58, %mul3A_59 : i32
      %add3A_61 = arith.constant 0 : i32
      %add3A_62 = arith.addi %add3A_61, %mul3A_60 : i32
      %swap3A = arith.index_cast %add3A_62 : i32 to index
      %swap3A_63 = arith.constant 0 : index
      %swap3A_64 = tpu.vector_load %arg10[%swap3A, %swap3A_63] {strides = array<i32>} : memref<128x64xf32, #tpu.memory_space<vmem>>, vector<1x16xf32>,
      %swap3A_65 = vector.shape_cast %swap3A_64 : vector<1x16xf32> to vector<16xf32>
      %swap3A_66 = vector.shape_cast %broadcast_in_dim3A_1 : vector<16xf32> to vector<1x16xf32>
      tpu.vector_store %arg10[%swap3A, %swap3A_63], %swap3A_66 {strides = array<i32>} : memref<128x64xf32, #tpu.memory_space<vmem>>, vector<1x16xf32>,
      %swap3A_67 = arith.index_cast %add3A_62 : i32 to index
      %swap3A_68 = arith.constant 16 : index
      %swap3A_69 = tpu.vector_load %arg10[%swap3A_67, %swap3A_68] {strides = array<i32>} : memref<128x64xf32, #tpu.memory_space<vmem>>, vector<1x16xf32>,
      %swap3A_70 = vector.shape_cast %swap3A_69 : vector<1x16xf32> to vector<16xf32>
      %swap3A_71 = vector.shape_cast %broadcast_in_dim3A_1 : vector<16xf32> to vector<1x16xf32>
      tpu.vector_store %arg10[%swap3A_67, %swap3A_68], %swap3A_71 {strides = array<i32>} : memref<128x64xf32, #tpu.memory_space<vmem>>, vector<1x16xf32>,
      %swap3A_72 = arith.index_cast %add3A_62 : i32 to index
      %swap3A_73 = arith.constant 32 : index
      %swap3A_74 = tpu.vector_load %arg10[%swap3A_72, %swap3A_73] {strides = array<i32>} : memref<128x64xf32, #tpu.memory_space<vmem>>, vector<1x16xf32>,
      %swap3A_75 = vector.shape_cast %swap3A_74 : vector<1x16xf32> to vector<16xf32>
      %swap3A_76 = vector.shape_cast %broadcast_in_dim3A_1 : vector<16xf32> to vector<1x16xf32>
      tpu.vector_store %arg10[%swap3A_72, %swap3A_73], %swap3A_76 {strides = array<i32>} : memref<128x64xf32, #tpu.memory_space<vmem>>, vector<1x16xf32>,
      %swap3A_77 = arith.index_cast %add3A_62 : i32 to index
      %swap3A_78 = arith.constant 48 : index
      %swap3A_79 = tpu.vector_load %arg10[%swap3A_77, %swap3A_78] {strides = array<i32>} : memref<128x64xf32, #tpu.memory_space<vmem>>, vector<1x16xf32>,
      %swap3A_80 = vector.shape_cast %swap3A_79 : vector<1x16xf32> to vector<16xf32>
      %swap3A_81 = vector.shape_cast %broadcast_in_dim3A_1 : vector<16xf32> to vector<1x16xf32>
      tpu.vector_store %arg10[%swap3A_77, %swap3A_78], %swap3A_81 {strides = array<i32>} : memref<128x64xf32, #tpu.memory_space<vmem>>, vector<1x16xf32>,
    }
    %scan3A_5 = arith.constant 128 : i32
    %mul3A_6 = arith.constant 640 : i32
    %mul3A_7 = arith.muli %arg1, %mul3A_6 : i32
    %add3A_8 = arith.constant 0 : i32
    %add3A_9 = arith.addi %mul3A_7, %add3A_8 : i32
    "tpu.region"() ({
      %run_scoped3A_58 = tpu.sem_alloc : memref<!tpu.dma_semaphore, #tpu.memory_space<semaphore_mem>>
      %dma_start3A_59 = arith.constant 0 : i32
      %dma_start3A_60 = tpu.memref_slice %arg11[%add3A_9, %dma_start3A_59] : memref<10240x64xf32, #tpu.memory_space<vmem_shared>> -> memref<128x64xf32, #tpu.memory_space<vmem_shared>>
      %dma_start3A_61 = arith.constant 0 : i32
      %dma_start3A_62 = tpu.memref_slice %arg11[%add3A_9, %dma_start3A_61] : memref<10240x64xf32, #tpu.memory_space<vmem_shared>> -> memref<128x64xf32, #tpu.memory_space<vmem_shared>>
      tpu.enqueue_dma source(%arg10 : memref<128x64xf32, #tpu.memory_space<vmem>>) target(%dma_start3A_62 : memref<128x64xf32, #tpu.memory_space<vmem_shared>>) target_semaphore(%run_scoped3A_58 : memref<!tpu.dma_semaphore, #tpu.memory_space<semaphore_mem>>)
      %dma_wait3A_63 = arith.constant 0 : i32
      %dma_wait3A_64 = tpu.memref_slice %arg11[%add3A_9, %dma_wait3A_63] : memref<10240x64xf32, #tpu.memory_space<vmem_shared>> -> memref<128x64xf32, #tpu.memory_space<vmem_shared>>
      %dma_wait3A_65 = arith.constant 0 : i32
      %dma_wait3A_66 = tpu.memref_slice %arg11[%add3A_9, %dma_wait3A_65] : memref<10240x64xf32, #tpu.memory_space<vmem_shared>> -> memref<128x64xf32, #tpu.memory_space<vmem_shared>>
      tpu.wait_dma2 semaphore(%run_scoped3A_58 : memref<!tpu.dma_semaphore, #tpu.memory_space<semaphore_mem>>) src(%arg10 : memref<128x64xf32, #tpu.memory_space<vmem>>) dst(%dma_wait3A_66 : memref<128x64xf32, #tpu.memory_space<vmem_shared>>)
      tpu.yield
    }) : () -> ()
    %add3A_10 = arith.constant 128 : i32
    %add3A_11 = arith.addi %mul3A_7, %add3A_10 : i32
    "tpu.region"() ({
      %run_scoped3A_58 = tpu.sem_alloc : memref<!tpu.dma_semaphore, #tpu.memory_space<semaphore_mem>>
      %dma_start3A_59 = arith.constant 0 : i32
      %dma_start3A_60 = tpu.memref_slice %arg11[%add3A_11, %dma_start3A_59] : memref<10240x64xf32, #tpu.memory_space<vmem_shared>> -> memref<128x64xf32, #tpu.memory_space<vmem_shared>>
      %dma_start3A_61 = arith.constant 0 : i32
      %dma_start3A_62 = tpu.memref_slice %arg11[%add3A_11, %dma_start3A_61] : memref<10240x64xf32, #tpu.memory_space<vmem_shared>> -> memref<128x64xf32, #tpu.memory_space<vmem_shared>>
      tpu.enqueue_dma source(%arg10 : memref<128x64xf32, #tpu.memory_space<vmem>>) target(%dma_start3A_62 : memref<128x64xf32, #tpu.memory_space<vmem_shared>>) target_semaphore(%run_scoped3A_58 : memref<!tpu.dma_semaphore, #tpu.memory_space<semaphore_mem>>)
      %dma_wait3A_63 = arith.constant 0 : i32
      %dma_wait3A_64 = tpu.memref_slice %arg11[%add3A_11, %dma_wait3A_63] : memref<10240x64xf32, #tpu.memory_space<vmem_shared>> -> memref<128x64xf32, #tpu.memory_space<vmem_shared>>
      %dma_wait3A_65 = arith.constant 0 : i32
      %dma_wait3A_66 = tpu.memref_slice %arg11[%add3A_11, %dma_wait3A_65] : memref<10240x64xf32, #tpu.memory_space<vmem_shared>> -> memref<128x64xf32, #tpu.memory_space<vmem_shared>>
      tpu.wait_dma2 semaphore(%run_scoped3A_58 : memref<!tpu.dma_semaphore, #tpu.memory_space<semaphore_mem>>) src(%arg10 : memref<128x64xf32, #tpu.memory_space<vmem>>) dst(%dma_wait3A_66 : memref<128x64xf32, #tpu.memory_space<vmem_shared>>)
      tpu.yield
    }) : () -> ()
    %add3A_12 = arith.constant 256 : i32
    %add3A_13 = arith.addi %mul3A_7, %add3A_12 : i32
    "tpu.region"() ({
      %run_scoped3A_58 = tpu.sem_alloc : memref<!tpu.dma_semaphore, #tpu.memory_space<semaphore_mem>>
      %dma_start3A_59 = arith.constant 0 : i32
      %dma_start3A_60 = tpu.memref_slice %arg11[%add3A_13, %dma_start3A_59] : memref<10240x64xf32, #tpu.memory_space<vmem_shared>> -> memref<128x64xf32, #tpu.memory_space<vmem_shared>>
      %dma_start3A_61 = arith.constant 0 : i32
      %dma_start3A_62 = tpu.memref_slice %arg11[%add3A_13, %dma_start3A_61] : memref<10240x64xf32, #tpu.memory_space<vmem_shared>> -> memref<128x64xf32, #tpu.memory_space<vmem_shared>>
      tpu.enqueue_dma source(%arg10 : memref<128x64xf32, #tpu.memory_space<vmem>>) target(%dma_start3A_62 : memref<128x64xf32, #tpu.memory_space<vmem_shared>>) target_semaphore(%run_scoped3A_58 : memref<!tpu.dma_semaphore, #tpu.memory_space<semaphore_mem>>)
      %dma_wait3A_63 = arith.constant 0 : i32
      %dma_wait3A_64 = tpu.memref_slice %arg11[%add3A_13, %dma_wait3A_63] : memref<10240x64xf32, #tpu.memory_space<vmem_shared>> -> memref<128x64xf32, #tpu.memory_space<vmem_shared>>
      %dma_wait3A_65 = arith.constant 0 : i32
      %dma_wait3A_66 = tpu.memref_slice %arg11[%add3A_13, %dma_wait3A_65] : memref<10240x64xf32, #tpu.memory_space<vmem_shared>> -> memref<128x64xf32, #tpu.memory_space<vmem_shared>>
      tpu.wait_dma2 semaphore(%run_scoped3A_58 : memref<!tpu.dma_semaphore, #tpu.memory_space<semaphore_mem>>) src(%arg10 : memref<128x64xf32, #tpu.memory_space<vmem>>) dst(%dma_wait3A_66 : memref<128x64xf32, #tpu.memory_space<vmem_shared>>)
      tpu.yield
    }) : () -> ()
    %add3A_14 = arith.constant 384 : i32
    %add3A_15 = arith.addi %mul3A_7, %add3A_14 : i32
    "tpu.region"() ({
      %run_scoped3A_58 = tpu.sem_alloc : memref<!tpu.dma_semaphore, #tpu.memory_space<semaphore_mem>>
      %dma_start3A_59 = arith.constant 0 : i32
      %dma_start3A_60 = tpu.memref_slice %arg11[%add3A_15, %dma_start3A_59] : memref<10240x64xf32, #tpu.memory_space<vmem_shared>> -> memref<128x64xf32, #tpu.memory_space<vmem_shared>>
      %dma_start3A_61 = arith.constant 0 : i32
      %dma_start3A_62 = tpu.memref_slice %arg11[%add3A_15, %dma_start3A_61] : memref<10240x64xf32, #tpu.memory_space<vmem_shared>> -> memref<128x64xf32, #tpu.memory_space<vmem_shared>>
      tpu.enqueue_dma source(%arg10 : memref<128x64xf32, #tpu.memory_space<vmem>>) target(%dma_start3A_62 : memref<128x64xf32, #tpu.memory_space<vmem_shared>>) target_semaphore(%run_scoped3A_58 : memref<!tpu.dma_semaphore, #tpu.memory_space<semaphore_mem>>)
      %dma_wait3A_63 = arith.constant 0 : i32
      %dma_wait3A_64 = tpu.memref_slice %arg11[%add3A_15, %dma_wait3A_63] : memref<10240x64xf32, #tpu.memory_space<vmem_shared>> -> memref<128x64xf32, #tpu.memory_space<vmem_shared>>
      %dma_wait3A_65 = arith.constant 0 : i32
      %dma_wait3A_66 = tpu.memref_slice %arg11[%add3A_15, %dma_wait3A_65] : memref<10240x64xf32, #tpu.memory_space<vmem_shared>> -> memref<128x64xf32, #tpu.memory_space<vmem_shared>>
      tpu.wait_dma2 semaphore(%run_scoped3A_58 : memref<!tpu.dma_semaphore, #tpu.memory_space<semaphore_mem>>) src(%arg10 : memref<128x64xf32, #tpu.memory_space<vmem>>) dst(%dma_wait3A_66 : memref<128x64xf32, #tpu.memory_space<vmem_shared>>)
      tpu.yield
    }) : () -> ()
    %add3A_16 = arith.constant 512 : i32
    %add3A_17 = arith.addi %mul3A_7, %add3A_16 : i32
    "tpu.region"() ({
      %run_scoped3A_58 = tpu.sem_alloc : memref<!tpu.dma_semaphore, #tpu.memory_space<semaphore_mem>>
      %dma_start3A_59 = arith.constant 0 : i32
      %dma_start3A_60 = tpu.memref_slice %arg11[%add3A_17, %dma_start3A_59] : memref<10240x64xf32, #tpu.memory_space<vmem_shared>> -> memref<128x64xf32, #tpu.memory_space<vmem_shared>>
      %dma_start3A_61 = arith.constant 0 : i32
      %dma_start3A_62 = tpu.memref_slice %arg11[%add3A_17, %dma_start3A_61] : memref<10240x64xf32, #tpu.memory_space<vmem_shared>> -> memref<128x64xf32, #tpu.memory_space<vmem_shared>>
      tpu.enqueue_dma source(%arg10 : memref<128x64xf32, #tpu.memory_space<vmem>>) target(%dma_start3A_62 : memref<128x64xf32, #tpu.memory_space<vmem_shared>>) target_semaphore(%run_scoped3A_58 : memref<!tpu.dma_semaphore, #tpu.memory_space<semaphore_mem>>)
      %dma_wait3A_63 = arith.constant 0 : i32
      %dma_wait3A_64 = tpu.memref_slice %arg11[%add3A_17, %dma_wait3A_63] : memref<10240x64xf32, #tpu.memory_space<vmem_shared>> -> memref<128x64xf32, #tpu.memory_space<vmem_shared>>
      %dma_wait3A_65 = arith.constant 0 : i32
      %dma_wait3A_66 = tpu.memref_slice %arg11[%add3A_17, %dma_wait3A_65] : memref<10240x64xf32, #tpu.memory_space<vmem_shared>> -> memref<128x64xf32, #tpu.memory_space<vmem_shared>>
      tpu.wait_dma2 semaphore(%run_scoped3A_58 : memref<!tpu.dma_semaphore, #tpu.memory_space<semaphore_mem>>) src(%arg10 : memref<128x64xf32, #tpu.memory_space<vmem>>) dst(%dma_wait3A_66 : memref<128x64xf32, #tpu.memory_space<vmem_shared>>)
      tpu.yield
    }) : () -> ()
    %barrier3A = arith.constant 0 : index
    tpu.barrier barrier_id(%barrier3A)
    %mul3A_18 = arith.constant 80 : i32
    %mul3A_19 = arith.muli %add3A, %mul3A_18 : i32
    "tpu.region"() ({
      %run_scoped3A_58 = tpu.sem_alloc : memref<!tpu.dma_semaphore, #tpu.memory_space<semaphore_mem>>
      %dma_start3A_59 = arith.constant 0 : i32
      %dma_start3A_60 = tpu.memref_slice %arg2[%mul3A_19, %dma_start3A_59] : memref<2560x128xi32, #tpu.memory_space<hbm>> -> memref<80x128xi32, #tpu.memory_space<hbm>>
      %dma_start3A_61 = arith.constant 0 : i32
      %dma_start3A_62 = tpu.memref_slice %arg2[%mul3A_19, %dma_start3A_61] : memref<2560x128xi32, #tpu.memory_space<hbm>> -> memref<80x128xi32, #tpu.memory_space<hbm>>
      tpu.enqueue_dma source(%dma_start3A_62 : memref<80x128xi32, #tpu.memory_space<hbm>>) target(%arg6 : memref<80x128xi32, #tpu.memory_space<vmem>>) target_semaphore(%run_scoped3A_58 : memref<!tpu.dma_semaphore, #tpu.memory_space<semaphore_mem>>)
      %dma_wait3A_63 = arith.constant 0 : i32
      %dma_wait3A_64 = tpu.memref_slice %arg2[%mul3A_19, %dma_wait3A_63] : memref<2560x128xi32, #tpu.memory_space<hbm>> -> memref<80x128xi32, #tpu.memory_space<hbm>>
      %dma_wait3A_65 = arith.constant 0 : i32
      %dma_wait3A_66 = tpu.memref_slice %arg2[%mul3A_19, %dma_wait3A_65] : memref<2560x128xi32, #tpu.memory_space<hbm>> -> memref<80x128xi32, #tpu.memory_space<hbm>>
      tpu.wait_dma2 semaphore(%run_scoped3A_58 : memref<!tpu.dma_semaphore, #tpu.memory_space<semaphore_mem>>) src(%dma_wait3A_66 : memref<80x128xi32, #tpu.memory_space<hbm>>) dst(%arg6 : memref<80x128xi32, #tpu.memory_space<vmem>>)
      tpu.yield
    }) : () -> ()
    %mul3A_20 = arith.constant 80 : i32
    %mul3A_21 = arith.muli %add3A, %mul3A_20 : i32
    "tpu.region"() ({
      %run_scoped3A_58 = tpu.sem_alloc : memref<!tpu.dma_semaphore, #tpu.memory_space<semaphore_mem>>
      %dma_start3A_59 = arith.constant 0 : i32
      %dma_start3A_60 = tpu.memref_slice %arg3[%mul3A_21, %dma_start3A_59] : memref<2560x128xi32, #tpu.memory_space<hbm>> -> memref<80x128xi32, #tpu.memory_space<hbm>>
      %dma_start3A_61 = arith.constant 0 : i32
      %dma_start3A_62 = tpu.memref_slice %arg3[%mul3A_21, %dma_start3A_61] : memref<2560x128xi32, #tpu.memory_space<hbm>> -> memref<80x128xi32, #tpu.memory_space<hbm>>
      tpu.enqueue_dma source(%dma_start3A_62 : memref<80x128xi32, #tpu.memory_space<hbm>>) target(%arg7 : memref<80x128xi32, #tpu.memory_space<vmem>>) target_semaphore(%run_scoped3A_58 : memref<!tpu.dma_semaphore, #tpu.memory_space<semaphore_mem>>)
      %dma_wait3A_63 = arith.constant 0 : i32
      %dma_wait3A_64 = tpu.memref_slice %arg3[%mul3A_21, %dma_wait3A_63] : memref<2560x128xi32, #tpu.memory_space<hbm>> -> memref<80x128xi32, #tpu.memory_space<hbm>>
      %dma_wait3A_65 = arith.constant 0 : i32
      %dma_wait3A_66 = tpu.memref_slice %arg3[%mul3A_21, %dma_wait3A_65] : memref<2560x128xi32, #tpu.memory_space<hbm>> -> memref<80x128xi32, #tpu.memory_space<hbm>>
      tpu.wait_dma2 semaphore(%run_scoped3A_58 : memref<!tpu.dma_semaphore, #tpu.memory_space<semaphore_mem>>) src(%dma_wait3A_66 : memref<80x128xi32, #tpu.memory_space<hbm>>) dst(%arg7 : memref<80x128xi32, #tpu.memory_space<vmem>>)
      tpu.yield
    }) : () -> ()
    %dma_start3A = arith.constant 0 : i32
    %dma_start3A_22 = arith.constant 0 : i32
    %dma_start3A_23 = tpu.memref_slice %arg6[%dma_start3A, %dma_start3A_22] : memref<80x128xi32, #tpu.memory_space<vmem>> -> memref<1x128xi32, #tpu.memory_space<vmem>>
    %dma_start3A_24 = tpu.memref_squeeze %dma_start3A_23 : memref<1x128xi32, #tpu.memory_space<vmem>> -> memref<128xi32, #tpu.memory_space<vmem>>
    %dma_start3A_25 = arith.constant 0 : i32
    %dma_start3A_26 = arith.constant 0 : i32
    %dma_start3A_27 = tpu.memref_slice %arg4[%dma_start3A_25, %dma_start3A_26] : memref<10240x64xf32, #tpu.memory_space<hbm>> -> memref<10240x64xf32, #tpu.memory_space<hbm>>
    tpu.enqueue_indirect_dma source(%dma_start3A_27 : memref<10240x64xf32, #tpu.memory_space<hbm>>) target(%arg8 : memref<128x64xf32, #tpu.memory_space<vmem>>) offsets(%dma_start3A_24 : memref<128xi32, #tpu.memory_space<vmem>>) semaphore(%arg12 : memref<!tpu.dma_semaphore, #tpu.memory_space<semaphore_mem>>)
    %dma_start3A_28 = arith.constant 1 : i32
    %dma_start3A_29 = arith.constant 0 : i32
    %dma_start3A_30 = tpu.memref_slice %arg6[%dma_start3A_28, %dma_start3A_29] : memref<80x128xi32, #tpu.memory_space<vmem>> -> memref<1x128xi32, #tpu.memory_space<vmem>>
    %dma_start3A_31 = tpu.memref_squeeze %dma_start3A_30 : memref<1x128xi32, #tpu.memory_space<vmem>> -> memref<128xi32, #tpu.memory_space<vmem>>
    %dma_start3A_32 = arith.constant 0 : i32
    %dma_start3A_33 = arith.constant 0 : i32
    %dma_start3A_34 = tpu.memref_slice %arg4[%dma_start3A_32, %dma_start3A_33] : memref<10240x64xf32, #tpu.memory_space<hbm>> -> memref<10240x64xf32, #tpu.memory_space<hbm>>
    tpu.enqueue_indirect_dma source(%dma_start3A_34 : memref<10240x64xf32, #tpu.memory_space<hbm>>) target(%arg9 : memref<128x64xf32, #tpu.memory_space<vmem>>) offsets(%dma_start3A_31 : memref<128xi32, #tpu.memory_space<vmem>>) semaphore(%arg13 : memref<!tpu.dma_semaphore, #tpu.memory_space<semaphore_mem>>)
    %scan3A_35 = arith.constant 0 : i32
    %scan3A_36 = arith.constant 39 : i32
    %scan3A_37 = arith.addi %scan3A_35, %scan3A_36 : i32
    %scan3A_38 = arith.constant 1 : i32
    scf.for %scan3A_58 = %scan3A_35 to %scan3A_37 step %scan3A_38  : i32 {
      %mul3A_59 = arith.constant 2 : i32
      %mul3A_60 = arith.muli %scan3A_58, %mul3A_59 : i32
      %add3A_61 = arith.constant 0 : i32
      %add3A_62 = arith.addi %add3A_61, %mul3A_60 : i32
      %dma_wait3A_63 = arith.constant 0 : i32
      %dma_wait3A_64 = arith.constant 0 : i32
      %dma_wait3A_65 = tpu.memref_slice %arg6[%dma_wait3A_63, %dma_wait3A_64] : memref<80x128xi32, #tpu.memory_space<vmem>> -> memref<1x128xi32, #tpu.memory_space<vmem>>
      %dma_wait3A_66 = tpu.memref_squeeze %dma_wait3A_65 : memref<1x128xi32, #tpu.memory_space<vmem>> -> memref<128xi32, #tpu.memory_space<vmem>>
      %dma_wait3A_67 = arith.constant 0 : i32
      %dma_wait3A_68 = arith.constant 0 : i32
      %dma_wait3A_69 = tpu.memref_slice %arg4[%dma_wait3A_67, %dma_wait3A_68] : memref<10240x64xf32, #tpu.memory_space<hbm>> -> memref<10240x64xf32, #tpu.memory_space<hbm>>
      tpu.wait_indirect_dma semaphore(%arg12 : memref<!tpu.dma_semaphore, #tpu.memory_space<semaphore_mem>>) src(%dma_wait3A_69 : memref<10240x64xf32, #tpu.memory_space<hbm>>) dst(%arg8 : memref<128x64xf32, #tpu.memory_space<vmem>>)
      "tpu.region"() ({
        %run_scoped3A_95 = tpu.sem_alloc : memref<!tpu.dma_semaphore, #tpu.memory_space<semaphore_mem>>
        %dma_start3A_96 = arith.constant 0 : i32
        %dma_start3A_97 = tpu.memref_slice %arg7[%add3A_62, %dma_start3A_96] : memref<80x128xi32, #tpu.memory_space<vmem>> -> memref<1x128xi32, #tpu.memory_space<vmem>>
        %dma_start3A_98 = tpu.memref_squeeze %dma_start3A_97 : memref<1x128xi32, #tpu.memory_space<vmem>> -> memref<128xi32, #tpu.memory_space<vmem>>
        %dma_start3A_99 = arith.constant 0 : i32
        %dma_start3A_100 = arith.constant 0 : i32
        %dma_start3A_101 = tpu.memref_slice %arg11[%dma_start3A_99, %dma_start3A_100] : memref<10240x64xf32, #tpu.memory_space<vmem_shared>> -> memref<10240x64xf32, #tpu.memory_space<vmem_shared>>
        tpu.enqueue_indirect_dma source(%arg8 : memref<128x64xf32, #tpu.memory_space<vmem>>) target(%dma_start3A_101 : memref<10240x64xf32, #tpu.memory_space<vmem_shared>>) offsets(%dma_start3A_98 : memref<128xi32, #tpu.memory_space<vmem>>) semaphore(%run_scoped3A_95 : memref<!tpu.dma_semaphore, #tpu.memory_space<semaphore_mem>>) {add = true}
        %dma_wait3A_102 = arith.constant 0 : i32
        %dma_wait3A_103 = tpu.memref_slice %arg7[%add3A_62, %dma_wait3A_102] : memref<80x128xi32, #tpu.memory_space<vmem>> -> memref<1x128xi32, #tpu.memory_space<vmem>>
        %dma_wait3A_104 = tpu.memref_squeeze %dma_wait3A_103 : memref<1x128xi32, #tpu.memory_space<vmem>> -> memref<128xi32, #tpu.memory_space<vmem>>
        %dma_wait3A_105 = arith.constant 0 : i32
        %dma_wait3A_106 = arith.constant 0 : i32
        %dma_wait3A_107 = tpu.memref_slice %arg11[%dma_wait3A_105, %dma_wait3A_106] : memref<10240x64xf32, #tpu.memory_space<vmem_shared>> -> memref<10240x64xf32, #tpu.memory_space<vmem_shared>>
        tpu.wait_indirect_dma semaphore(%run_scoped3A_95 : memref<!tpu.dma_semaphore, #tpu.memory_space<semaphore_mem>>) src(%arg8 : memref<128x64xf32, #tpu.memory_space<vmem>>) dst(%dma_wait3A_107 : memref<10240x64xf32, #tpu.memory_space<vmem_shared>>)
        tpu.yield
      }) : () -> ()
      %add3A_70 = arith.constant 2 : i32
      %add3A_71 = arith.addi %add3A_62, %add3A_70 : i32
      %dma_start3A_72 = arith.constant 0 : i32
      %dma_start3A_73 = tpu.memref_slice %arg6[%add3A_71, %dma_start3A_72] : memref<80x128xi32, #tpu.memory_space<vmem>> -> memref<1x128xi32, #tpu.memory_space<vmem>>
      %dma_start3A_74 = tpu.memref_squeeze %dma_start3A_73 : memref<1x128xi32, #tpu.memory_space<vmem>> -> memref<128xi32, #tpu.memory_space<vmem>>
      %dma_start3A_75 = arith.constant 0 : i32
      %dma_start3A_76 = arith.constant 0 : i32
      %dma_start3A_77 = tpu.memref_slice %arg4[%dma_start3A_75, %dma_start3A_76] : memref<10240x64xf32, #tpu.memory_space<hbm>> -> memref<10240x64xf32, #tpu.memory_space<hbm>>
      tpu.enqueue_indirect_dma source(%dma_start3A_77 : memref<10240x64xf32, #tpu.memory_space<hbm>>) target(%arg8 : memref<128x64xf32, #tpu.memory_space<vmem>>) offsets(%dma_start3A_74 : memref<128xi32, #tpu.memory_space<vmem>>) semaphore(%arg12 : memref<!tpu.dma_semaphore, #tpu.memory_space<semaphore_mem>>)
      %dma_wait3A_78 = arith.constant 0 : i32
      %dma_wait3A_79 = arith.constant 0 : i32
      %dma_wait3A_80 = tpu.memref_slice %arg6[%dma_wait3A_78, %dma_wait3A_79] : memref<80x128xi32, #tpu.memory_space<vmem>> -> memref<1x128xi32, #tpu.memory_space<vmem>>
      %dma_wait3A_81 = tpu.memref_squeeze %dma_wait3A_80 : memref<1x128xi32, #tpu.memory_space<vmem>> -> memref<128xi32, #tpu.memory_space<vmem>>
      %dma_wait3A_82 = arith.constant 0 : i32
      %dma_wait3A_83 = arith.constant 0 : i32
      %dma_wait3A_84 = tpu.memref_slice %arg4[%dma_wait3A_82, %dma_wait3A_83] : memref<10240x64xf32, #tpu.memory_space<hbm>> -> memref<10240x64xf32, #tpu.memory_space<hbm>>
      tpu.wait_indirect_dma semaphore(%arg13 : memref<!tpu.dma_semaphore, #tpu.memory_space<semaphore_mem>>) src(%dma_wait3A_84 : memref<10240x64xf32, #tpu.memory_space<hbm>>) dst(%arg9 : memref<128x64xf32, #tpu.memory_space<vmem>>)
      %add3A_85 = arith.constant 1 : i32
      %add3A_86 = arith.addi %add3A_62, %add3A_85 : i32
      "tpu.region"() ({
        %run_scoped3A_95 = tpu.sem_alloc : memref<!tpu.dma_semaphore, #tpu.memory_space<semaphore_mem>>
        %dma_start3A_96 = arith.constant 0 : i32
        %dma_start3A_97 = tpu.memref_slice %arg7[%add3A_86, %dma_start3A_96] : memref<80x128xi32, #tpu.memory_space<vmem>> -> memref<1x128xi32, #tpu.memory_space<vmem>>
        %dma_start3A_98 = tpu.memref_squeeze %dma_start3A_97 : memref<1x128xi32, #tpu.memory_space<vmem>> -> memref<128xi32, #tpu.memory_space<vmem>>
        %dma_start3A_99 = arith.constant 0 : i32
        %dma_start3A_100 = arith.constant 0 : i32
        %dma_start3A_101 = tpu.memref_slice %arg11[%dma_start3A_99, %dma_start3A_100] : memref<10240x64xf32, #tpu.memory_space<vmem_shared>> -> memref<10240x64xf32, #tpu.memory_space<vmem_shared>>
        tpu.enqueue_indirect_dma source(%arg9 : memref<128x64xf32, #tpu.memory_space<vmem>>) target(%dma_start3A_101 : memref<10240x64xf32, #tpu.memory_space<vmem_shared>>) offsets(%dma_start3A_98 : memref<128xi32, #tpu.memory_space<vmem>>) semaphore(%run_scoped3A_95 : memref<!tpu.dma_semaphore, #tpu.memory_space<semaphore_mem>>) {add = true}
        %dma_wait3A_102 = arith.constant 0 : i32
        %dma_wait3A_103 = tpu.memref_slice %arg7[%add3A_86, %dma_wait3A_102] : memref<80x128xi32, #tpu.memory_space<vmem>> -> memref<1x128xi32, #tpu.memory_space<vmem>>
        %dma_wait3A_104 = tpu.memref_squeeze %dma_wait3A_103 : memref<1x128xi32, #tpu.memory_space<vmem>> -> memref<128xi32, #tpu.memory_space<vmem>>
        %dma_wait3A_105 = arith.constant 0 : i32
        %dma_wait3A_106 = arith.constant 0 : i32
        %dma_wait3A_107 = tpu.memref_slice %arg11[%dma_wait3A_105, %dma_wait3A_106] : memref<10240x64xf32, #tpu.memory_space<vmem_shared>> -> memref<10240x64xf32, #tpu.memory_space<vmem_shared>>
        tpu.wait_indirect_dma semaphore(%run_scoped3A_95 : memref<!tpu.dma_semaphore, #tpu.memory_space<semaphore_mem>>) src(%arg9 : memref<128x64xf32, #tpu.memory_space<vmem>>) dst(%dma_wait3A_107 : memref<10240x64xf32, #tpu.memory_space<vmem_shared>>)
        tpu.yield
      }) : () -> ()
      %add3A_87 = arith.constant 3 : i32
      %add3A_88 = arith.addi %add3A_62, %add3A_87 : i32
      %dma_start3A_89 = arith.constant 0 : i32
      %dma_start3A_90 = tpu.memref_slice %arg6[%add3A_88, %dma_start3A_89] : memref<80x128xi32, #tpu.memory_space<vmem>> -> memref<1x128xi32, #tpu.memory_space<vmem>>
      %dma_start3A_91 = tpu.memref_squeeze %dma_start3A_90 : memref<1x128xi32, #tpu.memory_space<vmem>> -> memref<128xi32, #tpu.memory_space<vmem>>
      %dma_start3A_92 = arith.constant 0 : i32
      %dma_start3A_93 = arith.constant 0 : i32
      %dma_start3A_94 = tpu.memref_slice %arg4[%dma_start3A_92, %dma_start3A_93] : memref<10240x64xf32, #tpu.memory_space<hbm>> -> memref<10240x64xf32, #tpu.memory_space<hbm>>
      tpu.enqueue_indirect_dma source(%dma_start3A_94 : memref<10240x64xf32, #tpu.memory_space<hbm>>) target(%arg9 : memref<128x64xf32, #tpu.memory_space<vmem>>) offsets(%dma_start3A_91 : memref<128xi32, #tpu.memory_space<vmem>>) semaphore(%arg13 : memref<!tpu.dma_semaphore, #tpu.memory_space<semaphore_mem>>)
    }
    %scan3A_39 = arith.constant 39 : i32
    %dma_wait3A = arith.constant 0 : i32
    %dma_wait3A_40 = arith.constant 0 : i32
    %dma_wait3A_41 = tpu.memref_slice %arg6[%dma_wait3A, %dma_wait3A_40] : memref<80x128xi32, #tpu.memory_space<vmem>> -> memref<1x128xi32, #tpu.memory_space<vmem>>
    %dma_wait3A_42 = tpu.memref_squeeze %dma_wait3A_41 : memref<1x128xi32, #tpu.memory_space<vmem>> -> memref<128xi32, #tpu.memory_space<vmem>>
    %dma_wait3A_43 = arith.constant 0 : i32
    %dma_wait3A_44 = arith.constant 0 : i32
    %dma_wait3A_45 = tpu.memref_slice %arg4[%dma_wait3A_43, %dma_wait3A_44] : memref<10240x64xf32, #tpu.memory_space<hbm>> -> memref<10240x64xf32, #tpu.memory_space<hbm>>
    tpu.wait_indirect_dma semaphore(%arg12 : memref<!tpu.dma_semaphore, #tpu.memory_space<semaphore_mem>>) src(%dma_wait3A_45 : memref<10240x64xf32, #tpu.memory_space<hbm>>) dst(%arg8 : memref<128x64xf32, #tpu.memory_space<vmem>>)
    %run_scoped3A = arith.constant 78 : i32
    "tpu.region"() ({
      %run_scoped3A_58 = tpu.sem_alloc : memref<!tpu.dma_semaphore, #tpu.memory_space<semaphore_mem>>
      %dma_start3A_59 = arith.constant 0 : i32
      %dma_start3A_60 = tpu.memref_slice %arg7[%run_scoped3A, %dma_start3A_59] : memref<80x128xi32, #tpu.memory_space<vmem>> -> memref<1x128xi32, #tpu.memory_space<vmem>>
      %dma_start3A_61 = tpu.memref_squeeze %dma_start3A_60 : memref<1x128xi32, #tpu.memory_space<vmem>> -> memref<128xi32, #tpu.memory_space<vmem>>
      %dma_start3A_62 = arith.constant 0 : i32
      %dma_start3A_63 = arith.constant 0 : i32
      %dma_start3A_64 = tpu.memref_slice %arg11[%dma_start3A_62, %dma_start3A_63] : memref<10240x64xf32, #tpu.memory_space<vmem_shared>> -> memref<10240x64xf32, #tpu.memory_space<vmem_shared>>
      tpu.enqueue_indirect_dma source(%arg8 : memref<128x64xf32, #tpu.memory_space<vmem>>) target(%dma_start3A_64 : memref<10240x64xf32, #tpu.memory_space<vmem_shared>>) offsets(%dma_start3A_61 : memref<128xi32, #tpu.memory_space<vmem>>) semaphore(%run_scoped3A_58 : memref<!tpu.dma_semaphore, #tpu.memory_space<semaphore_mem>>) {add = true}
      %dma_wait3A_65 = arith.constant 0 : i32
      %dma_wait3A_66 = tpu.memref_slice %arg7[%run_scoped3A, %dma_wait3A_65] : memref<80x128xi32, #tpu.memory_space<vmem>> -> memref<1x128xi32, #tpu.memory_space<vmem>>
      %dma_wait3A_67 = tpu.memref_squeeze %dma_wait3A_66 : memref<1x128xi32, #tpu.memory_space<vmem>> -> memref<128xi32, #tpu.memory_space<vmem>>
      %dma_wait3A_68 = arith.constant 0 : i32
      %dma_wait3A_69 = arith.constant 0 : i32
      %dma_wait3A_70 = tpu.memref_slice %arg11[%dma_wait3A_68, %dma_wait3A_69] : memref<10240x64xf32, #tpu.memory_space<vmem_shared>> -> memref<10240x64xf32, #tpu.memory_space<vmem_shared>>
      tpu.wait_indirect_dma semaphore(%run_scoped3A_58 : memref<!tpu.dma_semaphore, #tpu.memory_space<semaphore_mem>>) src(%arg8 : memref<128x64xf32, #tpu.memory_space<vmem>>) dst(%dma_wait3A_70 : memref<10240x64xf32, #tpu.memory_space<vmem_shared>>)
      tpu.yield
    }) : () -> ()
    %dma_wait3A_46 = arith.constant 0 : i32
    %dma_wait3A_47 = arith.constant 0 : i32
    %dma_wait3A_48 = tpu.memref_slice %arg6[%dma_wait3A_46, %dma_wait3A_47] : memref<80x128xi32, #tpu.memory_space<vmem>> -> memref<1x128xi32, #tpu.memory_space<vmem>>
    %dma_wait3A_49 = tpu.memref_squeeze %dma_wait3A_48 : memref<1x128xi32, #tpu.memory_space<vmem>> -> memref<128xi32, #tpu.memory_space<vmem>>
    %dma_wait3A_50 = arith.constant 0 : i32
    %dma_wait3A_51 = arith.constant 0 : i32
    %dma_wait3A_52 = tpu.memref_slice %arg4[%dma_wait3A_50, %dma_wait3A_51] : memref<10240x64xf32, #tpu.memory_space<hbm>> -> memref<10240x64xf32, #tpu.memory_space<hbm>>
    tpu.wait_indirect_dma semaphore(%arg13 : memref<!tpu.dma_semaphore, #tpu.memory_space<semaphore_mem>>) src(%dma_wait3A_52 : memref<10240x64xf32, #tpu.memory_space<hbm>>) dst(%arg9 : memref<128x64xf32, #tpu.memory_space<vmem>>)
    %run_scoped3A_53 = arith.constant 79 : i32
    "tpu.region"() ({
      %run_scoped3A_58 = tpu.sem_alloc : memref<!tpu.dma_semaphore, #tpu.memory_space<semaphore_mem>>
      %dma_start3A_59 = arith.constant 0 : i32
      %dma_start3A_60 = tpu.memref_slice %arg7[%run_scoped3A_53, %dma_start3A_59] : memref<80x128xi32, #tpu.memory_space<vmem>> -> memref<1x128xi32, #tpu.memory_space<vmem>>
      %dma_start3A_61 = tpu.memref_squeeze %dma_start3A_60 : memref<1x128xi32, #tpu.memory_space<vmem>> -> memref<128xi32, #tpu.memory_space<vmem>>
      %dma_start3A_62 = arith.constant 0 : i32
      %dma_start3A_63 = arith.constant 0 : i32
      %dma_start3A_64 = tpu.memref_slice %arg11[%dma_start3A_62, %dma_start3A_63] : memref<10240x64xf32, #tpu.memory_space<vmem_shared>> -> memref<10240x64xf32, #tpu.memory_space<vmem_shared>>
      tpu.enqueue_indirect_dma source(%arg9 : memref<128x64xf32, #tpu.memory_space<vmem>>) target(%dma_start3A_64 : memref<10240x64xf32, #tpu.memory_space<vmem_shared>>) offsets(%dma_start3A_61 : memref<128xi32, #tpu.memory_space<vmem>>) semaphore(%run_scoped3A_58 : memref<!tpu.dma_semaphore, #tpu.memory_space<semaphore_mem>>) {add = true}
      %dma_wait3A_65 = arith.constant 0 : i32
      %dma_wait3A_66 = tpu.memref_slice %arg7[%run_scoped3A_53, %dma_wait3A_65] : memref<80x128xi32, #tpu.memory_space<vmem>> -> memref<1x128xi32, #tpu.memory_space<vmem>>
      %dma_wait3A_67 = tpu.memref_squeeze %dma_wait3A_66 : memref<1x128xi32, #tpu.memory_space<vmem>> -> memref<128xi32, #tpu.memory_space<vmem>>
      %dma_wait3A_68 = arith.constant 0 : i32
      %dma_wait3A_69 = arith.constant 0 : i32
      %dma_wait3A_70 = tpu.memref_slice %arg11[%dma_wait3A_68, %dma_wait3A_69] : memref<10240x64xf32, #tpu.memory_space<vmem_shared>> -> memref<10240x64xf32, #tpu.memory_space<vmem_shared>>
      tpu.wait_indirect_dma semaphore(%run_scoped3A_58 : memref<!tpu.dma_semaphore, #tpu.memory_space<semaphore_mem>>) src(%arg9 : memref<128x64xf32, #tpu.memory_space<vmem>>) dst(%dma_wait3A_70 : memref<10240x64xf32, #tpu.memory_space<vmem_shared>>)
      tpu.yield
    }) : () -> ()
    %barrier3A_54 = arith.constant 0 : index
    tpu.barrier barrier_id(%barrier3A_54)
    %mul3A_55 = arith.constant 10240 : i32
    %mul3A_56 = arith.muli %arg0, %mul3A_55 : i32
    %add3A_57 = arith.addi %mul3A_56, %mul3A_7 : i32
    "tpu.region"() ({
      %run_scoped3A_58 = tpu.sem_alloc : memref<!tpu.dma_semaphore, #tpu.memory_space<semaphore_mem>>
      %dma_start3A_59 = arith.constant 0 : i32
      %dma_start3A_60 = tpu.memref_slice %arg5[%add3A_57, %dma_start3A_59] : memref<20480x64xf32, #tpu.memory_space<hbm>> -> memref<640x64xf32, #tpu.memory_space<hbm>>
      %dma_start3A_61 = arith.constant 0 : i32
      %dma_start3A_62 = tpu.memref_slice %arg11[%mul3A_7, %dma_start3A_61] : memref<10240x64xf32, #tpu.memory_space<vmem_shared>> -> memref<640x64xf32, #tpu.memory_space<vmem_shared>>
      tpu.enqueue_dma source(%dma_start3A_62 : memref<640x64xf32, #tpu.memory_space<vmem_shared>>) target(%dma_start3A_60 : memref<640x64xf32, #tpu.memory_space<hbm>>) target_semaphore(%run_scoped3A_58 : memref<!tpu.dma_semaphore, #tpu.memory_space<semaphore_mem>>)
      %dma_wait3A_63 = arith.constant 0 : i32
      %dma_wait3A_64 = tpu.memref_slice %arg5[%add3A_57, %dma_wait3A_63] : memref<20480x64xf32, #tpu.memory_space<hbm>> -> memref<640x64xf32, #tpu.memory_space<hbm>>
      %dma_wait3A_65 = arith.constant 0 : i32
      %dma_wait3A_66 = tpu.memref_slice %arg11[%mul3A_7, %dma_wait3A_65] : memref<10240x64xf32, #tpu.memory_space<vmem_shared>> -> memref<640x64xf32, #tpu.memory_space<vmem_shared>>
      tpu.wait_dma2 semaphore(%run_scoped3A_58 : memref<!tpu.dma_semaphore, #tpu.memory_space<semaphore_mem>>) src(%dma_wait3A_66 : memref<640x64xf32, #tpu.memory_space<vmem_shared>>) dst(%dma_wait3A_64 : memref<640x64xf32, #tpu.memory_space<hbm>>)
      tpu.yield
    }) : () -> ()
    return
  }
}

#map = affine_map<(d0, d1) -> (0, 0)>
module attributes {stable_mosaic.version = 14 : i64} {
  func.func @_agg_kernel(%arg0: i32, %arg1: i32, %arg2: memref<2560x128xi32, #tpu.memory_space<hbm>>, %arg3: memref<2560x128xi32, #tpu.memory_space<hbm>>, %arg4: memref<10240x64xf32, #tpu.memory_space<hbm>>, %arg5: memref<20480x64xf32, #tpu.memory_space<hbm>>, %arg6: memref<80x128xi32, #tpu.memory_space<vmem>>, %arg7: memref<80x128xi32, #tpu.memory_space<vmem>>, %arg8: memref<128x64xf32, #tpu.memory_space<vmem>>, %arg9: memref<128x64xf32, #tpu.memory_space<vmem>>, %arg10: memref<128x64xf32, #tpu.memory_space<vmem>>, %arg11: memref<10240x64xf32, #tpu.memory_space<vmem_shared>>, %arg12: memref<!tpu.dma_semaphore, #tpu.memory_space<semaphore_mem>>, %arg13: memref<!tpu.dma_semaphore, #tpu.memory_space<semaphore_mem>>) attributes {dimension_semantics = [#tpu.dimension_semantics<core_parallel>, #tpu.dimension_semantics<subcore_parallel>], iteration_bounds = array<i64: 2, 16>, scalar_prefetch = 0 : i64, scratch_operands = 8 : i64, tpu.core_type = #tpu.core_type<sc_vector_subcore>, window_params = [{transform_indices = #map}, {transform_indices = #map}, {transform_indices = #map}, {transform_indices = #map}]} {
    %mul3A = arith.constant 2 : i32
    %mul3A_0 = arith.muli %arg1, %mul3A : i32
    %add3A = arith.addi %mul3A_0, %arg0 : i32
    %broadcast_in_dim3A = arith.constant 0.000000e+00 : f32
    %broadcast_in_dim3A_1 = vector.broadcast %broadcast_in_dim3A : f32 to vector<16xf32>
    %scan3A = arith.constant 0 : i32
    %scan3A_2 = arith.constant 128 : i32
    %scan3A_3 = arith.addi %scan3A, %scan3A_2 : i32
    %scan3A_4 = arith.constant 1 : i32
    scf.for %scan3A_58 = %scan3A to %scan3A_3 step %scan3A_4  : i32 {
      %mul3A_59 = arith.constant 1 : i32
      %mul3A_60 = arith.muli %scan3A_58, %mul3A_59 : i32
      %add3A_61 = arith.constant 0 : i32
      %add3A_62 = arith.addi %add3A_61, %mul3A_60 : i32
      %swap3A = arith.index_cast %add3A_62 : i32 to index
      %swap3A_63 = arith.constant 0 : index
      %swap3A_64 = tpu.vector_load %arg10[%swap3A, %swap3A_63] {strides = array<i32>} : memref<128x64xf32, #tpu.memory_space<vmem>>, vector<1x16xf32>,
      %swap3A_65 = vector.shape_cast %swap3A_64 : vector<1x16xf32> to vector<16xf32>
      %swap3A_66 = vector.shape_cast %broadcast_in_dim3A_1 : vector<16xf32> to vector<1x16xf32>
      tpu.vector_store %arg10[%swap3A, %swap3A_63], %swap3A_66 {strides = array<i32>} : memref<128x64xf32, #tpu.memory_space<vmem>>, vector<1x16xf32>,
      %swap3A_67 = arith.index_cast %add3A_62 : i32 to index
      %swap3A_68 = arith.constant 16 : index
      %swap3A_69 = tpu.vector_load %arg10[%swap3A_67, %swap3A_68] {strides = array<i32>} : memref<128x64xf32, #tpu.memory_space<vmem>>, vector<1x16xf32>,
      %swap3A_70 = vector.shape_cast %swap3A_69 : vector<1x16xf32> to vector<16xf32>
      %swap3A_71 = vector.shape_cast %broadcast_in_dim3A_1 : vector<16xf32> to vector<1x16xf32>
      tpu.vector_store %arg10[%swap3A_67, %swap3A_68], %swap3A_71 {strides = array<i32>} : memref<128x64xf32, #tpu.memory_space<vmem>>, vector<1x16xf32>,
      %swap3A_72 = arith.index_cast %add3A_62 : i32 to index
      %swap3A_73 = arith.constant 32 : index
      %swap3A_74 = tpu.vector_load %arg10[%swap3A_72, %swap3A_73] {strides = array<i32>} : memref<128x64xf32, #tpu.memory_space<vmem>>, vector<1x16xf32>,
      %swap3A_75 = vector.shape_cast %swap3A_74 : vector<1x16xf32> to vector<16xf32>
      %swap3A_76 = vector.shape_cast %broadcast_in_dim3A_1 : vector<16xf32> to vector<1x16xf32>
      tpu.vector_store %arg10[%swap3A_72, %swap3A_73], %swap3A_76 {strides = array<i32>} : memref<128x64xf32, #tpu.memory_space<vmem>>, vector<1x16xf32>,
      %swap3A_77 = arith.index_cast %add3A_62 : i32 to index
      %swap3A_78 = arith.constant 48 : index
      %swap3A_79 = tpu.vector_load %arg10[%swap3A_77, %swap3A_78] {strides = array<i32>} : memref<128x64xf32, #tpu.memory_space<vmem>>, vector<1x16xf32>,
      %swap3A_80 = vector.shape_cast %swap3A_79 : vector<1x16xf32> to vector<16xf32>
      %swap3A_81 = vector.shape_cast %broadcast_in_dim3A_1 : vector<16xf32> to vector<1x16xf32>
      tpu.vector_store %arg10[%swap3A_77, %swap3A_78], %swap3A_81 {strides = array<i32>} : memref<128x64xf32, #tpu.memory_space<vmem>>, vector<1x16xf32>,
    }
    %scan3A_5 = arith.constant 128 : i32
    %mul3A_6 = arith.constant 640 : i32
    %mul3A_7 = arith.muli %arg1, %mul3A_6 : i32
    %add3A_8 = arith.constant 0 : i32
    %add3A_9 = arith.addi %mul3A_7, %add3A_8 : i32
    "tpu.region"() ({
      %run_scoped3A_58 = tpu.sem_alloc : memref<!tpu.dma_semaphore, #tpu.memory_space<semaphore_mem>>
      %dma_start3A_59 = arith.constant 0 : i32
      %dma_start3A_60 = tpu.memref_slice %arg11[%add3A_9, %dma_start3A_59] : memref<10240x64xf32, #tpu.memory_space<vmem_shared>> -> memref<128x64xf32, #tpu.memory_space<vmem_shared>>
      %dma_start3A_61 = arith.constant 0 : i32
      %dma_start3A_62 = tpu.memref_slice %arg11[%add3A_9, %dma_start3A_61] : memref<10240x64xf32, #tpu.memory_space<vmem_shared>> -> memref<128x64xf32, #tpu.memory_space<vmem_shared>>
      tpu.enqueue_dma source(%arg10 : memref<128x64xf32, #tpu.memory_space<vmem>>) target(%dma_start3A_62 : memref<128x64xf32, #tpu.memory_space<vmem_shared>>) target_semaphore(%run_scoped3A_58 : memref<!tpu.dma_semaphore, #tpu.memory_space<semaphore_mem>>)
      %dma_wait3A_63 = arith.constant 0 : i32
      %dma_wait3A_64 = tpu.memref_slice %arg11[%add3A_9, %dma_wait3A_63] : memref<10240x64xf32, #tpu.memory_space<vmem_shared>> -> memref<128x64xf32, #tpu.memory_space<vmem_shared>>
      %dma_wait3A_65 = arith.constant 0 : i32
      %dma_wait3A_66 = tpu.memref_slice %arg11[%add3A_9, %dma_wait3A_65] : memref<10240x64xf32, #tpu.memory_space<vmem_shared>> -> memref<128x64xf32, #tpu.memory_space<vmem_shared>>
      tpu.wait_dma2 semaphore(%run_scoped3A_58 : memref<!tpu.dma_semaphore, #tpu.memory_space<semaphore_mem>>) src(%arg10 : memref<128x64xf32, #tpu.memory_space<vmem>>) dst(%dma_wait3A_66 : memref<128x64xf32, #tpu.memory_space<vmem_shared>>)
      tpu.yield
    }) : () -> ()
    %add3A_10 = arith.constant 128 : i32
    %add3A_11 = arith.addi %mul3A_7, %add3A_10 : i32
    "tpu.region"() ({
      %run_scoped3A_58 = tpu.sem_alloc : memref<!tpu.dma_semaphore, #tpu.memory_space<semaphore_mem>>
      %dma_start3A_59 = arith.constant 0 : i32
      %dma_start3A_60 = tpu.memref_slice %arg11[%add3A_11, %dma_start3A_59] : memref<10240x64xf32, #tpu.memory_space<vmem_shared>> -> memref<128x64xf32, #tpu.memory_space<vmem_shared>>
      %dma_start3A_61 = arith.constant 0 : i32
      %dma_start3A_62 = tpu.memref_slice %arg11[%add3A_11, %dma_start3A_61] : memref<10240x64xf32, #tpu.memory_space<vmem_shared>> -> memref<128x64xf32, #tpu.memory_space<vmem_shared>>
      tpu.enqueue_dma source(%arg10 : memref<128x64xf32, #tpu.memory_space<vmem>>) target(%dma_start3A_62 : memref<128x64xf32, #tpu.memory_space<vmem_shared>>) target_semaphore(%run_scoped3A_58 : memref<!tpu.dma_semaphore, #tpu.memory_space<semaphore_mem>>)
      %dma_wait3A_63 = arith.constant 0 : i32
      %dma_wait3A_64 = tpu.memref_slice %arg11[%add3A_11, %dma_wait3A_63] : memref<10240x64xf32, #tpu.memory_space<vmem_shared>> -> memref<128x64xf32, #tpu.memory_space<vmem_shared>>
      %dma_wait3A_65 = arith.constant 0 : i32
      %dma_wait3A_66 = tpu.memref_slice %arg11[%add3A_11, %dma_wait3A_65] : memref<10240x64xf32, #tpu.memory_space<vmem_shared>> -> memref<128x64xf32, #tpu.memory_space<vmem_shared>>
      tpu.wait_dma2 semaphore(%run_scoped3A_58 : memref<!tpu.dma_semaphore, #tpu.memory_space<semaphore_mem>>) src(%arg10 : memref<128x64xf32, #tpu.memory_space<vmem>>) dst(%dma_wait3A_66 : memref<128x64xf32, #tpu.memory_space<vmem_shared>>)
      tpu.yield
    }) : () -> ()
    %add3A_12 = arith.constant 256 : i32
    %add3A_13 = arith.addi %mul3A_7, %add3A_12 : i32
    "tpu.region"() ({
      %run_scoped3A_58 = tpu.sem_alloc : memref<!tpu.dma_semaphore, #tpu.memory_space<semaphore_mem>>
      %dma_start3A_59 = arith.constant 0 : i32
      %dma_start3A_60 = tpu.memref_slice %arg11[%add3A_13, %dma_start3A_59] : memref<10240x64xf32, #tpu.memory_space<vmem_shared>> -> memref<128x64xf32, #tpu.memory_space<vmem_shared>>
      %dma_start3A_61 = arith.constant 0 : i32
      %dma_start3A_62 = tpu.memref_slice %arg11[%add3A_13, %dma_start3A_61] : memref<10240x64xf32, #tpu.memory_space<vmem_shared>> -> memref<128x64xf32, #tpu.memory_space<vmem_shared>>
      tpu.enqueue_dma source(%arg10 : memref<128x64xf32, #tpu.memory_space<vmem>>) target(%dma_start3A_62 : memref<128x64xf32, #tpu.memory_space<vmem_shared>>) target_semaphore(%run_scoped3A_58 : memref<!tpu.dma_semaphore, #tpu.memory_space<semaphore_mem>>)
      %dma_wait3A_63 = arith.constant 0 : i32
      %dma_wait3A_64 = tpu.memref_slice %arg11[%add3A_13, %dma_wait3A_63] : memref<10240x64xf32, #tpu.memory_space<vmem_shared>> -> memref<128x64xf32, #tpu.memory_space<vmem_shared>>
      %dma_wait3A_65 = arith.constant 0 : i32
      %dma_wait3A_66 = tpu.memref_slice %arg11[%add3A_13, %dma_wait3A_65] : memref<10240x64xf32, #tpu.memory_space<vmem_shared>> -> memref<128x64xf32, #tpu.memory_space<vmem_shared>>
      tpu.wait_dma2 semaphore(%run_scoped3A_58 : memref<!tpu.dma_semaphore, #tpu.memory_space<semaphore_mem>>) src(%arg10 : memref<128x64xf32, #tpu.memory_space<vmem>>) dst(%dma_wait3A_66 : memref<128x64xf32, #tpu.memory_space<vmem_shared>>)
      tpu.yield
    }) : () -> ()
    %add3A_14 = arith.constant 384 : i32
    %add3A_15 = arith.addi %mul3A_7, %add3A_14 : i32
    "tpu.region"() ({
      %run_scoped3A_58 = tpu.sem_alloc : memref<!tpu.dma_semaphore, #tpu.memory_space<semaphore_mem>>
      %dma_start3A_59 = arith.constant 0 : i32
      %dma_start3A_60 = tpu.memref_slice %arg11[%add3A_15, %dma_start3A_59] : memref<10240x64xf32, #tpu.memory_space<vmem_shared>> -> memref<128x64xf32, #tpu.memory_space<vmem_shared>>
      %dma_start3A_61 = arith.constant 0 : i32
      %dma_start3A_62 = tpu.memref_slice %arg11[%add3A_15, %dma_start3A_61] : memref<10240x64xf32, #tpu.memory_space<vmem_shared>> -> memref<128x64xf32, #tpu.memory_space<vmem_shared>>
      tpu.enqueue_dma source(%arg10 : memref<128x64xf32, #tpu.memory_space<vmem>>) target(%dma_start3A_62 : memref<128x64xf32, #tpu.memory_space<vmem_shared>>) target_semaphore(%run_scoped3A_58 : memref<!tpu.dma_semaphore, #tpu.memory_space<semaphore_mem>>)
      %dma_wait3A_63 = arith.constant 0 : i32
      %dma_wait3A_64 = tpu.memref_slice %arg11[%add3A_15, %dma_wait3A_63] : memref<10240x64xf32, #tpu.memory_space<vmem_shared>> -> memref<128x64xf32, #tpu.memory_space<vmem_shared>>
      %dma_wait3A_65 = arith.constant 0 : i32
      %dma_wait3A_66 = tpu.memref_slice %arg11[%add3A_15, %dma_wait3A_65] : memref<10240x64xf32, #tpu.memory_space<vmem_shared>> -> memref<128x64xf32, #tpu.memory_space<vmem_shared>>
      tpu.wait_dma2 semaphore(%run_scoped3A_58 : memref<!tpu.dma_semaphore, #tpu.memory_space<semaphore_mem>>) src(%arg10 : memref<128x64xf32, #tpu.memory_space<vmem>>) dst(%dma_wait3A_66 : memref<128x64xf32, #tpu.memory_space<vmem_shared>>)
      tpu.yield
    }) : () -> ()
    %add3A_16 = arith.constant 512 : i32
    %add3A_17 = arith.addi %mul3A_7, %add3A_16 : i32
    "tpu.region"() ({
      %run_scoped3A_58 = tpu.sem_alloc : memref<!tpu.dma_semaphore, #tpu.memory_space<semaphore_mem>>
      %dma_start3A_59 = arith.constant 0 : i32
      %dma_start3A_60 = tpu.memref_slice %arg11[%add3A_17, %dma_start3A_59] : memref<10240x64xf32, #tpu.memory_space<vmem_shared>> -> memref<128x64xf32, #tpu.memory_space<vmem_shared>>
      %dma_start3A_61 = arith.constant 0 : i32
      %dma_start3A_62 = tpu.memref_slice %arg11[%add3A_17, %dma_start3A_61] : memref<10240x64xf32, #tpu.memory_space<vmem_shared>> -> memref<128x64xf32, #tpu.memory_space<vmem_shared>>
      tpu.enqueue_dma source(%arg10 : memref<128x64xf32, #tpu.memory_space<vmem>>) target(%dma_start3A_62 : memref<128x64xf32, #tpu.memory_space<vmem_shared>>) target_semaphore(%run_scoped3A_58 : memref<!tpu.dma_semaphore, #tpu.memory_space<semaphore_mem>>)
      %dma_wait3A_63 = arith.constant 0 : i32
      %dma_wait3A_64 = tpu.memref_slice %arg11[%add3A_17, %dma_wait3A_63] : memref<10240x64xf32, #tpu.memory_space<vmem_shared>> -> memref<128x64xf32, #tpu.memory_space<vmem_shared>>
      %dma_wait3A_65 = arith.constant 0 : i32
      %dma_wait3A_66 = tpu.memref_slice %arg11[%add3A_17, %dma_wait3A_65] : memref<10240x64xf32, #tpu.memory_space<vmem_shared>> -> memref<128x64xf32, #tpu.memory_space<vmem_shared>>
      tpu.wait_dma2 semaphore(%run_scoped3A_58 : memref<!tpu.dma_semaphore, #tpu.memory_space<semaphore_mem>>) src(%arg10 : memref<128x64xf32, #tpu.memory_space<vmem>>) dst(%dma_wait3A_66 : memref<128x64xf32, #tpu.memory_space<vmem_shared>>)
      tpu.yield
    }) : () -> ()
    %barrier3A = arith.constant 0 : index
    tpu.barrier barrier_id(%barrier3A)
    %mul3A_18 = arith.constant 80 : i32
    %mul3A_19 = arith.muli %add3A, %mul3A_18 : i32
    "tpu.region"() ({
      %run_scoped3A_58 = tpu.sem_alloc : memref<!tpu.dma_semaphore, #tpu.memory_space<semaphore_mem>>
      %dma_start3A_59 = arith.constant 0 : i32
      %dma_start3A_60 = tpu.memref_slice %arg2[%mul3A_19, %dma_start3A_59] : memref<2560x128xi32, #tpu.memory_space<hbm>> -> memref<80x128xi32, #tpu.memory_space<hbm>>
      %dma_start3A_61 = arith.constant 0 : i32
      %dma_start3A_62 = tpu.memref_slice %arg2[%mul3A_19, %dma_start3A_61] : memref<2560x128xi32, #tpu.memory_space<hbm>> -> memref<80x128xi32, #tpu.memory_space<hbm>>
      tpu.enqueue_dma source(%dma_start3A_62 : memref<80x128xi32, #tpu.memory_space<hbm>>) target(%arg6 : memref<80x128xi32, #tpu.memory_space<vmem>>) target_semaphore(%run_scoped3A_58 : memref<!tpu.dma_semaphore, #tpu.memory_space<semaphore_mem>>)
      %dma_wait3A_63 = arith.constant 0 : i32
      %dma_wait3A_64 = tpu.memref_slice %arg2[%mul3A_19, %dma_wait3A_63] : memref<2560x128xi32, #tpu.memory_space<hbm>> -> memref<80x128xi32, #tpu.memory_space<hbm>>
      %dma_wait3A_65 = arith.constant 0 : i32
      %dma_wait3A_66 = tpu.memref_slice %arg2[%mul3A_19, %dma_wait3A_65] : memref<2560x128xi32, #tpu.memory_space<hbm>> -> memref<80x128xi32, #tpu.memory_space<hbm>>
      tpu.wait_dma2 semaphore(%run_scoped3A_58 : memref<!tpu.dma_semaphore, #tpu.memory_space<semaphore_mem>>) src(%dma_wait3A_66 : memref<80x128xi32, #tpu.memory_space<hbm>>) dst(%arg6 : memref<80x128xi32, #tpu.memory_space<vmem>>)
      tpu.yield
    }) : () -> ()
    %mul3A_20 = arith.constant 80 : i32
    %mul3A_21 = arith.muli %add3A, %mul3A_20 : i32
    "tpu.region"() ({
      %run_scoped3A_58 = tpu.sem_alloc : memref<!tpu.dma_semaphore, #tpu.memory_space<semaphore_mem>>
      %dma_start3A_59 = arith.constant 0 : i32
      %dma_start3A_60 = tpu.memref_slice %arg3[%mul3A_21, %dma_start3A_59] : memref<2560x128xi32, #tpu.memory_space<hbm>> -> memref<80x128xi32, #tpu.memory_space<hbm>>
      %dma_start3A_61 = arith.constant 0 : i32
      %dma_start3A_62 = tpu.memref_slice %arg3[%mul3A_21, %dma_start3A_61] : memref<2560x128xi32, #tpu.memory_space<hbm>> -> memref<80x128xi32, #tpu.memory_space<hbm>>
      tpu.enqueue_dma source(%dma_start3A_62 : memref<80x128xi32, #tpu.memory_space<hbm>>) target(%arg7 : memref<80x128xi32, #tpu.memory_space<vmem>>) target_semaphore(%run_scoped3A_58 : memref<!tpu.dma_semaphore, #tpu.memory_space<semaphore_mem>>)
      %dma_wait3A_63 = arith.constant 0 : i32
      %dma_wait3A_64 = tpu.memref_slice %arg3[%mul3A_21, %dma_wait3A_63] : memref<2560x128xi32, #tpu.memory_space<hbm>> -> memref<80x128xi32, #tpu.memory_space<hbm>>
      %dma_wait3A_65 = arith.constant 0 : i32
      %dma_wait3A_66 = tpu.memref_slice %arg3[%mul3A_21, %dma_wait3A_65] : memref<2560x128xi32, #tpu.memory_space<hbm>> -> memref<80x128xi32, #tpu.memory_space<hbm>>
      tpu.wait_dma2 semaphore(%run_scoped3A_58 : memref<!tpu.dma_semaphore, #tpu.memory_space<semaphore_mem>>) src(%dma_wait3A_66 : memref<80x128xi32, #tpu.memory_space<hbm>>) dst(%arg7 : memref<80x128xi32, #tpu.memory_space<vmem>>)
      tpu.yield
    }) : () -> ()
    %dma_start3A = arith.constant 0 : i32
    %dma_start3A_22 = arith.constant 0 : i32
    %dma_start3A_23 = tpu.memref_slice %arg6[%dma_start3A, %dma_start3A_22] : memref<80x128xi32, #tpu.memory_space<vmem>> -> memref<1x128xi32, #tpu.memory_space<vmem>>
    %dma_start3A_24 = tpu.memref_squeeze %dma_start3A_23 : memref<1x128xi32, #tpu.memory_space<vmem>> -> memref<128xi32, #tpu.memory_space<vmem>>
    %dma_start3A_25 = arith.constant 0 : i32
    %dma_start3A_26 = arith.constant 0 : i32
    %dma_start3A_27 = tpu.memref_slice %arg4[%dma_start3A_25, %dma_start3A_26] : memref<10240x64xf32, #tpu.memory_space<hbm>> -> memref<10240x64xf32, #tpu.memory_space<hbm>>
    tpu.enqueue_indirect_dma source(%dma_start3A_27 : memref<10240x64xf32, #tpu.memory_space<hbm>>) target(%arg8 : memref<128x64xf32, #tpu.memory_space<vmem>>) offsets(%dma_start3A_24 : memref<128xi32, #tpu.memory_space<vmem>>) semaphore(%arg12 : memref<!tpu.dma_semaphore, #tpu.memory_space<semaphore_mem>>)
    %dma_start3A_28 = arith.constant 1 : i32
    %dma_start3A_29 = arith.constant 0 : i32
    %dma_start3A_30 = tpu.memref_slice %arg6[%dma_start3A_28, %dma_start3A_29] : memref<80x128xi32, #tpu.memory_space<vmem>> -> memref<1x128xi32, #tpu.memory_space<vmem>>
    %dma_start3A_31 = tpu.memref_squeeze %dma_start3A_30 : memref<1x128xi32, #tpu.memory_space<vmem>> -> memref<128xi32, #tpu.memory_space<vmem>>
    %dma_start3A_32 = arith.constant 0 : i32
    %dma_start3A_33 = arith.constant 0 : i32
    %dma_start3A_34 = tpu.memref_slice %arg4[%dma_start3A_32, %dma_start3A_33] : memref<10240x64xf32, #tpu.memory_space<hbm>> -> memref<10240x64xf32, #tpu.memory_space<hbm>>
    tpu.enqueue_indirect_dma source(%dma_start3A_34 : memref<10240x64xf32, #tpu.memory_space<hbm>>) target(%arg9 : memref<128x64xf32, #tpu.memory_space<vmem>>) offsets(%dma_start3A_31 : memref<128xi32, #tpu.memory_space<vmem>>) semaphore(%arg13 : memref<!tpu.dma_semaphore, #tpu.memory_space<semaphore_mem>>)
    %scan3A_35 = arith.constant 0 : i32
    %scan3A_36 = arith.constant 39 : i32
    %scan3A_37 = arith.addi %scan3A_35, %scan3A_36 : i32
    %scan3A_38 = arith.constant 1 : i32
    scf.for %scan3A_58 = %scan3A_35 to %scan3A_37 step %scan3A_38  : i32 {
      %mul3A_59 = arith.constant 2 : i32
      %mul3A_60 = arith.muli %scan3A_58, %mul3A_59 : i32
      %add3A_61 = arith.constant 0 : i32
      %add3A_62 = arith.addi %add3A_61, %mul3A_60 : i32
      %dma_wait3A_63 = arith.constant 0 : i32
      %dma_wait3A_64 = arith.constant 0 : i32
      %dma_wait3A_65 = tpu.memref_slice %arg6[%dma_wait3A_63, %dma_wait3A_64] : memref<80x128xi32, #tpu.memory_space<vmem>> -> memref<1x128xi32, #tpu.memory_space<vmem>>
      %dma_wait3A_66 = tpu.memref_squeeze %dma_wait3A_65 : memref<1x128xi32, #tpu.memory_space<vmem>> -> memref<128xi32, #tpu.memory_space<vmem>>
      %dma_wait3A_67 = arith.constant 0 : i32
      %dma_wait3A_68 = arith.constant 0 : i32
      %dma_wait3A_69 = tpu.memref_slice %arg4[%dma_wait3A_67, %dma_wait3A_68] : memref<10240x64xf32, #tpu.memory_space<hbm>> -> memref<10240x64xf32, #tpu.memory_space<hbm>>
      tpu.wait_indirect_dma semaphore(%arg12 : memref<!tpu.dma_semaphore, #tpu.memory_space<semaphore_mem>>) src(%dma_wait3A_69 : memref<10240x64xf32, #tpu.memory_space<hbm>>) dst(%arg8 : memref<128x64xf32, #tpu.memory_space<vmem>>)
      "tpu.region"() ({
        %run_scoped3A_95 = tpu.sem_alloc : memref<!tpu.dma_semaphore, #tpu.memory_space<semaphore_mem>>
        %dma_start3A_96 = arith.constant 0 : i32
        %dma_start3A_97 = tpu.memref_slice %arg7[%add3A_62, %dma_start3A_96] : memref<80x128xi32, #tpu.memory_space<vmem>> -> memref<1x128xi32, #tpu.memory_space<vmem>>
        %dma_start3A_98 = tpu.memref_squeeze %dma_start3A_97 : memref<1x128xi32, #tpu.memory_space<vmem>> -> memref<128xi32, #tpu.memory_space<vmem>>
        %dma_start3A_99 = arith.constant 0 : i32
        %dma_start3A_100 = arith.constant 0 : i32
        %dma_start3A_101 = tpu.memref_slice %arg11[%dma_start3A_99, %dma_start3A_100] : memref<10240x64xf32, #tpu.memory_space<vmem_shared>> -> memref<10240x64xf32, #tpu.memory_space<vmem_shared>>
        tpu.enqueue_indirect_dma source(%arg8 : memref<128x64xf32, #tpu.memory_space<vmem>>) target(%dma_start3A_101 : memref<10240x64xf32, #tpu.memory_space<vmem_shared>>) offsets(%dma_start3A_98 : memref<128xi32, #tpu.memory_space<vmem>>) semaphore(%run_scoped3A_95 : memref<!tpu.dma_semaphore, #tpu.memory_space<semaphore_mem>>) {add = true}
        %dma_wait3A_102 = arith.constant 0 : i32
        %dma_wait3A_103 = tpu.memref_slice %arg7[%add3A_62, %dma_wait3A_102] : memref<80x128xi32, #tpu.memory_space<vmem>> -> memref<1x128xi32, #tpu.memory_space<vmem>>
        %dma_wait3A_104 = tpu.memref_squeeze %dma_wait3A_103 : memref<1x128xi32, #tpu.memory_space<vmem>> -> memref<128xi32, #tpu.memory_space<vmem>>
        %dma_wait3A_105 = arith.constant 0 : i32
        %dma_wait3A_106 = arith.constant 0 : i32
        %dma_wait3A_107 = tpu.memref_slice %arg11[%dma_wait3A_105, %dma_wait3A_106] : memref<10240x64xf32, #tpu.memory_space<vmem_shared>> -> memref<10240x64xf32, #tpu.memory_space<vmem_shared>>
        tpu.wait_indirect_dma semaphore(%run_scoped3A_95 : memref<!tpu.dma_semaphore, #tpu.memory_space<semaphore_mem>>) src(%arg8 : memref<128x64xf32, #tpu.memory_space<vmem>>) dst(%dma_wait3A_107 : memref<10240x64xf32, #tpu.memory_space<vmem_shared>>)
        tpu.yield
      }) : () -> ()
      %add3A_70 = arith.constant 2 : i32
      %add3A_71 = arith.addi %add3A_62, %add3A_70 : i32
      %dma_start3A_72 = arith.constant 0 : i32
      %dma_start3A_73 = tpu.memref_slice %arg6[%add3A_71, %dma_start3A_72] : memref<80x128xi32, #tpu.memory_space<vmem>> -> memref<1x128xi32, #tpu.memory_space<vmem>>
      %dma_start3A_74 = tpu.memref_squeeze %dma_start3A_73 : memref<1x128xi32, #tpu.memory_space<vmem>> -> memref<128xi32, #tpu.memory_space<vmem>>
      %dma_start3A_75 = arith.constant 0 : i32
      %dma_start3A_76 = arith.constant 0 : i32
      %dma_start3A_77 = tpu.memref_slice %arg4[%dma_start3A_75, %dma_start3A_76] : memref<10240x64xf32, #tpu.memory_space<hbm>> -> memref<10240x64xf32, #tpu.memory_space<hbm>>
      tpu.enqueue_indirect_dma source(%dma_start3A_77 : memref<10240x64xf32, #tpu.memory_space<hbm>>) target(%arg8 : memref<128x64xf32, #tpu.memory_space<vmem>>) offsets(%dma_start3A_74 : memref<128xi32, #tpu.memory_space<vmem>>) semaphore(%arg12 : memref<!tpu.dma_semaphore, #tpu.memory_space<semaphore_mem>>)
      %dma_wait3A_78 = arith.constant 0 : i32
      %dma_wait3A_79 = arith.constant 0 : i32
      %dma_wait3A_80 = tpu.memref_slice %arg6[%dma_wait3A_78, %dma_wait3A_79] : memref<80x128xi32, #tpu.memory_space<vmem>> -> memref<1x128xi32, #tpu.memory_space<vmem>>
      %dma_wait3A_81 = tpu.memref_squeeze %dma_wait3A_80 : memref<1x128xi32, #tpu.memory_space<vmem>> -> memref<128xi32, #tpu.memory_space<vmem>>
      %dma_wait3A_82 = arith.constant 0 : i32
      %dma_wait3A_83 = arith.constant 0 : i32
      %dma_wait3A_84 = tpu.memref_slice %arg4[%dma_wait3A_82, %dma_wait3A_83] : memref<10240x64xf32, #tpu.memory_space<hbm>> -> memref<10240x64xf32, #tpu.memory_space<hbm>>
      tpu.wait_indirect_dma semaphore(%arg13 : memref<!tpu.dma_semaphore, #tpu.memory_space<semaphore_mem>>) src(%dma_wait3A_84 : memref<10240x64xf32, #tpu.memory_space<hbm>>) dst(%arg9 : memref<128x64xf32, #tpu.memory_space<vmem>>)
      %add3A_85 = arith.constant 1 : i32
      %add3A_86 = arith.addi %add3A_62, %add3A_85 : i32
      "tpu.region"() ({
        %run_scoped3A_95 = tpu.sem_alloc : memref<!tpu.dma_semaphore, #tpu.memory_space<semaphore_mem>>
        %dma_start3A_96 = arith.constant 0 : i32
        %dma_start3A_97 = tpu.memref_slice %arg7[%add3A_86, %dma_start3A_96] : memref<80x128xi32, #tpu.memory_space<vmem>> -> memref<1x128xi32, #tpu.memory_space<vmem>>
        %dma_start3A_98 = tpu.memref_squeeze %dma_start3A_97 : memref<1x128xi32, #tpu.memory_space<vmem>> -> memref<128xi32, #tpu.memory_space<vmem>>
        %dma_start3A_99 = arith.constant 0 : i32
        %dma_start3A_100 = arith.constant 0 : i32
        %dma_start3A_101 = tpu.memref_slice %arg11[%dma_start3A_99, %dma_start3A_100] : memref<10240x64xf32, #tpu.memory_space<vmem_shared>> -> memref<10240x64xf32, #tpu.memory_space<vmem_shared>>
        tpu.enqueue_indirect_dma source(%arg9 : memref<128x64xf32, #tpu.memory_space<vmem>>) target(%dma_start3A_101 : memref<10240x64xf32, #tpu.memory_space<vmem_shared>>) offsets(%dma_start3A_98 : memref<128xi32, #tpu.memory_space<vmem>>) semaphore(%run_scoped3A_95 : memref<!tpu.dma_semaphore, #tpu.memory_space<semaphore_mem>>) {add = true}
        %dma_wait3A_102 = arith.constant 0 : i32
        %dma_wait3A_103 = tpu.memref_slice %arg7[%add3A_86, %dma_wait3A_102] : memref<80x128xi32, #tpu.memory_space<vmem>> -> memref<1x128xi32, #tpu.memory_space<vmem>>
        %dma_wait3A_104 = tpu.memref_squeeze %dma_wait3A_103 : memref<1x128xi32, #tpu.memory_space<vmem>> -> memref<128xi32, #tpu.memory_space<vmem>>
        %dma_wait3A_105 = arith.constant 0 : i32
        %dma_wait3A_106 = arith.constant 0 : i32
        %dma_wait3A_107 = tpu.memref_slice %arg11[%dma_wait3A_105, %dma_wait3A_106] : memref<10240x64xf32, #tpu.memory_space<vmem_shared>> -> memref<10240x64xf32, #tpu.memory_space<vmem_shared>>
        tpu.wait_indirect_dma semaphore(%run_scoped3A_95 : memref<!tpu.dma_semaphore, #tpu.memory_space<semaphore_mem>>) src(%arg9 : memref<128x64xf32, #tpu.memory_space<vmem>>) dst(%dma_wait3A_107 : memref<10240x64xf32, #tpu.memory_space<vmem_shared>>)
        tpu.yield
      }) : () -> ()
      %add3A_87 = arith.constant 3 : i32
      %add3A_88 = arith.addi %add3A_62, %add3A_87 : i32
      %dma_start3A_89 = arith.constant 0 : i32
      %dma_start3A_90 = tpu.memref_slice %arg6[%add3A_88, %dma_start3A_89] : memref<80x128xi32, #tpu.memory_space<vmem>> -> memref<1x128xi32, #tpu.memory_space<vmem>>
      %dma_start3A_91 = tpu.memref_squeeze %dma_start3A_90 : memref<1x128xi32, #tpu.memory_space<vmem>> -> memref<128xi32, #tpu.memory_space<vmem>>
      %dma_start3A_92 = arith.constant 0 : i32
      %dma_start3A_93 = arith.constant 0 : i32
      %dma_start3A_94 = tpu.memref_slice %arg4[%dma_start3A_92, %dma_start3A_93] : memref<10240x64xf32, #tpu.memory_space<hbm>> -> memref<10240x64xf32, #tpu.memory_space<hbm>>
      tpu.enqueue_indirect_dma source(%dma_start3A_94 : memref<10240x64xf32, #tpu.memory_space<hbm>>) target(%arg9 : memref<128x64xf32, #tpu.memory_space<vmem>>) offsets(%dma_start3A_91 : memref<128xi32, #tpu.memory_space<vmem>>) semaphore(%arg13 : memref<!tpu.dma_semaphore, #tpu.memory_space<semaphore_mem>>)
    }
    %scan3A_39 = arith.constant 39 : i32
    %dma_wait3A = arith.constant 0 : i32
    %dma_wait3A_40 = arith.constant 0 : i32
    %dma_wait3A_41 = tpu.memref_slice %arg6[%dma_wait3A, %dma_wait3A_40] : memref<80x128xi32, #tpu.memory_space<vmem>> -> memref<1x128xi32, #tpu.memory_space<vmem>>
    %dma_wait3A_42 = tpu.memref_squeeze %dma_wait3A_41 : memref<1x128xi32, #tpu.memory_space<vmem>> -> memref<128xi32, #tpu.memory_space<vmem>>
    %dma_wait3A_43 = arith.constant 0 : i32
    %dma_wait3A_44 = arith.constant 0 : i32
    %dma_wait3A_45 = tpu.memref_slice %arg4[%dma_wait3A_43, %dma_wait3A_44] : memref<10240x64xf32, #tpu.memory_space<hbm>> -> memref<10240x64xf32, #tpu.memory_space<hbm>>
    tpu.wait_indirect_dma semaphore(%arg12 : memref<!tpu.dma_semaphore, #tpu.memory_space<semaphore_mem>>) src(%dma_wait3A_45 : memref<10240x64xf32, #tpu.memory_space<hbm>>) dst(%arg8 : memref<128x64xf32, #tpu.memory_space<vmem>>)
    %run_scoped3A = arith.constant 78 : i32
    "tpu.region"() ({
      %run_scoped3A_58 = tpu.sem_alloc : memref<!tpu.dma_semaphore, #tpu.memory_space<semaphore_mem>>
      %dma_start3A_59 = arith.constant 0 : i32
      %dma_start3A_60 = tpu.memref_slice %arg7[%run_scoped3A, %dma_start3A_59] : memref<80x128xi32, #tpu.memory_space<vmem>> -> memref<1x128xi32, #tpu.memory_space<vmem>>
      %dma_start3A_61 = tpu.memref_squeeze %dma_start3A_60 : memref<1x128xi32, #tpu.memory_space<vmem>> -> memref<128xi32, #tpu.memory_space<vmem>>
      %dma_start3A_62 = arith.constant 0 : i32
      %dma_start3A_63 = arith.constant 0 : i32
      %dma_start3A_64 = tpu.memref_slice %arg11[%dma_start3A_62, %dma_start3A_63] : memref<10240x64xf32, #tpu.memory_space<vmem_shared>> -> memref<10240x64xf32, #tpu.memory_space<vmem_shared>>
      tpu.enqueue_indirect_dma source(%arg8 : memref<128x64xf32, #tpu.memory_space<vmem>>) target(%dma_start3A_64 : memref<10240x64xf32, #tpu.memory_space<vmem_shared>>) offsets(%dma_start3A_61 : memref<128xi32, #tpu.memory_space<vmem>>) semaphore(%run_scoped3A_58 : memref<!tpu.dma_semaphore, #tpu.memory_space<semaphore_mem>>) {add = true}
      %dma_wait3A_65 = arith.constant 0 : i32
      %dma_wait3A_66 = tpu.memref_slice %arg7[%run_scoped3A, %dma_wait3A_65] : memref<80x128xi32, #tpu.memory_space<vmem>> -> memref<1x128xi32, #tpu.memory_space<vmem>>
      %dma_wait3A_67 = tpu.memref_squeeze %dma_wait3A_66 : memref<1x128xi32, #tpu.memory_space<vmem>> -> memref<128xi32, #tpu.memory_space<vmem>>
      %dma_wait3A_68 = arith.constant 0 : i32
      %dma_wait3A_69 = arith.constant 0 : i32
      %dma_wait3A_70 = tpu.memref_slice %arg11[%dma_wait3A_68, %dma_wait3A_69] : memref<10240x64xf32, #tpu.memory_space<vmem_shared>> -> memref<10240x64xf32, #tpu.memory_space<vmem_shared>>
      tpu.wait_indirect_dma semaphore(%run_scoped3A_58 : memref<!tpu.dma_semaphore, #tpu.memory_space<semaphore_mem>>) src(%arg8 : memref<128x64xf32, #tpu.memory_space<vmem>>) dst(%dma_wait3A_70 : memref<10240x64xf32, #tpu.memory_space<vmem_shared>>)
      tpu.yield
    }) : () -> ()
    %dma_wait3A_46 = arith.constant 0 : i32
    %dma_wait3A_47 = arith.constant 0 : i32
    %dma_wait3A_48 = tpu.memref_slice %arg6[%dma_wait3A_46, %dma_wait3A_47] : memref<80x128xi32, #tpu.memory_space<vmem>> -> memref<1x128xi32, #tpu.memory_space<vmem>>
    %dma_wait3A_49 = tpu.memref_squeeze %dma_wait3A_48 : memref<1x128xi32, #tpu.memory_space<vmem>> -> memref<128xi32, #tpu.memory_space<vmem>>
    %dma_wait3A_50 = arith.constant 0 : i32
    %dma_wait3A_51 = arith.constant 0 : i32
    %dma_wait3A_52 = tpu.memref_slice %arg4[%dma_wait3A_50, %dma_wait3A_51] : memref<10240x64xf32, #tpu.memory_space<hbm>> -> memref<10240x64xf32, #tpu.memory_space<hbm>>
    tpu.wait_indirect_dma semaphore(%arg13 : memref<!tpu.dma_semaphore, #tpu.memory_space<semaphore_mem>>) src(%dma_wait3A_52 : memref<10240x64xf32, #tpu.memory_space<hbm>>) dst(%arg9 : memref<128x64xf32, #tpu.memory_space<vmem>>)
    %run_scoped3A_53 = arith.constant 79 : i32
    "tpu.region"() ({
      %run_scoped3A_58 = tpu.sem_alloc : memref<!tpu.dma_semaphore, #tpu.memory_space<semaphore_mem>>
      %dma_start3A_59 = arith.constant 0 : i32
      %dma_start3A_60 = tpu.memref_slice %arg7[%run_scoped3A_53, %dma_start3A_59] : memref<80x128xi32, #tpu.memory_space<vmem>> -> memref<1x128xi32, #tpu.memory_space<vmem>>
      %dma_start3A_61 = tpu.memref_squeeze %dma_start3A_60 : memref<1x128xi32, #tpu.memory_space<vmem>> -> memref<128xi32, #tpu.memory_space<vmem>>
      %dma_start3A_62 = arith.constant 0 : i32
      %dma_start3A_63 = arith.constant 0 : i32
      %dma_start3A_64 = tpu.memref_slice %arg11[%dma_start3A_62, %dma_start3A_63] : memref<10240x64xf32, #tpu.memory_space<vmem_shared>> -> memref<10240x64xf32, #tpu.memory_space<vmem_shared>>
      tpu.enqueue_indirect_dma source(%arg9 : memref<128x64xf32, #tpu.memory_space<vmem>>) target(%dma_start3A_64 : memref<10240x64xf32, #tpu.memory_space<vmem_shared>>) offsets(%dma_start3A_61 : memref<128xi32, #tpu.memory_space<vmem>>) semaphore(%run_scoped3A_58 : memref<!tpu.dma_semaphore, #tpu.memory_space<semaphore_mem>>) {add = true}
      %dma_wait3A_65 = arith.constant 0 : i32
      %dma_wait3A_66 = tpu.memref_slice %arg7[%run_scoped3A_53, %dma_wait3A_65] : memref<80x128xi32, #tpu.memory_space<vmem>> -> memref<1x128xi32, #tpu.memory_space<vmem>>
      %dma_wait3A_67 = tpu.memref_squeeze %dma_wait3A_66 : memref<1x128xi32, #tpu.memory_space<vmem>> -> memref<128xi32, #tpu.memory_space<vmem>>
      %dma_wait3A_68 = arith.constant 0 : i32
      %dma_wait3A_69 = arith.constant 0 : i32
      %dma_wait3A_70 = tpu.memref_slice %arg11[%dma_wait3A_68, %dma_wait3A_69] : memref<10240x64xf32, #tpu.memory_space<vmem_shared>> -> memref<10240x64xf32, #tpu.memory_space<vmem_shared>>
      tpu.wait_indirect_dma semaphore(%run_scoped3A_58 : memref<!tpu.dma_semaphore, #tpu.memory_space<semaphore_mem>>) src(%arg9 : memref<128x64xf32, #tpu.memory_space<vmem>>) dst(%dma_wait3A_70 : memref<10240x64xf32, #tpu.memory_space<vmem_shared>>)
      tpu.yield
    }) : () -> ()
    %barrier3A_54 = arith.constant 0 : index
    tpu.barrier barrier_id(%barrier3A_54)
    %mul3A_55 = arith.constant 10240 : i32
    %mul3A_56 = arith.muli %arg0, %mul3A_55 : i32
    %add3A_57 = arith.addi %mul3A_56, %mul3A_7 : i32
    "tpu.region"() ({
      %run_scoped3A_58 = tpu.sem_alloc : memref<!tpu.dma_semaphore, #tpu.memory_space<semaphore_mem>>
      %dma_start3A_59 = arith.constant 0 : i32
      %dma_start3A_60 = tpu.memref_slice %arg5[%add3A_57, %dma_start3A_59] : memref<20480x64xf32, #tpu.memory_space<hbm>> -> memref<640x64xf32, #tpu.memory_space<hbm>>
      %dma_start3A_61 = arith.constant 0 : i32
      %dma_start3A_62 = tpu.memref_slice %arg11[%mul3A_7, %dma_start3A_61] : memref<10240x64xf32, #tpu.memory_space<vmem_shared>> -> memref<640x64xf32, #tpu.memory_space<vmem_shared>>
      tpu.enqueue_dma source(%dma_start3A_62 : memref<640x64xf32, #tpu.memory_space<vmem_shared>>) target(%dma_start3A_60 : memref<640x64xf32, #tpu.memory_space<hbm>>) target_semaphore(%run_scoped3A_58 : memref<!tpu.dma_semaphore, #tpu.memory_space<semaphore_mem>>)
      %dma_wait3A_63 = arith.constant 0 : i32
      %dma_wait3A_64 = tpu.memref_slice %arg5[%add3A_57, %dma_wait3A_63] : memref<20480x64xf32, #tpu.memory_space<hbm>> -> memref<640x64xf32, #tpu.memory_space<hbm>>
      %dma_wait3A_65 = arith.constant 0 : i32
      %dma_wait3A_66 = tpu.memref_slice %arg11[%mul3A_7, %dma_wait3A_65] : memref<10240x64xf32, #tpu.memory_space<vmem_shared>> -> memref<640x64xf32, #tpu.memory_space<vmem_shared>>
      tpu.wait_dma2 semaphore(%run_scoped3A_58 : memref<!tpu.dma_semaphore, #tpu.memory_space<semaphore_mem>>) src(%dma_wait3A_66 : memref<640x64xf32, #tpu.memory_space<vmem_shared>>) dst(%dma_wait3A_64 : memref<640x64xf32, #tpu.memory_space<hbm>>)
      tpu.yield
    }) : () -> ()
    return
  }
}

module attributes {stable_mosaic.version = 14 : i64} {
  func.func @_k1_body(%arg0: i32, %arg1: memref<2048x128xf32, #tpu.memory_space<vmem>>, %arg2: memref<128x64xf32, #tpu.memory_space<vmem>>, %arg3: memref<2048x16xf32, #tpu.memory_space<vmem>>, %arg4: memref<2048x16xf32, #tpu.memory_space<vmem>>, %arg5: memref<2048x64xf32, #tpu.memory_space<vmem>>) attributes {dimension_semantics = [#tpu.dimension_semantics<arbitrary>], iteration_bounds = array<i64: 5>, scalar_prefetch = 0 : i64, scratch_operands = 0 : i64, tpu.core_type = #tpu.core_type<tc>, window_params = [{transform_indices = @transform_0, window_bounds = array<i64: 2048, 128>}, {pipeline_mode = #tpu.pipeline_mode<synchronous>, transform_indices = @transform_1, window_bounds = array<i64: 128, 64>}, {transform_indices = @transform_2, window_bounds = array<i64: 2048, 16>}, {transform_indices = @transform_3, window_bounds = array<i64: 2048, 16>}, {transform_indices = @transform_4, window_bounds = array<i64: 2048, 64>}]} {
    %get3A = arith.constant 0 : index
    %get3A_0 = arith.constant 0 : index
    %get3A_1 = vector.load %arg1[%get3A, %get3A_0] : memref<2048x128xf32, #tpu.memory_space<vmem>>, vector<2048x128xf32>
    %get3A_2 = arith.constant 0 : index
    %get3A_3 = arith.constant 0 : index
    %get3A_4 = vector.load %arg2[%get3A_2, %get3A_3] : memref<128x64xf32, #tpu.memory_space<vmem>>, vector<128x64xf32>
    %dot_general3A = arith.constant dense<0.000000e+00> : vector<2048x64xf32>
    %dot_general3A_5 = tpu.matmul %get3A_1, %get3A_4, %dot_general3A {dimension_numbers = #tpu.dot_dimension_numbers<[1], [0], [0], [1], [0, 0, 1, 1], [], []>, transpose_lhs_hint = false} : vector<2048x128xf32>, vector<128x64xf32>, vector<2048x64xf32> -> vector<2048x64xf32>
    %get3A_6 = arith.constant 0 : index
    %get3A_7 = arith.constant 0 : index
    %get3A_8 = vector.load %arg3[%get3A_6, %get3A_7] : memref<2048x16xf32, #tpu.memory_space<vmem>>, vector<2048x16xf32>
    %get3A_9 = arith.constant 0 : index
    %get3A_10 = arith.constant 0 : index
    %get3A_11 = vector.load %arg4[%get3A_9, %get3A_10] : memref<2048x16xf32, #tpu.memory_space<vmem>>, vector<2048x16xf32>
    %slice3A = vector.extract_strided_slice %get3A_8 {offsets = [0, 0], sizes = [2048, 1], strides = [1, 1]} : vector<2048x16xf32> to vector<2048x1xf32>
    %slice3A_12 = vector.extract_strided_slice %get3A_11 {offsets = [0, 0], sizes = [2048, 1], strides = [1, 1]} : vector<2048x16xf32> to vector<2048x1xf32>
    %add3A = arith.addf %slice3A, %slice3A_12 : vector<2048x1xf32>
    %add3A_13 = arith.constant 1.000000e+00 : f32
    %add3A_14 = vector.broadcast %add3A_13 : f32 to vector<2048x1xf32>
    %add3A_15 = arith.addf %add3A, %add3A_14 : vector<2048x1xf32>
    %rsqrt3A = math.rsqrt %add3A_15 : vector<2048x1xf32>
    %mul3A = vector.broadcast %rsqrt3A : vector<2048x1xf32> to vector<2048x64xf32>
    %mul3A_16 = arith.mulf %dot_general3A_5, %mul3A : vector<2048x64xf32>
    %swap3A = arith.constant 0 : index
    %swap3A_17 = arith.constant 0 : index
    %swap3A_18 = vector.load %arg5[%swap3A, %swap3A_17] : memref<2048x64xf32, #tpu.memory_space<vmem>>, vector<2048x64xf32>
    tpu.vector_store %arg5[%swap3A, %swap3A_17], %mul3A_16 {strides = array<i32>} : memref<2048x64xf32, #tpu.memory_space<vmem>>, vector<2048x64xf32>,
    return
  }
  func.func @transform_0(%arg0: i32) -> (i32, i32) {
    %c0_i32 = arith.constant 0 : i32
    %c0_i32_0 = arith.constant 0 : i32
    return %arg0, %c0_i32 : i32, i32
  }
  func.func @transform_1(%arg0: i32) -> (i32, i32) {
    %c0_i32 = arith.constant 0 : i32
    %c0_i32_0 = arith.constant 0 : i32
    %c0_i32_1 = arith.constant 0 : i32
    return %c0_i32, %c0_i32_0 : i32, i32
  }
  func.func @transform_2(%arg0: i32) -> (i32, i32) {
    %c0_i32 = arith.constant 0 : i32
    %c0_i32_0 = arith.constant 0 : i32
    return %arg0, %c0_i32 : i32, i32
  }
  func.func @transform_3(%arg0: i32) -> (i32, i32) {
    %add3A = arith.constant 5 : i32
    %add3A_0 = arith.addi %arg0, %add3A : i32
    %c0_i32 = arith.constant 0 : i32
    %c0_i32_1 = arith.constant 0 : i32
    return %add3A_0, %c0_i32 : i32, i32
  }
  func.func @transform_4(%arg0: i32) -> (i32, i32) {
    %c0_i32 = arith.constant 0 : i32
    %c0_i32_0 = arith.constant 0 : i32
    return %arg0, %c0_i32 : i32, i32
  }
}

module attributes {stable_mosaic.version = 14 : i64} {
  func.func @_k2_body(%arg0: i32, %arg1: memref<2048x64xf32, #tpu.memory_space<vmem>>, %arg2: memref<2048x64xf32, #tpu.memory_space<vmem>>, %arg3: memref<2048x64xf32, #tpu.memory_space<vmem>>, %arg4: memref<2048x16xf32, #tpu.memory_space<vmem>>, %arg5: memref<2048x16xf32, #tpu.memory_space<vmem>>, %arg6: memref<1x64xf32, #tpu.memory_space<vmem>>, %arg7: memref<64x64xf32, #tpu.memory_space<vmem>>, %arg8: memref<2048x64xf32, #tpu.memory_space<vmem>>) attributes {dimension_semantics = [#tpu.dimension_semantics<arbitrary>], iteration_bounds = array<i64: 5>, scalar_prefetch = 0 : i64, scratch_operands = 0 : i64, tpu.core_type = #tpu.core_type<tc>, window_params = [{transform_indices = @transform_0, window_bounds = array<i64: 2048, 64>}, {transform_indices = @transform_1, window_bounds = array<i64: 2048, 64>}, {transform_indices = @transform_2, window_bounds = array<i64: 2048, 64>}, {transform_indices = @transform_3, window_bounds = array<i64: 2048, 16>}, {transform_indices = @transform_4, window_bounds = array<i64: 2048, 16>}, {pipeline_mode = #tpu.pipeline_mode<synchronous>, transform_indices = @transform_5, window_bounds = array<i64: 1, 64>}, {pipeline_mode = #tpu.pipeline_mode<synchronous>, transform_indices = @transform_6, window_bounds = array<i64: 64, 64>}, {transform_indices = @transform_7, window_bounds = array<i64: 2048, 64>}]} {
    %get3A = arith.constant 0 : index
    %get3A_0 = arith.constant 0 : index
    %get3A_1 = vector.load %arg4[%get3A, %get3A_0] : memref<2048x16xf32, #tpu.memory_space<vmem>>, vector<2048x16xf32>
    %get3A_2 = arith.constant 0 : index
    %get3A_3 = arith.constant 0 : index
    %get3A_4 = vector.load %arg5[%get3A_2, %get3A_3] : memref<2048x16xf32, #tpu.memory_space<vmem>>, vector<2048x16xf32>
    %slice3A = vector.extract_strided_slice %get3A_1 {offsets = [0, 0], sizes = [2048, 1], strides = [1, 1]} : vector<2048x16xf32> to vector<2048x1xf32>
    %slice3A_5 = vector.extract_strided_slice %get3A_4 {offsets = [0, 0], sizes = [2048, 1], strides = [1, 1]} : vector<2048x16xf32> to vector<2048x1xf32>
    %add3A = arith.addf %slice3A, %slice3A_5 : vector<2048x1xf32>
    %add3A_6 = arith.constant 1.000000e+00 : f32
    %add3A_7 = vector.broadcast %add3A_6 : f32 to vector<2048x1xf32>
    %add3A_8 = arith.addf %add3A, %add3A_7 : vector<2048x1xf32>
    %rsqrt3A = math.rsqrt %add3A_8 : vector<2048x1xf32>
    %get3A_9 = arith.constant 0 : index
    %get3A_10 = arith.constant 0 : index
    %get3A_11 = vector.load %arg1[%get3A_9, %get3A_10] : memref<2048x64xf32, #tpu.memory_space<vmem>>, vector<2048x64xf32>
    %get3A_12 = arith.constant 0 : index
    %get3A_13 = arith.constant 0 : index
    %get3A_14 = vector.load %arg2[%get3A_12, %get3A_13] : memref<2048x64xf32, #tpu.memory_space<vmem>>, vector<2048x64xf32>
    %add3A_15 = arith.addf %get3A_11, %get3A_14 : vector<2048x64xf32>
    %get3A_16 = arith.constant 0 : index
    %get3A_17 = arith.constant 0 : index
    %get3A_18 = vector.load %arg3[%get3A_16, %get3A_17] : memref<2048x64xf32, #tpu.memory_space<vmem>>, vector<2048x64xf32>
    %add3A_19 = arith.addf %add3A_15, %get3A_18 : vector<2048x64xf32>
    %mul3A = vector.broadcast %rsqrt3A : vector<2048x1xf32> to vector<2048x64xf32>
    %mul3A_20 = arith.mulf %add3A_19, %mul3A : vector<2048x64xf32>
    %get3A_21 = arith.constant 0 : index
    %get3A_22 = arith.constant 0 : index
    %get3A_23 = vector.load %arg6[%get3A_21, %get3A_22] : memref<1x64xf32, #tpu.memory_space<vmem>>, vector<1x64xf32>
    %add3A_24 = vector.broadcast %get3A_23 : vector<1x64xf32> to vector<2048x64xf32>
    %add3A_25 = arith.addf %mul3A_20, %add3A_24 : vector<2048x64xf32>
    %max3A = arith.constant 0.000000e+00 : f32
    %max3A_26 = vector.broadcast %max3A : f32 to vector<2048x64xf32>
    %max3A_27 = arith.maximumf %add3A_25, %max3A_26 : vector<2048x64xf32>
    %get3A_28 = arith.constant 0 : index
    %get3A_29 = arith.constant 0 : index
    %get3A_30 = vector.load %arg7[%get3A_28, %get3A_29] : memref<64x64xf32, #tpu.memory_space<vmem>>, vector<64x64xf32>
    %dot_general3A = arith.constant dense<0.000000e+00> : vector<2048x64xf32>
    %dot_general3A_31 = tpu.matmul %max3A_27, %get3A_30, %dot_general3A {dimension_numbers = #tpu.dot_dimension_numbers<[1], [0], [0], [1], [0, 0, 1, 1], [], []>, transpose_lhs_hint = false} : vector<2048x64xf32>, vector<64x64xf32>, vector<2048x64xf32> -> vector<2048x64xf32>
    %mul3A_32 = vector.broadcast %rsqrt3A : vector<2048x1xf32> to vector<2048x64xf32>
    %mul3A_33 = arith.mulf %dot_general3A_31, %mul3A_32 : vector<2048x64xf32>
    %swap3A = arith.constant 0 : index
    %swap3A_34 = arith.constant 0 : index
    %swap3A_35 = vector.load %arg8[%swap3A, %swap3A_34] : memref<2048x64xf32, #tpu.memory_space<vmem>>, vector<2048x64xf32>
    tpu.vector_store %arg8[%swap3A, %swap3A_34], %mul3A_33 {strides = array<i32>} : memref<2048x64xf32, #tpu.memory_space<vmem>>, vector<2048x64xf32>,
    return
  }
  func.func @transform_0(%arg0: i32) -> (i32, i32) {
    %c0_i32 = arith.constant 0 : i32
    %c0_i32_0 = arith.constant 0 : i32
    return %arg0, %c0_i32 : i32, i32
  }
  func.func @transform_1(%arg0: i32) -> (i32, i32) {
    %add3A = arith.constant 5 : i32
    %add3A_0 = arith.addi %arg0, %add3A : i32
    %c0_i32 = arith.constant 0 : i32
    %c0_i32_1 = arith.constant 0 : i32
    return %add3A_0, %c0_i32 : i32, i32
  }
  func.func @transform_2(%arg0: i32) -> (i32, i32) {
    %c0_i32 = arith.constant 0 : i32
    %c0_i32_0 = arith.constant 0 : i32
    return %arg0, %c0_i32 : i32, i32
  }
  func.func @transform_3(%arg0: i32) -> (i32, i32) {
    %c0_i32 = arith.constant 0 : i32
    %c0_i32_0 = arith.constant 0 : i32
    return %arg0, %c0_i32 : i32, i32
  }
  func.func @transform_4(%arg0: i32) -> (i32, i32) {
    %add3A = arith.constant 5 : i32
    %add3A_0 = arith.addi %arg0, %add3A : i32
    %c0_i32 = arith.constant 0 : i32
    %c0_i32_1 = arith.constant 0 : i32
    return %add3A_0, %c0_i32 : i32, i32
  }
  func.func @transform_5(%arg0: i32) -> (i32, i32) {
    %c0_i32 = arith.constant 0 : i32
    %c0_i32_0 = arith.constant 0 : i32
    %c0_i32_1 = arith.constant 0 : i32
    return %c0_i32, %c0_i32_0 : i32, i32
  }
  func.func @transform_6(%arg0: i32) -> (i32, i32) {
    %c0_i32 = arith.constant 0 : i32
    %c0_i32_0 = arith.constant 0 : i32
    %c0_i32_1 = arith.constant 0 : i32
    return %c0_i32, %c0_i32_0 : i32, i32
  }
  func.func @transform_7(%arg0: i32) -> (i32, i32) {
    %c0_i32 = arith.constant 0 : i32
    %c0_i32_0 = arith.constant 0 : i32
    return %arg0, %c0_i32 : i32, i32
  }
}

module attributes {stable_mosaic.version = 14 : i64} {
  func.func @_k2b_body(%arg0: i32, %arg1: memref<2048x64xf32, #tpu.memory_space<vmem>>, %arg2: memref<2048x64xf32, #tpu.memory_space<vmem>>, %arg3: memref<2048x64xf32, #tpu.memory_space<vmem>>, %arg4: memref<2048x16xf32, #tpu.memory_space<vmem>>, %arg5: memref<2048x16xf32, #tpu.memory_space<vmem>>, %arg6: memref<1x64xf32, #tpu.memory_space<vmem>>, %arg7: memref<2048x64xf32, #tpu.memory_space<vmem>>) attributes {dimension_semantics = [#tpu.dimension_semantics<arbitrary>], iteration_bounds = array<i64: 5>, scalar_prefetch = 0 : i64, scratch_operands = 0 : i64, tpu.core_type = #tpu.core_type<tc>, window_params = [{transform_indices = @transform_0, window_bounds = array<i64: 2048, 64>}, {transform_indices = @transform_1, window_bounds = array<i64: 2048, 64>}, {transform_indices = @transform_2, window_bounds = array<i64: 2048, 64>}, {transform_indices = @transform_3, window_bounds = array<i64: 2048, 16>}, {transform_indices = @transform_4, window_bounds = array<i64: 2048, 16>}, {pipeline_mode = #tpu.pipeline_mode<synchronous>, transform_indices = @transform_5, window_bounds = array<i64: 1, 64>}, {transform_indices = @transform_6, window_bounds = array<i64: 2048, 64>}]} {
    %get3A = arith.constant 0 : index
    %get3A_0 = arith.constant 0 : index
    %get3A_1 = vector.load %arg4[%get3A, %get3A_0] : memref<2048x16xf32, #tpu.memory_space<vmem>>, vector<2048x16xf32>
    %get3A_2 = arith.constant 0 : index
    %get3A_3 = arith.constant 0 : index
    %get3A_4 = vector.load %arg5[%get3A_2, %get3A_3] : memref<2048x16xf32, #tpu.memory_space<vmem>>, vector<2048x16xf32>
    %slice3A = vector.extract_strided_slice %get3A_1 {offsets = [0, 0], sizes = [2048, 1], strides = [1, 1]} : vector<2048x16xf32> to vector<2048x1xf32>
    %slice3A_5 = vector.extract_strided_slice %get3A_4 {offsets = [0, 0], sizes = [2048, 1], strides = [1, 1]} : vector<2048x16xf32> to vector<2048x1xf32>
    %add3A = arith.addf %slice3A, %slice3A_5 : vector<2048x1xf32>
    %add3A_6 = arith.constant 1.000000e+00 : f32
    %add3A_7 = vector.broadcast %add3A_6 : f32 to vector<2048x1xf32>
    %add3A_8 = arith.addf %add3A, %add3A_7 : vector<2048x1xf32>
    %rsqrt3A = math.rsqrt %add3A_8 : vector<2048x1xf32>
    %get3A_9 = arith.constant 0 : index
    %get3A_10 = arith.constant 0 : index
    %get3A_11 = vector.load %arg1[%get3A_9, %get3A_10] : memref<2048x64xf32, #tpu.memory_space<vmem>>, vector<2048x64xf32>
    %get3A_12 = arith.constant 0 : index
    %get3A_13 = arith.constant 0 : index
    %get3A_14 = vector.load %arg2[%get3A_12, %get3A_13] : memref<2048x64xf32, #tpu.memory_space<vmem>>, vector<2048x64xf32>
    %add3A_15 = arith.addf %get3A_11, %get3A_14 : vector<2048x64xf32>
    %get3A_16 = arith.constant 0 : index
    %get3A_17 = arith.constant 0 : index
    %get3A_18 = vector.load %arg3[%get3A_16, %get3A_17] : memref<2048x64xf32, #tpu.memory_space<vmem>>, vector<2048x64xf32>
    %add3A_19 = arith.addf %add3A_15, %get3A_18 : vector<2048x64xf32>
    %mul3A = vector.broadcast %rsqrt3A : vector<2048x1xf32> to vector<2048x64xf32>
    %mul3A_20 = arith.mulf %add3A_19, %mul3A : vector<2048x64xf32>
    %get3A_21 = arith.constant 0 : index
    %get3A_22 = arith.constant 0 : index
    %get3A_23 = vector.load %arg6[%get3A_21, %get3A_22] : memref<1x64xf32, #tpu.memory_space<vmem>>, vector<1x64xf32>
    %add3A_24 = vector.broadcast %get3A_23 : vector<1x64xf32> to vector<2048x64xf32>
    %add3A_25 = arith.addf %mul3A_20, %add3A_24 : vector<2048x64xf32>
    %max3A = arith.constant 0.000000e+00 : f32
    %max3A_26 = vector.broadcast %max3A : f32 to vector<2048x64xf32>
    %max3A_27 = arith.maximumf %add3A_25, %max3A_26 : vector<2048x64xf32>
    %mul3A_28 = vector.broadcast %rsqrt3A : vector<2048x1xf32> to vector<2048x64xf32>
    %mul3A_29 = arith.mulf %max3A_27, %mul3A_28 : vector<2048x64xf32>
    %swap3A = arith.constant 0 : index
    %swap3A_30 = arith.constant 0 : index
    %swap3A_31 = vector.load %arg7[%swap3A, %swap3A_30] : memref<2048x64xf32, #tpu.memory_space<vmem>>, vector<2048x64xf32>
    tpu.vector_store %arg7[%swap3A, %swap3A_30], %mul3A_29 {strides = array<i32>} : memref<2048x64xf32, #tpu.memory_space<vmem>>, vector<2048x64xf32>,
    return
  }
  func.func @transform_0(%arg0: i32) -> (i32, i32) {
    %c0_i32 = arith.constant 0 : i32
    %c0_i32_0 = arith.constant 0 : i32
    return %arg0, %c0_i32 : i32, i32
  }
  func.func @transform_1(%arg0: i32) -> (i32, i32) {
    %add3A = arith.constant 5 : i32
    %add3A_0 = arith.addi %arg0, %add3A : i32
    %c0_i32 = arith.constant 0 : i32
    %c0_i32_1 = arith.constant 0 : i32
    return %add3A_0, %c0_i32 : i32, i32
  }
  func.func @transform_2(%arg0: i32) -> (i32, i32) {
    %c0_i32 = arith.constant 0 : i32
    %c0_i32_0 = arith.constant 0 : i32
    return %arg0, %c0_i32 : i32, i32
  }
  func.func @transform_3(%arg0: i32) -> (i32, i32) {
    %c0_i32 = arith.constant 0 : i32
    %c0_i32_0 = arith.constant 0 : i32
    return %arg0, %c0_i32 : i32, i32
  }
  func.func @transform_4(%arg0: i32) -> (i32, i32) {
    %add3A = arith.constant 5 : i32
    %add3A_0 = arith.addi %arg0, %add3A : i32
    %c0_i32 = arith.constant 0 : i32
    %c0_i32_1 = arith.constant 0 : i32
    return %add3A_0, %c0_i32 : i32, i32
  }
  func.func @transform_5(%arg0: i32) -> (i32, i32) {
    %c0_i32 = arith.constant 0 : i32
    %c0_i32_0 = arith.constant 0 : i32
    %c0_i32_1 = arith.constant 0 : i32
    return %c0_i32, %c0_i32_0 : i32, i32
  }
  func.func @transform_6(%arg0: i32) -> (i32, i32) {
    %c0_i32 = arith.constant 0 : i32
    %c0_i32_0 = arith.constant 0 : i32
    return %arg0, %c0_i32 : i32, i32
  }
}

module attributes {stable_mosaic.version = 14 : i64} {
  func.func @_k3_body(%arg0: i32, %arg1: memref<2048x64xf32, #tpu.memory_space<vmem>>, %arg2: memref<2048x64xf32, #tpu.memory_space<vmem>>, %arg3: memref<2048x64xf32, #tpu.memory_space<vmem>>, %arg4: memref<2048x16xf32, #tpu.memory_space<vmem>>, %arg5: memref<2048x16xf32, #tpu.memory_space<vmem>>, %arg6: memref<1x128xf32, #tpu.memory_space<vmem>>, %arg7: memref<64x128xf32, #tpu.memory_space<vmem>>, %arg8: memref<2048x128xf32, #tpu.memory_space<vmem>>) attributes {dimension_semantics = [#tpu.dimension_semantics<arbitrary>], iteration_bounds = array<i64: 5>, scalar_prefetch = 0 : i64, scratch_operands = 0 : i64, tpu.core_type = #tpu.core_type<tc>, window_params = [{transform_indices = @transform_0, window_bounds = array<i64: 2048, 64>}, {transform_indices = @transform_1, window_bounds = array<i64: 2048, 64>}, {transform_indices = @transform_2, window_bounds = array<i64: 2048, 64>}, {transform_indices = @transform_3, window_bounds = array<i64: 2048, 16>}, {transform_indices = @transform_4, window_bounds = array<i64: 2048, 16>}, {pipeline_mode = #tpu.pipeline_mode<synchronous>, transform_indices = @transform_5, window_bounds = array<i64: 1, 128>}, {pipeline_mode = #tpu.pipeline_mode<synchronous>, transform_indices = @transform_6, window_bounds = array<i64: 64, 128>}, {transform_indices = @transform_7, window_bounds = array<i64: 2048, 128>}]} {
    %get3A = arith.constant 0 : index
    %get3A_0 = arith.constant 0 : index
    %get3A_1 = vector.load %arg4[%get3A, %get3A_0] : memref<2048x16xf32, #tpu.memory_space<vmem>>, vector<2048x16xf32>
    %get3A_2 = arith.constant 0 : index
    %get3A_3 = arith.constant 0 : index
    %get3A_4 = vector.load %arg5[%get3A_2, %get3A_3] : memref<2048x16xf32, #tpu.memory_space<vmem>>, vector<2048x16xf32>
    %slice3A = vector.extract_strided_slice %get3A_1 {offsets = [0, 0], sizes = [2048, 1], strides = [1, 1]} : vector<2048x16xf32> to vector<2048x1xf32>
    %slice3A_5 = vector.extract_strided_slice %get3A_4 {offsets = [0, 0], sizes = [2048, 1], strides = [1, 1]} : vector<2048x16xf32> to vector<2048x1xf32>
    %add3A = arith.addf %slice3A, %slice3A_5 : vector<2048x1xf32>
    %add3A_6 = arith.constant 1.000000e+00 : f32
    %add3A_7 = vector.broadcast %add3A_6 : f32 to vector<2048x1xf32>
    %add3A_8 = arith.addf %add3A, %add3A_7 : vector<2048x1xf32>
    %rsqrt3A = math.rsqrt %add3A_8 : vector<2048x1xf32>
    %get3A_9 = arith.constant 0 : index
    %get3A_10 = arith.constant 0 : index
    %get3A_11 = vector.load %arg1[%get3A_9, %get3A_10] : memref<2048x64xf32, #tpu.memory_space<vmem>>, vector<2048x64xf32>
    %get3A_12 = arith.constant 0 : index
    %get3A_13 = arith.constant 0 : index
    %get3A_14 = vector.load %arg2[%get3A_12, %get3A_13] : memref<2048x64xf32, #tpu.memory_space<vmem>>, vector<2048x64xf32>
    %add3A_15 = arith.addf %get3A_11, %get3A_14 : vector<2048x64xf32>
    %get3A_16 = arith.constant 0 : index
    %get3A_17 = arith.constant 0 : index
    %get3A_18 = vector.load %arg3[%get3A_16, %get3A_17] : memref<2048x64xf32, #tpu.memory_space<vmem>>, vector<2048x64xf32>
    %add3A_19 = arith.addf %add3A_15, %get3A_18 : vector<2048x64xf32>
    %mul3A = vector.broadcast %rsqrt3A : vector<2048x1xf32> to vector<2048x64xf32>
    %mul3A_20 = arith.mulf %add3A_19, %mul3A : vector<2048x64xf32>
    %get3A_21 = arith.constant 0 : index
    %get3A_22 = arith.constant 0 : index
    %get3A_23 = vector.load %arg7[%get3A_21, %get3A_22] : memref<64x128xf32, #tpu.memory_space<vmem>>, vector<64x128xf32>
    %dot_general3A = arith.constant dense<0.000000e+00> : vector<2048x128xf32>
    %dot_general3A_24 = tpu.matmul %mul3A_20, %get3A_23, %dot_general3A {dimension_numbers = #tpu.dot_dimension_numbers<[1], [0], [0], [1], [0, 0, 1, 1], [], []>, transpose_lhs_hint = false} : vector<2048x64xf32>, vector<64x128xf32>, vector<2048x128xf32> -> vector<2048x128xf32>
    %get3A_25 = arith.constant 0 : index
    %get3A_26 = arith.constant 0 : index
    %get3A_27 = vector.load %arg6[%get3A_25, %get3A_26] : memref<1x128xf32, #tpu.memory_space<vmem>>, vector<1x128xf32>
    %add3A_28 = vector.broadcast %get3A_27 : vector<1x128xf32> to vector<2048x128xf32>
    %add3A_29 = arith.addf %dot_general3A_24, %add3A_28 : vector<2048x128xf32>
    %swap3A = arith.constant 0 : index
    %swap3A_30 = arith.constant 0 : index
    %swap3A_31 = vector.load %arg8[%swap3A, %swap3A_30] : memref<2048x128xf32, #tpu.memory_space<vmem>>, vector<2048x128xf32>
    tpu.vector_store %arg8[%swap3A, %swap3A_30], %add3A_29 {strides = array<i32>} : memref<2048x128xf32, #tpu.memory_space<vmem>>, vector<2048x128xf32>,
    return
  }
  func.func @transform_0(%arg0: i32) -> (i32, i32) {
    %c0_i32 = arith.constant 0 : i32
    %c0_i32_0 = arith.constant 0 : i32
    return %arg0, %c0_i32 : i32, i32
  }
  func.func @transform_1(%arg0: i32) -> (i32, i32) {
    %add3A = arith.constant 5 : i32
    %add3A_0 = arith.addi %arg0, %add3A : i32
    %c0_i32 = arith.constant 0 : i32
    %c0_i32_1 = arith.constant 0 : i32
    return %add3A_0, %c0_i32 : i32, i32
  }
  func.func @transform_2(%arg0: i32) -> (i32, i32) {
    %c0_i32 = arith.constant 0 : i32
    %c0_i32_0 = arith.constant 0 : i32
    return %arg0, %c0_i32 : i32, i32
  }
  func.func @transform_3(%arg0: i32) -> (i32, i32) {
    %c0_i32 = arith.constant 0 : i32
    %c0_i32_0 = arith.constant 0 : i32
    return %arg0, %c0_i32 : i32, i32
  }
  func.func @transform_4(%arg0: i32) -> (i32, i32) {
    %add3A = arith.constant 5 : i32
    %add3A_0 = arith.addi %arg0, %add3A : i32
    %c0_i32 = arith.constant 0 : i32
    %c0_i32_1 = arith.constant 0 : i32
    return %add3A_0, %c0_i32 : i32, i32
  }
  func.func @transform_5(%arg0: i32) -> (i32, i32) {
    %c0_i32 = arith.constant 0 : i32
    %c0_i32_0 = arith.constant 0 : i32
    %c0_i32_1 = arith.constant 0 : i32
    return %c0_i32, %c0_i32_0 : i32, i32
  }
  func.func @transform_6(%arg0: i32) -> (i32, i32) {
    %c0_i32 = arith.constant 0 : i32
    %c0_i32_0 = arith.constant 0 : i32
    %c0_i32_1 = arith.constant 0 : i32
    return %c0_i32, %c0_i32_0 : i32, i32
  }
  func.func @transform_7(%arg0: i32) -> (i32, i32) {
    %c0_i32 = arith.constant 0 : i32
    %c0_i32_0 = arith.constant 0 : i32
    return %arg0, %c0_i32 : i32, i32
  }
}

</mosaic_0001>

<sc_bundles>
// kernel: kernel.10.cloned.1.call-start
scs
__scs_entry_jumppad:
0x0: {  	(pc) =	sbr.rel $0x88, $3  }
0x1: {  	(tag) =	ssettag $0x0;
	lr =	simm.s32 $0x1  }
0x2: {  	[smem:$0x3F99] =	sst lr;
	_ =	strace $0xD0000000  }
0x3: {  	_ = 	snop  }
0x4: {  	_ = 	snop  }
0x5: {  	_ = 	snop  }
0x6: {  	_ = 	snop  }
0x7: {  	_ = 	snop  }
__scs_overlays_trampoline_lowered:
0x8: {  	[smem:$0x3FA8] =	sst s0  }
0x9: {  	[smem:$0x3FA9] =	sst s1  }
0xa: {  	[smem:$0x3FAA] =	sst s2  }
0xb: {  	[smem:$0x3FAB] =	sst s3  }
0xc: {  	[smem:$0x3FAC] =	sst s4  }
0xd: {  	[smem:$0x3FAD] =	sst s5  }
0xe: {  	[smem:$0x3FAE] =	sst s6  }
0xf: {  	[smem:$0x3FAF] =	sst s7  }
0x10: {  	[smem:$0x3FB0] =	sst s8  }
0x11: {  	[smem:$0x3FB1] =	sst s9;
	s0 =	simm.s32 @!p0 $0x0  }
0x12: {  	s1 =	sld [smem:$0x3F97];
	s0 =	simm.s32 @p0 $0x1  }
0x13: {  	[smem:$0x3FB2] =	sst s0;
	s0 =	simm.s32 @!p1 $0x0  }
0x14: {  	s2 =	sld [smem:$0x3F96];
	s0 =	simm.s32 @p1 $0x1  }
0x15: {  	[smem:$0x3FB3] =	sst s0;
	s0 =	simm.s32 @!p2 $0x0  }
0x16: {  	s3 =	sld [smem:$0x3FDB];
	s0 =	simm.s32 @p2 $0x1  }
0x17: {  	s4 =	simm.s32 $0x1BF5;
	[smem:$0x3FB5] =	sst s0  }
0x18: {  	s0 =	sld [smem:$0x3F98];
	_ =	swait.ge [sflag:s4], $0x0  }
0x19: {  	s7 =	sld [smem:$0x3F99]  }
0x1a: {  	s8 =	sadd.s32 $0xFFFFE003, lr  }
0x1b: {  	s9 =	sadd.s32 $0xFFFFFEF7, lr;
	s5 =	simm.s32 $0xFFFFFFFF;
	p2 =	slt.u32 s8, $0xFFFFF086  }
0x1c: {  	p1 =	slt.u32 s9, $0xF7A;
	s5 =	simm.s32 @!p2 $0x0  }
0x1d: {  	s5 =	simm.s32 @p1 $0x1;
	p0 =	seq.s32 s7, s2  }
0x1e: {  	s7 =	smul.u32 @!p0 $0xF7A, s2;
	p2 =	seq.s32 @!p0 s5, $0x0  }
0x1f: {  	s9 =	smul.u32 $0xF7A, s1;
	s8 =	simm.s32 @!p0 $0x1BF5;
	p2 =	por !p2, p0  }
0x20: {  	[sflag:s8] =	ssyncset.s32 @!p0 $0xFFFFF086;
	s6 =	sadd.s32 @!p0 s3, s7;
	s7 =	simm.s32 @!p0 $0x108  }
0x21: {  	s3 =	sadd.s32 s3, s9;
	s6 =	sadd.s32 @!p0 $0x88, s6;
	s7 =	simm.s32 @p2 $0x1082  }
0x22: {  	[simem:s7], [sflag:s8] =	dma.local @!p0 [hbm:s6], $0xF7A  }
0x23: {  	s9 =	sor.u32 $0xD0000000, s2;
	s6 =	simm.s32 $0x108;
	_ =	swait.ge @!p0 [sflag:s8], $0x0  }
0x24: {  	s3 =	sadd.s32 $0x88, s3;
	s6 =	simm.s32 @!p1 $0x1082;
	[sflag:s4] =	ssyncset.s32 $0xFFFFF086  }
0x25: {  	[simem:s6], [sflag:s4] =	dma.local [hbm:s3], $0xF7A  }
0x26: {  	[smem:$0x3F99] =	sst s1;
	(tag) =	ssettag s2;
	_ =	strace s9  }
0x27: {  	s1 =	sld [smem:$0x3FA9]  }
0x28: {  	s2 =	sld [smem:$0x3FAA]  }
0x29: {  	s4 =	sld [smem:$0x3FAC]  }
0x2a: {  	p0 =	seq.s32 s5, $0x0;
	s5 =	sld [smem:$0x3FAD]  }
0x2b: {  	s6 =	sld [smem:$0x3FAE]  }
0x2c: {  	s7 =	sld [smem:$0x3FAF]  }
0x2d: {  	s3 =	simm.s32 $0x108;
	s8 =	sld [smem:$0x3FB0]  }
0x2e: {  	s3 =	simm.s32 @!p0 $0x1082;
	s9 =	sld [smem:$0x3FB1]  }
0x2f: {  	lr =	sadd.s32 s0, s3;
	s0 =	sld [smem:$0x3FA8]  }
0x30: {  	s3 =	sld [smem:$0x3FAB]  }
0x31: {  	[smem:$0x3FB4] =	sst s10  }
0x32: {  	s10 =	sld [smem:$0x3FB2];
	_ =	sdelay $0x3  }
0x33: {  	p0 =	seq.s32 s10, $0x1;
	s10 =	sld [smem:$0x3FB4];
	_ =	sdelay $0x3  }
0x34: {  	[smem:$0x3FB4] =	sst s10  }
0x35: {  	s10 =	sld [smem:$0x3FB3];
	_ =	sdelay $0x3  }
0x36: {  	p1 =	seq.s32 s10, $0x1;
	s10 =	sld [smem:$0x3FB4];
	_ =	sdelay $0x3  }
0x37: {  	[smem:$0x3FB4] =	sst s10  }
0x38: {  	s10 =	sld [smem:$0x3FB5]  }
0x39: {  	_ = 	snop;
	(pc) =	sbr.ind lr, $3  }
0x3a: {  	_ = 	snop  }
0x3b: {  	_ = 	snop  }
0x3c: {  	p2 =	seq.s32 s10, $0x1;
	s10 =	sld [smem:$0x3FB4]  }
0x3d: {  	_ =	shalt  }
0x3e: {  	_ =	shalt  }
0x3f: {  	_ =	shalt  }
0x40: {  	_ =	shalt  }
0x41: {  	_ =	shalt  }
0x42: {  	_ =	shalt  }
0x43: {  	_ =	shalt  }
0x44: {  	_ =	shalt  }
0x45: {  	_ =	shalt  }
0x46: {  	_ =	shalt  }
0x47: {  	_ =	shalt  }
0x48: {  	_ =	shalt  }
0x49: {  	_ =	shalt  }
0x4a: {  	_ =	shalt  }
0x4b: {  	_ =	shalt  }
0x4c: {  	_ =	shalt  }
0x4d: {  	_ =	shalt  }
0x4e: {  	_ =	shalt  }
0x4f: {  	_ =	shalt  }
0x50: {  	_ =	shalt  }
0x51: {  	_ =	shalt  }
0x52: {  	_ =	shalt  }
0x53: {  	_ =	shalt  }
0x54: {  	_ =	shalt  }
0x55: {  	_ =	shalt  }
0x56: {  	_ =	shalt  }
0x57: {  	_ =	shalt  }
0x58: {  	_ =	shalt  }
0x59: {  	_ =	shalt  }
0x5a: {  	_ =	shalt  }
0x5b: {  	_ =	shalt  }
0x5c: {  	_ =	shalt  }
0x5d: {  	_ =	shalt  }
0x5e: {  	_ =	shalt  }
0x5f: {  	_ =	shalt  }
0x60: {  	_ =	shalt  }
0x61: {  	_ =	shalt  }
0x62: {  	_ =	shalt  }
0x63: {  	_ =	shalt  }
0x64: {  	_ =	shalt  }
0x65: {  	_ =	shalt  }
0x66: {  	_ =	shalt  }
0x67: {  	_ =	shalt  }
0x68: {  	_ =	shalt  }
0x69: {  	_ =	shalt  }
0x6a: {  	_ =	shalt  }
0x6b: {  	_ =	shalt  }
0x6c: {  	_ =	shalt  }
0x6d: {  	_ =	shalt  }
0x6e: {  	_ =	shalt  }
0x6f: {  	_ =	shalt  }
0x70: {  	_ =	shalt  }
0x71: {  	_ =	shalt  }
0x72: {  	_ =	shalt  }
0x73: {  	_ =	shalt  }
0x74: {  	_ =	shalt  }
0x75: {  	_ =	shalt  }
0x76: {  	_ =	shalt  }
0x77: {  	_ =	shalt  }
0x78: {  	_ =	shalt  }
0x79: {  	_ =	shalt  }
0x7a: {  	_ =	shalt  }
0x7b: {  	_ =	shalt  }
0x7c: {  	_ =	shalt  }
0x7d: {  	_ =	shalt  }
0x7e: {  	_ =	shalt  }
0x7f: {  	_ =	shalt  }
0x80: {  	_ =	shalt  }
0x81: {  	_ =	shalt  }
0x82: {  	_ =	shalt  }
0x83: {  	_ =	shalt  }
0x84: {  	_ =	shalt  }
0x85: {  	_ =	shalt  }
0x86: {  	_ =	shalt  }
0x87: {  	_ =	shalt  }
.Lfunc_end0:
.L_simem_size_0:
called_computation_lowered:
.L_overlay_start_0:
0x88: {  	s2 =	sld [smem:$0x3FD9]  }
0x89: {  	s3 =	sld [smem:$0x3FFE];
	_ =	sdelay $0x1  }
0x8a: {  	s1 =	srdreg.scid  }
0x8b: {  	s0 =	sand.u32 $0x1, s1  }
0x8c: {  	s17 =	sshll.u32 s0, $0xA;
	s2 =	sadd.s32 s3, s2  }
0x8d: {  	s2 =	sadd.s32 s2, s17  }
0x8e: {  	[smem:$0x3FC0] =	sst s2  }
0x8f: {  	_ = 	snop  }
0x90: {  	s2 =	sld [smem:$0x3FD0];
	(tm) =	ssettm $0x1  }
0x91: {  	s18 =	sld [smem:$0x3FFB];
	_ =	sdelay $0x3  }
0x92: {  	_ =	strace s18  }
0x93: {  	s3 =	sld [smem:$0x3FFC];
	_ =	sdelay $0x3  }
0x94: {  	_ =	strace s3  }
0x95: {  	s3 =	sld [smem:$0x3FFD];
	_ =	sdelay $0x3  }
0x96: {  	_ =	strace s3  }
0x97: {  	_ =	strace $0x8FFFFFFF  }
0x98: {  	s19 =	sld [smem:$0x3FDB];
	_ =	sdelay $0x1  }
0x99: {  	s4 =	simm.s32 $_scs_section_size  }
0x9a: {  	s5 =	simm.s32 $_size__tile_overlayer_lowered;
	s6 =	simm.s32 $_tile_overlayer_lowered  }
0x9b: {  	s22 =	simm.s32 $0x1BFF;
	s21 =	sshll.u32 s6, $0x1;
	s3 =	sadd.s32 s4, s19  }
0x9c: {  	s7 =	simm.s32 $0x0;
	s20 =	sshll.u32 s5, $0x1;
	s5 =	sadd.s32 s21, s3  }
0x9d: {  	[timem:s7], [sflag:s22] =	dma.local [hbm:s5], s20  }
0x9e: {  	_ =	swait.ge [sflag:s22], s20  }
0x9f: {  	s4 =	ssub.s32 $0x0, s20;
	[sflag:s22] =	ssyncset.done $0x0  }
0xa0: {  	[sflag:s22] =	ssyncadd.s32 s4;
	_ =	sdelay $0x1  }
0xa1: {  	s23 =	simm.s32 $0x1B8B  }
0xa2: {  	_ =	swait.ge [sflag:s23], $0x1  }
0xa3: {  	[sflag:s23] =	ssyncset.done $0x0  }
0xa4: {  	s25 =	simm.s32 $0x1B8E;
	s24 =	sld [smem:$0x3FFE];
	[sflag:s23] =	ssyncadd.s32 $0xFFFFFFFF  }
0xa5: {  	s26 =	simm.s32 $execute0_lowered;
	[smem:$0x3FD2] =	sst s25  }
0xa6: {  	s5 =	sshll.u32 s26, $0x1;
	_ =	strace $0x80000046;
	[dreg:$0x1] =	wrdreg $0xFFFFFFFF  }
0xa7: {  	s28 =	simm.s32 $_size_execute0_lowered;
	s3 =	sadd.s32 s3, s5;
	[dreg:$0x0] =	wrdreg $0x0  }
0xa8: {  	s5 =	sshll.u32 s28, $0x1;
	[dreg:$0x2] =	wrdreg s3  }
0xa9: {  	[dreg:$0x3] =	wrdreg s5  }
0xaa: {  	[dreg:$0x4] =	wrdreg $0xC0  }
0xab: {  	_ =	task [dreg:s7], $0x5FFFF  }
0xac: {  	[dreg:$0x1] =	wrdreg $0xFFFFFFFF  }
0xad: {  	[dreg:$0x0] =	wrdreg $0x60  }
0xae: {  	[dreg:$0x2] =	wrdreg s24  }
0xaf: {  	[dreg:$0x3] =	wrdreg s2  }
0xb0: {  	[dreg:$0x4] =	wrdreg $0x38000  }
0xb1: {  	[dreg:$0x5] =	wrdreg $0x9  }
0xb2: {  	_ =	task.clear_ibuf [dreg:s7], $0x6FFFF;
	_ =	strace $0x90000046  }
0xb3: {  	s29 =	simm.s32 $0x9;
	_ =	strace $0x80000048  }
0xb4: {  	_ =	swait.ge [sflag:s29], $0x1  }
0xb5: {  	[sflag:s29] =	ssyncadd.s32 $0xFFFFFFFF  }
0xb6: {  	_ =	strace $0x90000048  }
0xb7: {  	_ =	sfence  }
0xb8: {  	s30 =	sld [smem:$0x0];
	_ =	sdelay $0x2  }
0xb9: {  	s31 =	sshll.u32 s1, $0xD;
	s1 =	sshrl.u32 s1, $0x2  }
0xba: {  	s3 =	sand.u32 $0x4000, s31;
	s1 =	sadd.s32 s1, s30  }
0xbb: {  	s0 =	sor.u32 s3, s0;
	s1 =	sshll.u32 s1, $0x11  }
0xbc: {  	s0 =	sor.u32 s1, s0  }
0xbd: {  	s0 =	sadd.s32 $0x8F2B, s0  }
0xbe: {  	[sflag:s0] =	ssyncadd.remote.s32 $0x1  }
0xbf: {  	_ =	sfence.sel $0xFFFF  }
0xc0: {  	[dreg:$0x0] =	wrdreg $0xFFFFFFFF;
	(pc) =	sbr.abs _section_cstart, $3  }
0xc1: {  	[dreg:$0x1] =	wrdreg $0xFFFFFFFF  }
0xc2: {  	_ =	task.clear_ibuf [dreg:s7], $0x2FFFF;
	_ =	strace $0x9FFFFFFF  }
0xc3: {  	(tm) =	ssettm $0x7FFFFFFF  }
tec
execute0_lowered:
.L_overlay_start_1:
0x0: {  	(tag) =	ssettag $0x1  }
0x1: {  	s4 =	rddreg [dreg:$0x0];
	s1 =	srdreg.scid  }
0x2: {  	s0 =	stileid.u32;
	s10 =	rddreg [dreg:$0x1]  }
0x3: {  	s2 =	rddreg [dreg:$0x2];
	s3 =	simm.s32 $0x0;
	s14 =	simm.s32 $0x80  }
0x4: {  	s15 =	simm.s32 $0x2800;
	s5 =	sand.u32 $0x1, s1;
	s1 =	rddreg [dreg:$0x3]  }
0x5: {  	s29 =	sshll.u32 s0, $0x1;
	[smem:$0x7FF] =	sst s3;
	s7 =	smul.u32 $0xA000, s0  }
0x6: {  	s11 =	smul.u32 $0x500, s0;
	s16 =	sshll.u32 s0, $0x6;
	s6 =	sor.u32 s5, s29  }
0x7: {  	_ =	strace $0x80000047;
	s30 =	ssub.s32 $0x2, s5;
	s13 =	smul.u32 $0x5000, s5  }
0x8: {  	s16 =	sor.u32 $0x1C01, s16;
	s6 =	smul.u32 $0x500, s6;
	s31 =	sshrl.u32 s30, $0x1  }
0x9: {  	s7 =	sshrl.u32 s7, $0x2;
	s12 =	ssub.s32 s30, s31;
	s11 =	sadd.s32 s11, s13  }
0xa: {  	s13 =	simm.s32 $0x1;
	s9 =	sadd.s32 s6, s4;
	s4 =	sadd.s32 s7, s2  }
0xb: {  	s10 =	sadd.s32 s10, s11;
	s11 =	smax.u32 s12, $0x1;
	s12 =	simm.s32 $0x3000  }
0xc: {  	s5 =	sadd.s32 $0x800, s4;
	s6 =	sadd.s32 $0x1000, s4;
	s7 =	sadd.s32 $0x1800, s4  }
0xd: {  	v0 =	vimm.f32 $1.000000000e+00;
	v1 =	vimm.f32 $0.0e+00;
	s8 =	sadd.s32 $0x2000, s4;
	s9 =	sadd.s32 $0x2400, s9;
	s17 =	sshrl.u32 s4, $0x3  }
.LBB2_1:
0xe: {  	s18 =	simm.s32 $0x0  }
.LBB2_2:
0xf: {  	p0 =	sne.s32 s18, $0x1FC0  }
.Ltmp0:
0x10: {  	_ = 	snop;
	(pc) =	sbr.rel @p0 .LBB2_2-.Ltmp0, $3  }
0x11: {  	_ =	sdelay $0x1  }
0x12: {  	s19 =	sshra.s32 s18, $0x2  }
0x13: {  	s18 =	sadd.s32 $0x40, s18;
	[tilespmem:s19+$0x2800] =	vst v0  }
0x14: {  	s18 =	simm.s32 $0x40;
	s19 =	simm.s32 $0x0  }
.LBB2_4:
0x15: {  	p0 =	sne.s32 s18, $0x1FC0;
	[tilespmem:s19+$0x3000] =	vst v1;
	s19 =	smov.u32 s18;
	s18 =	sadd.s32 $0x40, s18  }
.Ltmp1:
0x16: {  	(pc) =	sbr.rel @p0 .LBB2_4-.Ltmp1, $2  }
0x17: {  	_ =	sdelay $0x2  }
0x18: {  	s19 =	sshra.s32 s19, $0x2  }
0x19: {  	[tilespmem:s19+$0x3000] =	vst v1  }
0x1a: {  	[spmem:s4] =	stream.linear.scatter [tilespmem:s12], [sflag:$0x1], $0x800, $0x38;
	[tilespmem:$0x6000] =	vst v63  }
0x1b: {  	_ =	swait.ge [sflag:s13], $0x800  }
0x1c: {  	[sflag:s13] =	ssyncset.done $0x0  }
0x1d: {  	[sflag:s13] =	ssyncadd.s32 $0xFFFFF800  }
0x1e: {  	[spmem:s5] =	stream.linear.scatter [tilespmem:s12], [sflag:$0x1], $0x800, $0x38;
	[tilespmem:$0x6000] =	vst v63  }
0x1f: {  	_ =	swait.ge [sflag:s13], $0x800  }
0x20: {  	[sflag:s13] =	ssyncset.done $0x0  }
0x21: {  	[sflag:s13] =	ssyncadd.s32 $0xFFFFF800  }
0x22: {  	[spmem:s6] =	stream.linear.scatter [tilespmem:s12], [sflag:$0x1], $0x800, $0x38;
	[tilespmem:$0x6000] =	vst v63  }
0x23: {  	_ =	swait.ge [sflag:s13], $0x800  }
0x24: {  	[sflag:s13] =	ssyncset.done $0x0  }
0x25: {  	[sflag:s13] =	ssyncadd.s32 $0xFFFFF800  }
0x26: {  	[spmem:s7] =	stream.linear.scatter [tilespmem:s12], [sflag:$0x1], $0x800, $0x38;
	[tilespmem:$0x6000] =	vst v63  }
0x27: {  	_ =	swait.ge [sflag:s13], $0x800  }
0x28: {  	[sflag:s13] =	ssyncset.done $0x0  }
0x29: {  	[sflag:s13] =	ssyncadd.s32 $0xFFFFF800  }
0x2a: {  	[spmem:s8] =	stream.linear.scatter [tilespmem:s12], [sflag:$0x1], $0x800, $0x38;
	[tilespmem:$0x6000] =	vst v63  }
0x2b: {  	_ =	swait.ge [sflag:s13], $0x800  }
0x2c: {  	[sflag:s13] =	ssyncset.done $0x0  }
0x2d: {  	[sflag:s13] =	ssyncadd.s32 $0xFFFFF800  }
0x2e: {  	s18 =	simm.s32 $0x0;
	[bflag:$0x0] =	sbarrier.arrive $0xFFFF  }
0x2f: {  	[tilespmem:s18], [sflag:$0x1] =	stream.linear.gather [hbm4b:s9+s18], $0x2800, $0x38;
	[tilespmem:$0x6000] =	vst v63  }
0x30: {  	_ =	swait.ge [sflag:s13], $0x2800  }
0x31: {  	[sflag:s13] =	ssyncset.done $0x0  }
0x32: {  	s31 =	simm.s32 $0x0;
	[sflag:s13] =	ssyncadd.s32 $0xFFFFD800  }
0x33: {  	[spmem:s2] =	stream.indirect.scatter.add.f32 [tilespmem:s15], [sflag:$0x1], $0x10, s31, s14, $0xb8;
	[tilespmem:$0x6000] =	vst v63  }
0x34: {  	_ =	swait.ge [sflag:s13], $0x800  }
0x35: {  	s18 =	simm.s32 $0x200;
	[sflag:s13] =	ssyncset.done $0x0  }
.LBB2_6:
0x36: {  	s19 =	sshra.s32 s18, $0x2;
	[sflag:s13] =	ssyncadd.s32 $0xFFFFF800;
	p0 =	sne.s32 s18, $0x9E00  }
0x37: {  	[spmem:s2] =	stream.indirect.scatter.add.f32 [tilespmem:s15], [sflag:$0x1], $0x10, s19, s14, $0xb8;
	[tilespmem:$0x6000] =	vst v63  }
.Ltmp2:
0x38: {  	_ = 	snop;
	(pc) =	sbr.rel @p0 .LBB2_6-.Ltmp2, $4  }
0x39: {  	_ = 	snop  }
0x3a: {  	s18 =	sadd.s32 $0x200, s18  }
0x3b: {  	_ =	swait.ge [sflag:s13], $0x800  }
0x3c: {  	[sflag:s13] =	ssyncset.done $0x0  }
0x3d: {  	s3 =	sadd.s32 $0x1, s3  }
0x3e: {  	[sflag:s13] =	ssyncadd.s32 $0xFFFFF800;
	p0 =	sne.s32 s3, s11  }
.Ltmp3:
0x3f: {  	[bflag:$0x0] =	sbarrier.arrive $0xFFFF;
	(pc) =	sbr.rel @p0 .LBB2_1-.Ltmp3, $4  }
0x40: {  	[hbm:s10], [sflag:s16] =	dma.local [spmem:s17], $0x500  }
0x41: {  	_ =	swait.ge [sflag:s13], $0x500  }
0x42: {  	[sflag:s13] =	ssyncset.done $0x0  }
0x43: {  	[sflag:s13] =	ssyncadd.s32 $0xFFFFFB00  }
0x44: {  	_ =	sfence.sel $0x180000  }
0x45: {  	[bflag:$0x0] =	sbarrier.arrive $0xFFFF  }
0x46: {  	p0 =	sne.s32 s0, $0x0;
	_ =	strace $0x90000047  }
0x47: {  	s0 =	sadd.s32 @!p0 $0x100000, s1;
	[bflag:$0x2] =	sbarrier.arrive $0xFFFF  }
0x48: {  	[sflag:s0] =	ssyncadd.tile.s32 @!p0 $0x1;
	_ =	shalt  }
.Lfunc_end2:
_tile_overlayer_lowered:
.L_overlay_start_2:
0x49: {  	(tag) =	ssettag $0x2  }
0x4a: {  	s0 =	rddreg [dreg:$0x0];
	s2 =	stileid.u32  }
0x4b: {  	s1 =	rddreg [dreg:$0x1];
	p0 =	sne.s32 s2, $0x0  }
0x4c: {  	s3 =	rddreg [dreg:$0x2];
	[bflag:$0x3] =	sbarrier.arrive $0xFFFF;
	s2 =	simm.s32 @!p0 $0x1C01  }
0x4d: {  	[timem:s3], [sflag:s2] =	dma.local @!p0 [hbm:s0], s1  }
0x4e: {  	s0 =	simm.s32 @!p0 $0x1  }
0x4f: {  	_ =	swait.ge @!p0 [sflag:s0], s1  }
0x50: {  	s1 =	ssub.s32 @!p0 $0x0, s1;
	[sflag:s0] =	ssyncset.done @!p0 $0x0  }
0x51: {  	[sflag:s0] =	ssyncadd.s32 @!p0 s1  }
0x52: {  	[bflag:$0x3] =	sbarrier.arrive $0xFFFF  }
0x53: {  	_ =	shalt  }

// kernel: kernel.13.cloned.1.call-start
scs
__scs_entry_jumppad:
0x0: {  	(pc) =	sbr.rel $0x88, $3  }
0x1: {  	(tag) =	ssettag $0x0;
	lr =	simm.s32 $0x1  }
0x2: {  	[smem:$0x3F99] =	sst lr;
	_ =	strace $0xD0000000  }
0x3: {  	_ = 	snop  }
0x4: {  	_ = 	snop  }
0x5: {  	_ = 	snop  }
0x6: {  	_ = 	snop  }
0x7: {  	_ = 	snop  }
__scs_overlays_trampoline_lowered:
0x8: {  	[smem:$0x3FA8] =	sst s0  }
0x9: {  	[smem:$0x3FA9] =	sst s1  }
0xa: {  	[smem:$0x3FAA] =	sst s2  }
0xb: {  	[smem:$0x3FAB] =	sst s3  }
0xc: {  	[smem:$0x3FAC] =	sst s4  }
0xd: {  	[smem:$0x3FAD] =	sst s5  }
0xe: {  	[smem:$0x3FAE] =	sst s6  }
0xf: {  	[smem:$0x3FAF] =	sst s7  }
0x10: {  	[smem:$0x3FB0] =	sst s8  }
0x11: {  	[smem:$0x3FB1] =	sst s9;
	s0 =	simm.s32 @!p0 $0x0  }
0x12: {  	s1 =	sld [smem:$0x3F97];
	s0 =	simm.s32 @p0 $0x1  }
0x13: {  	[smem:$0x3FB2] =	sst s0;
	s0 =	simm.s32 @!p1 $0x0  }
0x14: {  	s2 =	sld [smem:$0x3F96];
	s0 =	simm.s32 @p1 $0x1  }
0x15: {  	[smem:$0x3FB3] =	sst s0;
	s0 =	simm.s32 @!p2 $0x0  }
0x16: {  	s3 =	sld [smem:$0x3FDB];
	s0 =	simm.s32 @p2 $0x1  }
0x17: {  	s4 =	simm.s32 $0x1BF5;
	[smem:$0x3FB5] =	sst s0  }
0x18: {  	s0 =	sld [smem:$0x3F98];
	_ =	swait.ge [sflag:s4], $0x0  }
0x19: {  	s7 =	sld [smem:$0x3F99]  }
0x1a: {  	s8 =	sadd.s32 $0xFFFFE003, lr  }
0x1b: {  	s9 =	sadd.s32 $0xFFFFFEF7, lr;
	s5 =	simm.s32 $0xFFFFFFFF;
	p2 =	slt.u32 s8, $0xFFFFF086  }
0x1c: {  	p1 =	slt.u32 s9, $0xF7A;
	s5 =	simm.s32 @!p2 $0x0  }
0x1d: {  	s5 =	simm.s32 @p1 $0x1;
	p0 =	seq.s32 s7, s2  }
0x1e: {  	s7 =	smul.u32 @!p0 $0xF7A, s2;
	p2 =	seq.s32 @!p0 s5, $0x0  }
0x1f: {  	s9 =	smul.u32 $0xF7A, s1;
	s8 =	simm.s32 @!p0 $0x1BF5;
	p2 =	por !p2, p0  }
0x20: {  	[sflag:s8] =	ssyncset.s32 @!p0 $0xFFFFF086;
	s6 =	sadd.s32 @!p0 s3, s7;
	s7 =	simm.s32 @!p0 $0x108  }
0x21: {  	s3 =	sadd.s32 s3, s9;
	s6 =	sadd.s32 @!p0 $0x88, s6;
	s7 =	simm.s32 @p2 $0x1082  }
0x22: {  	[simem:s7], [sflag:s8] =	dma.local @!p0 [hbm:s6], $0xF7A  }
0x23: {  	s9 =	sor.u32 $0xD0000000, s2;
	s6 =	simm.s32 $0x108;
	_ =	swait.ge @!p0 [sflag:s8], $0x0  }
0x24: {  	s3 =	sadd.s32 $0x88, s3;
	s6 =	simm.s32 @!p1 $0x1082;
	[sflag:s4] =	ssyncset.s32 $0xFFFFF086  }
0x25: {  	[simem:s6], [sflag:s4] =	dma.local [hbm:s3], $0xF7A  }
0x26: {  	[smem:$0x3F99] =	sst s1;
	(tag) =	ssettag s2;
	_ =	strace s9  }
0x27: {  	s1 =	sld [smem:$0x3FA9]  }
0x28: {  	s2 =	sld [smem:$0x3FAA]  }
0x29: {  	s4 =	sld [smem:$0x3FAC]  }
0x2a: {  	p0 =	seq.s32 s5, $0x0;
	s5 =	sld [smem:$0x3FAD]  }
0x2b: {  	s6 =	sld [smem:$0x3FAE]  }
0x2c: {  	s7 =	sld [smem:$0x3FAF]  }
0x2d: {  	s3 =	simm.s32 $0x108;
	s8 =	sld [smem:$0x3FB0]  }
0x2e: {  	s3 =	simm.s32 @!p0 $0x1082;
	s9 =	sld [smem:$0x3FB1]  }
0x2f: {  	lr =	sadd.s32 s0, s3;
	s0 =	sld [smem:$0x3FA8]  }
0x30: {  	s3 =	sld [smem:$0x3FAB]  }
0x31: {  	[smem:$0x3FB4] =	sst s10  }
0x32: {  	s10 =	sld [smem:$0x3FB2];
	_ =	sdelay $0x3  }
0x33: {  	p0 =	seq.s32 s10, $0x1;
	s10 =	sld [smem:$0x3FB4];
	_ =	sdelay $0x3  }
0x34: {  	[smem:$0x3FB4] =	sst s10  }
0x35: {  	s10 =	sld [smem:$0x3FB3];
	_ =	sdelay $0x3  }
0x36: {  	p1 =	seq.s32 s10, $0x1;
	s10 =	sld [smem:$0x3FB4];
	_ =	sdelay $0x3  }
0x37: {  	[smem:$0x3FB4] =	sst s10  }
0x38: {  	s10 =	sld [smem:$0x3FB5]  }
0x39: {  	_ = 	snop;
	(pc) =	sbr.ind lr, $3  }
0x3a: {  	_ = 	snop  }
0x3b: {  	_ = 	snop  }
0x3c: {  	p2 =	seq.s32 s10, $0x1;
	s10 =	sld [smem:$0x3FB4]  }
0x3d: {  	_ =	shalt  }
0x3e: {  	_ =	shalt  }
0x3f: {  	_ =	shalt  }
0x40: {  	_ =	shalt  }
0x41: {  	_ =	shalt  }
0x42: {  	_ =	shalt  }
0x43: {  	_ =	shalt  }
0x44: {  	_ =	shalt  }
0x45: {  	_ =	shalt  }
0x46: {  	_ =	shalt  }
0x47: {  	_ =	shalt  }
0x48: {  	_ =	shalt  }
0x49: {  	_ =	shalt  }
0x4a: {  	_ =	shalt  }
0x4b: {  	_ =	shalt  }
0x4c: {  	_ =	shalt  }
0x4d: {  	_ =	shalt  }
0x4e: {  	_ =	shalt  }
0x4f: {  	_ =	shalt  }
0x50: {  	_ =	shalt  }
0x51: {  	_ =	shalt  }
0x52: {  	_ =	shalt  }
0x53: {  	_ =	shalt  }
0x54: {  	_ =	shalt  }
0x55: {  	_ =	shalt  }
0x56: {  	_ =	shalt  }
0x57: {  	_ =	shalt  }
0x58: {  	_ =	shalt  }
0x59: {  	_ =	shalt  }
0x5a: {  	_ =	shalt  }
0x5b: {  	_ =	shalt  }
0x5c: {  	_ =	shalt  }
0x5d: {  	_ =	shalt  }
0x5e: {  	_ =	shalt  }
0x5f: {  	_ =	shalt  }
0x60: {  	_ =	shalt  }
0x61: {  	_ =	shalt  }
0x62: {  	_ =	shalt  }
0x63: {  	_ =	shalt  }
0x64: {  	_ =	shalt  }
0x65: {  	_ =	shalt  }
0x66: {  	_ =	shalt  }
0x67: {  	_ =	shalt  }
0x68: {  	_ =	shalt  }
0x69: {  	_ =	shalt  }
0x6a: {  	_ =	shalt  }
0x6b: {  	_ =	shalt  }
0x6c: {  	_ =	shalt  }
0x6d: {  	_ =	shalt  }
0x6e: {  	_ =	shalt  }
0x6f: {  	_ =	shalt  }
0x70: {  	_ =	shalt  }
0x71: {  	_ =	shalt  }
0x72: {  	_ =	shalt  }
0x73: {  	_ =	shalt  }
0x74: {  	_ =	shalt  }
0x75: {  	_ =	shalt  }
0x76: {  	_ =	shalt  }
0x77: {  	_ =	shalt  }
0x78: {  	_ =	shalt  }
0x79: {  	_ =	shalt  }
0x7a: {  	_ =	shalt  }
0x7b: {  	_ =	shalt  }
0x7c: {  	_ =	shalt  }
0x7d: {  	_ =	shalt  }
0x7e: {  	_ =	shalt  }
0x7f: {  	_ =	shalt  }
0x80: {  	_ =	shalt  }
0x81: {  	_ =	shalt  }
0x82: {  	_ =	shalt  }
0x83: {  	_ =	shalt  }
0x84: {  	_ =	shalt  }
0x85: {  	_ =	shalt  }
0x86: {  	_ =	shalt  }
0x87: {  	_ =	shalt  }
.Lfunc_end0:
.L_simem_size_0:
called_computation.1_lowered:
.L_overlay_start_0:
0x88: {  	s2 =	sld [smem:$0x3FD9]  }
0x89: {  	s3 =	sld [smem:$0x3FFE];
	_ =	sdelay $0x1  }
0x8a: {  	s1 =	srdreg.scid  }
0x8b: {  	s0 =	sand.u32 $0x1, s1  }
0x8c: {  	s17 =	sshll.u32 s0, $0xA;
	s2 =	sadd.s32 s3, s2  }
0x8d: {  	s2 =	sadd.s32 s2, s17  }
0x8e: {  	[smem:$0x3FC0] =	sst s2  }
0x8f: {  	_ = 	snop  }
0x90: {  	s2 =	sld [smem:$0x3FD0];
	(tm) =	ssettm $0x1  }
0x91: {  	s18 =	sld [smem:$0x3FFB];
	_ =	sdelay $0x3  }
0x92: {  	_ =	strace s18  }
0x93: {  	s3 =	sld [smem:$0x3FFC];
	_ =	sdelay $0x3  }
0x94: {  	_ =	strace s3  }
0x95: {  	s3 =	sld [smem:$0x3FFD];
	_ =	sdelay $0x3  }
0x96: {  	_ =	strace s3  }
0x97: {  	_ =	strace $0x8FFFFFFF  }
0x98: {  	s19 =	sld [smem:$0x3FDB];
	_ =	sdelay $0x1  }
0x99: {  	s4 =	simm.s32 $_scs_section_size  }
0x9a: {  	s5 =	simm.s32 $_size__tile_overlayer_lowered;
	s6 =	simm.s32 $_tile_overlayer_lowered  }
0x9b: {  	s22 =	simm.s32 $0x1BFF;
	s21 =	sshll.u32 s6, $0x1;
	s3 =	sadd.s32 s4, s19  }
0x9c: {  	s7 =	simm.s32 $0x0;
	s20 =	sshll.u32 s5, $0x1;
	s5 =	sadd.s32 s21, s3  }
0x9d: {  	[timem:s7], [sflag:s22] =	dma.local [hbm:s5], s20  }
0x9e: {  	_ =	swait.ge [sflag:s22], s20  }
0x9f: {  	s4 =	ssub.s32 $0x0, s20;
	[sflag:s22] =	ssyncset.done $0x0  }
0xa0: {  	[sflag:s22] =	ssyncadd.s32 s4;
	_ =	sdelay $0x1  }
0xa1: {  	s23 =	simm.s32 $0x1B8B  }
0xa2: {  	_ =	swait.ge [sflag:s23], $0x1  }
0xa3: {  	[sflag:s23] =	ssyncset.done $0x0  }
0xa4: {  	s25 =	simm.s32 $0x1B8E;
	s24 =	sld [smem:$0x3FFE];
	[sflag:s23] =	ssyncadd.s32 $0xFFFFFFFF  }
0xa5: {  	s26 =	simm.s32 $execute0_lowered;
	[smem:$0x3FD2] =	sst s25  }
0xa6: {  	s5 =	sshll.u32 s26, $0x1;
	_ =	strace $0x80000049;
	[dreg:$0x1] =	wrdreg $0xFFFFFFFF  }
0xa7: {  	s28 =	simm.s32 $_size_execute0_lowered;
	s3 =	sadd.s32 s3, s5;
	[dreg:$0x0] =	wrdreg $0x0  }
0xa8: {  	s5 =	sshll.u32 s28, $0x1;
	[dreg:$0x2] =	wrdreg s3  }
0xa9: {  	[dreg:$0x3] =	wrdreg s5  }
0xaa: {  	[dreg:$0x4] =	wrdreg $0xC0  }
0xab: {  	_ =	task [dreg:s7], $0x5FFFF  }
0xac: {  	[dreg:$0x1] =	wrdreg $0xFFFFFFFF  }
0xad: {  	[dreg:$0x0] =	wrdreg $0x60  }
0xae: {  	[dreg:$0x2] =	wrdreg s24  }
0xaf: {  	[dreg:$0x3] =	wrdreg s2  }
0xb0: {  	[dreg:$0x4] =	wrdreg $0xB0000  }
0xb1: {  	[dreg:$0x5] =	wrdreg $0x9  }
0xb2: {  	_ =	task.clear_ibuf [dreg:s7], $0x6FFFF;
	_ =	strace $0x90000049  }
0xb3: {  	s29 =	simm.s32 $0x9;
	_ =	strace $0x8000004B  }
0xb4: {  	_ =	swait.ge [sflag:s29], $0x1  }
0xb5: {  	[sflag:s29] =	ssyncadd.s32 $0xFFFFFFFF  }
0xb6: {  	_ =	strace $0x9000004B  }
0xb7: {  	_ =	sfence  }
0xb8: {  	s30 =	sld [smem:$0x0];
	_ =	sdelay $0x2  }
0xb9: {  	s31 =	sshll.u32 s1, $0xD;
	s1 =	sshrl.u32 s1, $0x2  }
0xba: {  	s3 =	sand.u32 $0x4000, s31;
	s1 =	sadd.s32 s1, s30  }
0xbb: {  	s0 =	sor.u32 s3, s0;
	s1 =	sshll.u32 s1, $0x11  }
0xbc: {  	s0 =	sor.u32 s1, s0  }
0xbd: {  	s0 =	sadd.s32 $0x8F2B, s0  }
0xbe: {  	[sflag:s0] =	ssyncadd.remote.s32 $0x1  }
0xbf: {  	_ =	sfence.sel $0xFFFF  }
0xc0: {  	[dreg:$0x0] =	wrdreg $0xFFFFFFFF;
	(pc) =	sbr.abs _section_cstart, $3  }
0xc1: {  	[dreg:$0x1] =	wrdreg $0xFFFFFFFF  }
0xc2: {  	_ =	task.clear_ibuf [dreg:s7], $0x2FFFF;
	_ =	strace $0x9FFFFFFF  }
0xc3: {  	(tm) =	ssettm $0x7FFFFFFF  }
tec
execute0_lowered:
.L_overlay_start_1:
0x0: {  	(tag) =	ssettag $0x1  }
0x1: {  	s6 =	rddreg [dreg:$0x0]  }
0x2: {  	s1 =	srdreg.scid;
	s2 =	rddreg [dreg:$0x1]  }
0x3: {  	s0 =	stileid.u32;
	s3 =	rddreg [dreg:$0x2];
	s4 =	simm.s32 $0x0  }
0x4: {  	s14 =	simm.s32 $0x9000;
	s15 =	simm.s32 $0x3;
	s16 =	simm.s32 $0x2800  }
0x5: {  	s17 =	simm.s32 $0x80;
	s18 =	simm.s32 $0x5000;
	s19 =	simm.s32 $0x7000  }
0x6: {  	s20 =	simm.s32 $0x1;
	s21 =	simm.s32 $0x2;
	s22 =	simm.s32 $0x4F00  }
0x7: {  	s23 =	simm.s32 $0x4F80;
	s5 =	sand.u32 $0x1, s1;
	s8 =	smul.u32 $0x1400, s0  }
0x8: {  	s28 =	sshll.u32 s0, $0x1;
	[smem:$0x7FF] =	sst s4;
	s10 =	smul.u32 $0x28000, s0  }
0x9: {  	s1 =	sor.u32 s5, s28;
	s9 =	smul.u32 $0x14000, s5;
	s5 =	ssub.s32 $0x2, s5  }
0xa: {  	s7 =	smul.u32 $0x500, s1;
	s1 =	rddreg [dreg:$0x3];
	_ =	strace $0x8000004A  }
0xb: {  	s30 =	sshrl.u32 s5, $0x1;
	s31 =	sshrl.u32 s10, $0x2;
	s29 =	sadd.s32 s8, s9  }
0xc: {  	s13 =	ssub.s32 s5, s30;
	s5 =	sadd.s32 s31, s3;
	s11 =	sadd.s32 s7, s6  }
0xd: {  	s12 =	sadd.s32 s29, s6;
	s6 =	sadd.s32 $0x2000, s5;
	s7 =	sadd.s32 $0x4000, s5  }
0xe: {  	s8 =	sadd.s32 $0x6000, s5;
	s9 =	sadd.s32 $0x8000, s5;
	s13 =	smax.u32 s13, $0x1  }
0xf: {  	v0 =	vimm.f32 $0.0e+00;
	s10 =	sadd.s32 $0xC400, s11;
	s11 =	sadd.s32 $0x2400, s11;
	s12 =	sadd.s32 $0x8E400, s12  }
.LBB2_1:
0x10: {  	s25 =	simm.s32 $0x100;
	s24 =	simm.s32 $0x0  }
.LBB2_2:
0x11: {  	p0 =	sne.s32 s25, $0x7F00;
	[tilespmem:s24+$0x9030] =	vst v0;
	s26 =	smov.u32 s25;
	s25 =	sadd.s32 $0x100, s25  }
.Ltmp0:
0x12: {  	[tilespmem:s24+$0x9020] =	vst v0;
	(pc) =	sbr.rel @p0 .LBB2_2-.Ltmp0, $3  }
0x13: {  	[tilespmem:s24+$0x9000] =	vst v0  }
0x14: {  	[tilespmem:s24+$0x9010] =	vst v0;
	_ =	sdelay $0x1  }
0x15: {  	s24 =	sshra.s32 s26, $0x2  }
0x16: {  	[tilespmem:s24+$0x9030] =	vst v0  }
0x17: {  	[tilespmem:s24+$0x9020] =	vst v0  }
0x18: {  	[tilespmem:s24+$0x9000] =	vst v0  }
0x19: {  	[tilespmem:s24+$0x9010] =	vst v0  }
0x1a: {  	[spmem:s5] =	stream.linear.scatter [tilespmem:s14], [sflag:$0x3], $0x2000, $0x38;
	[tilespmem:$0x15000] =	vst v63  }
0x1b: {  	_ =	swait.ge [sflag:s15], $0x2000  }
0x1c: {  	[sflag:s15] =	ssyncset.done $0x0  }
0x1d: {  	[sflag:s15] =	ssyncadd.s32 $0xFFFFE000  }
0x1e: {  	[spmem:s6] =	stream.linear.scatter [tilespmem:s14], [sflag:$0x3], $0x2000, $0x38;
	[tilespmem:$0x15000] =	vst v63  }
0x1f: {  	_ =	swait.ge [sflag:s15], $0x2000  }
0x20: {  	[sflag:s15] =	ssyncset.done $0x0  }
0x21: {  	[sflag:s15] =	ssyncadd.s32 $0xFFFFE000  }
0x22: {  	[spmem:s7] =	stream.linear.scatter [tilespmem:s14], [sflag:$0x3], $0x2000, $0x38;
	[tilespmem:$0x15000] =	vst v63  }
0x23: {  	_ =	swait.ge [sflag:s15], $0x2000  }
0x24: {  	[sflag:s15] =	ssyncset.done $0x0  }
0x25: {  	[sflag:s15] =	ssyncadd.s32 $0xFFFFE000  }
0x26: {  	[spmem:s8] =	stream.linear.scatter [tilespmem:s14], [sflag:$0x3], $0x2000, $0x38;
	[tilespmem:$0x15000] =	vst v63  }
0x27: {  	_ =	swait.ge [sflag:s15], $0x2000  }
0x28: {  	[sflag:s15] =	ssyncset.done $0x0  }
0x29: {  	[sflag:s15] =	ssyncadd.s32 $0xFFFFE000  }
0x2a: {  	[spmem:s9] =	stream.linear.scatter [tilespmem:s14], [sflag:$0x3], $0x2000, $0x38;
	[tilespmem:$0x15000] =	vst v63  }
0x2b: {  	_ =	swait.ge [sflag:s15], $0x2000  }
0x2c: {  	[sflag:s15] =	ssyncset.done $0x0  }
0x2d: {  	[sflag:s15] =	ssyncadd.s32 $0xFFFFE000  }
0x2e: {  	s28 =	simm.s32 $0x0;
	[bflag:$0x0] =	sbarrier.arrive $0xFFFF  }
0x2f: {  	[tilespmem:s28], [sflag:$0x3] =	stream.linear.gather [hbm4b:s10+s28], $0x2800, $0x38;
	[tilespmem:$0x15000] =	vst v63  }
0x30: {  	_ =	swait.ge [sflag:s15], $0x2800  }
0x31: {  	[sflag:s15] =	ssyncset.done $0x0  }
0x32: {  	[sflag:s15] =	ssyncadd.s32 $0xFFFFD800  }
0x33: {  	[tilespmem:s16], [sflag:$0x3] =	stream.linear.gather [hbm4b:s11+s28], $0x2800, $0x38;
	[tilespmem:$0x15000] =	vst v63  }
0x34: {  	_ =	swait.ge [sflag:s15], $0x2800  }
0x35: {  	[sflag:s15] =	ssyncset.done $0x0  }
0x36: {  	[sflag:s15] =	ssyncadd.s32 $0xFFFFD800  }
0x37: {  	[tilespmem:s18], [sflag:$0x1] =	stream.indirect.gather [hbm4b:s2+s17], $0x40, s28, s17, $0xb8;
	[tilespmem:$0x15000] =	vst v63  }
0x38: {  	_ = 	snop  }
0x39: {  	[tilespmem:s19], [sflag:$0x2] =	stream.indirect.gather [hbm4b:s2+s17], $0x40, s17, s17, $0xb8;
	[tilespmem:$0x15000] =	vst v63  }
0x3a: {  	_ =	swait.ge [sflag:s20], $0x2000  }
0x3b: {  	[sflag:s20] =	ssyncset.done $0x0  }
0x3c: {  	s29 =	simm.s32 $0x2800;
	[sflag:s20] =	ssyncadd.s32 $0xFFFFE000  }
0x3d: {  	[spmem:s3] =	stream.indirect.scatter.add.f32 [tilespmem:s18], [sflag:$0x3], $0x40, s29, s17, $0xb8;
	[tilespmem:$0x15000] =	vst v63  }
0x3e: {  	_ =	swait.ge [sflag:s15], $0x2000  }
0x3f: {  	[sflag:s15] =	ssyncset.done $0x0  }
0x40: {  	s30 =	simm.s32 $0x100;
	[sflag:s15] =	ssyncadd.s32 $0xFFFFE000  }
0x41: {  	[tilespmem:s18], [sflag:$0x1] =	stream.indirect.gather [hbm4b:s2+s17], $0x40, s30, s17, $0xb8;
	[tilespmem:$0x15000] =	vst v63  }
0x42: {  	_ =	swait.ge [sflag:s21], $0x2000  }
0x43: {  	[sflag:s21] =	ssyncset.done $0x0  }
0x44: {  	s31 =	simm.s32 $0x2880;
	[sflag:s21] =	ssyncadd.s32 $0xFFFFE000  }
0x45: {  	[spmem:s3] =	stream.indirect.scatter.add.f32 [tilespmem:s19], [sflag:$0x3], $0x40, s31, s17, $0xb8;
	[tilespmem:$0x15000] =	vst v63  }
0x46: {  	_ =	swait.ge [sflag:s15], $0x2000  }
0x47: {  	[sflag:s15] =	ssyncset.done $0x0  }
0x48: {  	s24 =	simm.s32 $0x400;
	s25 =	simm.s32 $0x180;
	[sflag:s15] =	ssyncadd.s32 $0xFFFFE000  }
.LBB2_4:
0x49: {  	[tilespmem:s19], [sflag:$0x2] =	stream.indirect.gather [hbm4b:s2+s17], $0x40, s25, s17, $0xb8;
	[tilespmem:$0x15000] =	vst v63  }
0x4a: {  	s25 =	smov.u32 s24  }
0x4b: {  	p0 =	sne.s32 s24, $0x9800;
	s24 =	sadd.s32 $0x400, s24;
	_ =	swait.ge [sflag:s20], $0x2000  }
0x4c: {  	s25 =	sshra.s32 s25, $0x2;
	[sflag:s20] =	ssyncset.done $0x0  }
0x4d: {  	s26 =	sadd.s32 $0x2800, s25;
	[sflag:s20] =	ssyncadd.s32 $0xFFFFE000  }
0x4e: {  	[spmem:s3] =	stream.indirect.scatter.add.f32 [tilespmem:s18], [sflag:$0x3], $0x40, s26, s17, $0xb8;
	[tilespmem:$0x15000] =	vst v63  }
0x4f: {  	_ =	swait.ge [sflag:s15], $0x2000  }
0x50: {  	[sflag:s15] =	ssyncset.done $0x0  }
0x51: {  	s26 =	sadd.s32 $0x100, s25;
	[sflag:s15] =	ssyncadd.s32 $0xFFFFE000  }
0x52: {  	[tilespmem:s18], [sflag:$0x1] =	stream.indirect.gather [hbm4b:s2+s17], $0x40, s26, s17, $0xb8;
	[tilespmem:$0x15000] =	vst v63  }
0x53: {  	_ =	swait.ge [sflag:s21], $0x2000  }
0x54: {  	[sflag:s21] =	ssyncset.done $0x0  }
.Ltmp1:
0x55: {  	s26 =	sadd.s32 $0x2880, s25;
	[sflag:s21] =	ssyncadd.s32 $0xFFFFE000;
	(pc) =	sbr.rel @p0 .LBB2_4-.Ltmp1, $4  }
0x56: {  	[spmem:s3] =	stream.indirect.scatter.add.f32 [tilespmem:s19], [sflag:$0x3], $0x40, s26, s17, $0xb8;
	[tilespmem:$0x15000] =	vst v63  }
0x57: {  	_ =	swait.ge [sflag:s15], $0x2000  }
0x58: {  	[sflag:s15] =	ssyncset.done $0x0  }
0x59: {  	s25 =	sadd.s32 $0x180, s25;
	[sflag:s15] =	ssyncadd.s32 $0xFFFFE000  }
0x5a: {  	[tilespmem:s19], [sflag:$0x2] =	stream.indirect.gather [hbm4b:s2+s17], $0x40, s25, s17, $0xb8;
	[tilespmem:$0x15000] =	vst v63  }
0x5b: {  	_ =	swait.ge [sflag:s20], $0x2000  }
0x5c: {  	[sflag:s20] =	ssyncset.done $0x0  }
0x5d: {  	[sflag:s20] =	ssyncadd.s32 $0xFFFFE000  }
0x5e: {  	[spmem:s3] =	stream.indirect.scatter.add.f32 [tilespmem:s18], [sflag:$0x3], $0x40, s22, s17, $0xb8;
	[tilespmem:$0x15000] =	vst v63  }
0x5f: {  	_ =	swait.ge [sflag:s15], $0x2000  }
0x60: {  	[sflag:s15] =	ssyncset.done $0x0  }
0x61: {  	[sflag:s15] =	ssyncadd.s32 $0xFFFFE000  }
0x62: {  	_ =	swait.ge [sflag:s21], $0x2000  }
0x63: {  	[sflag:s21] =	ssyncset.done $0x0  }
0x64: {  	[sflag:s21] =	ssyncadd.s32 $0xFFFFE000  }
0x65: {  	[spmem:s3] =	stream.indirect.scatter.add.f32 [tilespmem:s19], [sflag:$0x3], $0x40, s23, s17, $0xb8;
	[tilespmem:$0x15000] =	vst v63  }
0x66: {  	_ =	swait.ge [sflag:s15], $0x2000  }
0x67: {  	s24 =	sshll.u32 s0, $0x6;
	s4 =	sadd.s32 $0x1, s4;
	[sflag:s15] =	ssyncset.done $0x0  }
0x68: {  	s31 =	sshrl.u32 s5, $0x3;
	p0 =	sne.s32 s4, s13;
	[sflag:s15] =	ssyncadd.s32 $0xFFFFE000  }
.Ltmp2:
0x69: {  	s24 =	sor.u32 $0x1C03, s24;
	[bflag:$0x0] =	sbarrier.arrive $0xFFFF;
	(pc) =	sbr.rel @p0 .LBB2_1-.Ltmp2, $4  }
0x6a: {  	[hbm:s12], [sflag:s24] =	dma.local [spmem:s31], $0x1400  }
0x6b: {  	_ =	swait.ge [sflag:s15], $0x1400  }
0x6c: {  	[sflag:s15] =	ssyncset.done $0x0  }
0x6d: {  	[sflag:s15] =	ssyncadd.s32 $0xFFFFEC00  }
0x6e: {  	_ =	sfence.sel $0x180000  }
0x6f: {  	[bflag:$0x0] =	sbarrier.arrive $0xFFFF  }
0x70: {  	p0 =	sne.s32 s0, $0x0;
	_ =	strace $0x9000004A  }
0x71: {  	s0 =	sadd.s32 @!p0 $0x100000, s1;
	[bflag:$0x2] =	sbarrier.arrive $0xFFFF  }
0x72: {  	[sflag:s0] =	ssyncadd.tile.s32 @!p0 $0x1;
	_ =	shalt  }
.Lfunc_end2:
_tile_overlayer_lowered:
.L_overlay_start_2:
0x73: {  	(tag) =	ssettag $0x2  }
0x74: {  	s0 =	rddreg [dreg:$0x0];
	s2 =	stileid.u32  }
0x75: {  	s1 =	rddreg [dreg:$0x1];
	p0 =	sne.s32 s2, $0x0  }
0x76: {  	s3 =	rddreg [dreg:$0x2];
	[bflag:$0x3] =	sbarrier.arrive $0xFFFF;
	s2 =	simm.s32 @!p0 $0x1C03  }
0x77: {  	[timem:s3], [sflag:s2] =	dma.local @!p0 [hbm:s0], s1  }
0x78: {  	s0 =	simm.s32 @!p0 $0x3  }
0x79: {  	_ =	swait.ge @!p0 [sflag:s0], s1  }
0x7a: {  	s1 =	ssub.s32 @!p0 $0x0, s1;
	[sflag:s0] =	ssyncset.done @!p0 $0x0  }
0x7b: {  	[sflag:s0] =	ssyncadd.s32 @!p0 s1  }
0x7c: {  	[bflag:$0x3] =	sbarrier.arrive $0xFFFF  }
0x7d: {  	_ =	shalt  }

// kernel: kernel.16.cloned.1.call-start
scs
__scs_entry_jumppad:
0x0: {  	(pc) =	sbr.rel $0x88, $3  }
0x1: {  	(tag) =	ssettag $0x0;
	lr =	simm.s32 $0x1  }
0x2: {  	[smem:$0x3F99] =	sst lr;
	_ =	strace $0xD0000000  }
0x3: {  	_ = 	snop  }
0x4: {  	_ = 	snop  }
0x5: {  	_ = 	snop  }
0x6: {  	_ = 	snop  }
0x7: {  	_ = 	snop  }
__scs_overlays_trampoline_lowered:
0x8: {  	[smem:$0x3FA8] =	sst s0  }
0x9: {  	[smem:$0x3FA9] =	sst s1  }
0xa: {  	[smem:$0x3FAA] =	sst s2  }
0xb: {  	[smem:$0x3FAB] =	sst s3  }
0xc: {  	[smem:$0x3FAC] =	sst s4  }
0xd: {  	[smem:$0x3FAD] =	sst s5  }
0xe: {  	[smem:$0x3FAE] =	sst s6  }
0xf: {  	[smem:$0x3FAF] =	sst s7  }
0x10: {  	[smem:$0x3FB0] =	sst s8  }
0x11: {  	[smem:$0x3FB1] =	sst s9;
	s0 =	simm.s32 @!p0 $0x0  }
0x12: {  	s1 =	sld [smem:$0x3F97];
	s0 =	simm.s32 @p0 $0x1  }
0x13: {  	[smem:$0x3FB2] =	sst s0;
	s0 =	simm.s32 @!p1 $0x0  }
0x14: {  	s2 =	sld [smem:$0x3F96];
	s0 =	simm.s32 @p1 $0x1  }
0x15: {  	[smem:$0x3FB3] =	sst s0;
	s0 =	simm.s32 @!p2 $0x0  }
0x16: {  	s3 =	sld [smem:$0x3FDB];
	s0 =	simm.s32 @p2 $0x1  }
0x17: {  	s4 =	simm.s32 $0x1BF5;
	[smem:$0x3FB5] =	sst s0  }
0x18: {  	s0 =	sld [smem:$0x3F98];
	_ =	swait.ge [sflag:s4], $0x0  }
0x19: {  	s7 =	sld [smem:$0x3F99]  }
0x1a: {  	s8 =	sadd.s32 $0xFFFFE003, lr  }
0x1b: {  	s9 =	sadd.s32 $0xFFFFFEF7, lr;
	s5 =	simm.s32 $0xFFFFFFFF;
	p2 =	slt.u32 s8, $0xFFFFF086  }
0x1c: {  	p1 =	slt.u32 s9, $0xF7A;
	s5 =	simm.s32 @!p2 $0x0  }
0x1d: {  	s5 =	simm.s32 @p1 $0x1;
	p0 =	seq.s32 s7, s2  }
0x1e: {  	s7 =	smul.u32 @!p0 $0xF7A, s2;
	p2 =	seq.s32 @!p0 s5, $0x0  }
0x1f: {  	s9 =	smul.u32 $0xF7A, s1;
	s8 =	simm.s32 @!p0 $0x1BF5;
	p2 =	por !p2, p0  }
0x20: {  	[sflag:s8] =	ssyncset.s32 @!p0 $0xFFFFF086;
	s6 =	sadd.s32 @!p0 s3, s7;
	s7 =	simm.s32 @!p0 $0x108  }
0x21: {  	s3 =	sadd.s32 s3, s9;
	s6 =	sadd.s32 @!p0 $0x88, s6;
	s7 =	simm.s32 @p2 $0x1082  }
0x22: {  	[simem:s7], [sflag:s8] =	dma.local @!p0 [hbm:s6], $0xF7A  }
0x23: {  	s9 =	sor.u32 $0xD0000000, s2;
	s6 =	simm.s32 $0x108;
	_ =	swait.ge @!p0 [sflag:s8], $0x0  }
0x24: {  	s3 =	sadd.s32 $0x88, s3;
	s6 =	simm.s32 @!p1 $0x1082;
	[sflag:s4] =	ssyncset.s32 $0xFFFFF086  }
0x25: {  	[simem:s6], [sflag:s4] =	dma.local [hbm:s3], $0xF7A  }
0x26: {  	[smem:$0x3F99] =	sst s1;
	(tag) =	ssettag s2;
	_ =	strace s9  }
0x27: {  	s1 =	sld [smem:$0x3FA9]  }
0x28: {  	s2 =	sld [smem:$0x3FAA]  }
0x29: {  	s4 =	sld [smem:$0x3FAC]  }
0x2a: {  	p0 =	seq.s32 s5, $0x0;
	s5 =	sld [smem:$0x3FAD]  }
0x2b: {  	s6 =	sld [smem:$0x3FAE]  }
0x2c: {  	s7 =	sld [smem:$0x3FAF]  }
0x2d: {  	s3 =	simm.s32 $0x108;
	s8 =	sld [smem:$0x3FB0]  }
0x2e: {  	s3 =	simm.s32 @!p0 $0x1082;
	s9 =	sld [smem:$0x3FB1]  }
0x2f: {  	lr =	sadd.s32 s0, s3;
	s0 =	sld [smem:$0x3FA8]  }
0x30: {  	s3 =	sld [smem:$0x3FAB]  }
0x31: {  	[smem:$0x3FB4] =	sst s10  }
0x32: {  	s10 =	sld [smem:$0x3FB2];
	_ =	sdelay $0x3  }
0x33: {  	p0 =	seq.s32 s10, $0x1;
	s10 =	sld [smem:$0x3FB4];
	_ =	sdelay $0x3  }
0x34: {  	[smem:$0x3FB4] =	sst s10  }
0x35: {  	s10 =	sld [smem:$0x3FB3];
	_ =	sdelay $0x3  }
0x36: {  	p1 =	seq.s32 s10, $0x1;
	s10 =	sld [smem:$0x3FB4];
	_ =	sdelay $0x3  }
0x37: {  	[smem:$0x3FB4] =	sst s10  }
0x38: {  	s10 =	sld [smem:$0x3FB5]  }
0x39: {  	_ = 	snop;
	(pc) =	sbr.ind lr, $3  }
0x3a: {  	_ = 	snop  }
0x3b: {  	_ = 	snop  }
0x3c: {  	p2 =	seq.s32 s10, $0x1;
	s10 =	sld [smem:$0x3FB4]  }
0x3d: {  	_ =	shalt  }
0x3e: {  	_ =	shalt  }
0x3f: {  	_ =	shalt  }
0x40: {  	_ =	shalt  }
0x41: {  	_ =	shalt  }
0x42: {  	_ =	shalt  }
0x43: {  	_ =	shalt  }
0x44: {  	_ =	shalt  }
0x45: {  	_ =	shalt  }
0x46: {  	_ =	shalt  }
0x47: {  	_ =	shalt  }
0x48: {  	_ =	shalt  }
0x49: {  	_ =	shalt  }
0x4a: {  	_ =	shalt  }
0x4b: {  	_ =	shalt  }
0x4c: {  	_ =	shalt  }
0x4d: {  	_ =	shalt  }
0x4e: {  	_ =	shalt  }
0x4f: {  	_ =	shalt  }
0x50: {  	_ =	shalt  }
0x51: {  	_ =	shalt  }
0x52: {  	_ =	shalt  }
0x53: {  	_ =	shalt  }
0x54: {  	_ =	shalt  }
0x55: {  	_ =	shalt  }
0x56: {  	_ =	shalt  }
0x57: {  	_ =	shalt  }
0x58: {  	_ =	shalt  }
0x59: {  	_ =	shalt  }
0x5a: {  	_ =	shalt  }
0x5b: {  	_ =	shalt  }
0x5c: {  	_ =	shalt  }
0x5d: {  	_ =	shalt  }
0x5e: {  	_ =	shalt  }
0x5f: {  	_ =	shalt  }
0x60: {  	_ =	shalt  }
0x61: {  	_ =	shalt  }
0x62: {  	_ =	shalt  }
0x63: {  	_ =	shalt  }
0x64: {  	_ =	shalt  }
0x65: {  	_ =	shalt  }
0x66: {  	_ =	shalt  }
0x67: {  	_ =	shalt  }
0x68: {  	_ =	shalt  }
0x69: {  	_ =	shalt  }
0x6a: {  	_ =	shalt  }
0x6b: {  	_ =	shalt  }
0x6c: {  	_ =	shalt  }
0x6d: {  	_ =	shalt  }
0x6e: {  	_ =	shalt  }
0x6f: {  	_ =	shalt  }
0x70: {  	_ =	shalt  }
0x71: {  	_ =	shalt  }
0x72: {  	_ =	shalt  }
0x73: {  	_ =	shalt  }
0x74: {  	_ =	shalt  }
0x75: {  	_ =	shalt  }
0x76: {  	_ =	shalt  }
0x77: {  	_ =	shalt  }
0x78: {  	_ =	shalt  }
0x79: {  	_ =	shalt  }
0x7a: {  	_ =	shalt  }
0x7b: {  	_ =	shalt  }
0x7c: {  	_ =	shalt  }
0x7d: {  	_ =	shalt  }
0x7e: {  	_ =	shalt  }
0x7f: {  	_ =	shalt  }
0x80: {  	_ =	shalt  }
0x81: {  	_ =	shalt  }
0x82: {  	_ =	shalt  }
0x83: {  	_ =	shalt  }
0x84: {  	_ =	shalt  }
0x85: {  	_ =	shalt  }
0x86: {  	_ =	shalt  }
0x87: {  	_ =	shalt  }
.Lfunc_end0:
.L_simem_size_0:
called_computation.2_lowered:
.L_overlay_start_0:
0x88: {  	s2 =	sld [smem:$0x3FD9]  }
0x89: {  	s3 =	sld [smem:$0x3FFE];
	_ =	sdelay $0x1  }
0x8a: {  	s1 =	srdreg.scid  }
0x8b: {  	s0 =	sand.u32 $0x1, s1  }
0x8c: {  	s17 =	sshll.u32 s0, $0xA;
	s2 =	sadd.s32 s3, s2  }
0x8d: {  	s2 =	sadd.s32 s2, s17  }
0x8e: {  	[smem:$0x3FC0] =	sst s2  }
0x8f: {  	_ = 	snop  }
0x90: {  	s2 =	sld [smem:$0x3FD0];
	(tm) =	ssettm $0x1  }
0x91: {  	s18 =	sld [smem:$0x3FFB];
	_ =	sdelay $0x3  }
0x92: {  	_ =	strace s18  }
0x93: {  	s3 =	sld [smem:$0x3FFC];
	_ =	sdelay $0x3  }
0x94: {  	_ =	strace s3  }
0x95: {  	s3 =	sld [smem:$0x3FFD];
	_ =	sdelay $0x3  }
0x96: {  	_ =	strace s3  }
0x97: {  	_ =	strace $0x8FFFFFFF  }
0x98: {  	s19 =	sld [smem:$0x3FDB];
	_ =	sdelay $0x1  }
0x99: {  	s4 =	simm.s32 $_scs_section_size  }
0x9a: {  	s5 =	simm.s32 $_size__tile_overlayer_lowered;
	s6 =	simm.s32 $_tile_overlayer_lowered  }
0x9b: {  	s22 =	simm.s32 $0x1BFF;
	s21 =	sshll.u32 s6, $0x1;
	s3 =	sadd.s32 s4, s19  }
0x9c: {  	s7 =	simm.s32 $0x0;
	s20 =	sshll.u32 s5, $0x1;
	s5 =	sadd.s32 s21, s3  }
0x9d: {  	[timem:s7], [sflag:s22] =	dma.local [hbm:s5], s20  }
0x9e: {  	_ =	swait.ge [sflag:s22], s20  }
0x9f: {  	s4 =	ssub.s32 $0x0, s20;
	[sflag:s22] =	ssyncset.done $0x0  }
0xa0: {  	[sflag:s22] =	ssyncadd.s32 s4;
	_ =	sdelay $0x1  }
0xa1: {  	s23 =	simm.s32 $0x1B8B  }
0xa2: {  	_ =	swait.ge [sflag:s23], $0x1  }
0xa3: {  	[sflag:s23] =	ssyncset.done $0x0  }
0xa4: {  	s25 =	simm.s32 $0x1B8E;
	s24 =	sld [smem:$0x3FFE];
	[sflag:s23] =	ssyncadd.s32 $0xFFFFFFFF  }
0xa5: {  	s26 =	simm.s32 $execute0_lowered;
	[smem:$0x3FD2] =	sst s25  }
0xa6: {  	s5 =	sshll.u32 s26, $0x1;
	_ =	strace $0x8000004C;
	[dreg:$0x1] =	wrdreg $0xFFFFFFFF  }
0xa7: {  	s28 =	simm.s32 $_size_execute0_lowered;
	s3 =	sadd.s32 s3, s5;
	[dreg:$0x0] =	wrdreg $0x0  }
0xa8: {  	s5 =	sshll.u32 s28, $0x1;
	[dreg:$0x2] =	wrdreg s3  }
0xa9: {  	[dreg:$0x3] =	wrdreg s5  }
0xaa: {  	[dreg:$0x4] =	wrdreg $0xC0  }
0xab: {  	_ =	task [dreg:s7], $0x5FFFF  }
0xac: {  	[dreg:$0x1] =	wrdreg $0xFFFFFFFF  }
0xad: {  	[dreg:$0x0] =	wrdreg $0x60  }
0xae: {  	[dreg:$0x2] =	wrdreg s24  }
0xaf: {  	[dreg:$0x3] =	wrdreg s2  }
0xb0: {  	[dreg:$0x4] =	wrdreg $0xB0000  }
0xb1: {  	[dreg:$0x5] =	wrdreg $0x9  }
0xb2: {  	_ =	task.clear_ibuf [dreg:s7], $0x6FFFF;
	_ =	strace $0x9000004C  }
0xb3: {  	s29 =	simm.s32 $0x9;
	_ =	strace $0x8000004E  }
0xb4: {  	_ =	swait.ge [sflag:s29], $0x1  }
0xb5: {  	[sflag:s29] =	ssyncadd.s32 $0xFFFFFFFF  }
0xb6: {  	_ =	strace $0x9000004E  }
0xb7: {  	_ =	sfence  }
0xb8: {  	s30 =	sld [smem:$0x0];
	_ =	sdelay $0x2  }
0xb9: {  	s31 =	sshll.u32 s1, $0xD;
	s1 =	sshrl.u32 s1, $0x2  }
0xba: {  	s3 =	sand.u32 $0x4000, s31;
	s1 =	sadd.s32 s1, s30  }
0xbb: {  	s0 =	sor.u32 s3, s0;
	s1 =	sshll.u32 s1, $0x11  }
0xbc: {  	s0 =	sor.u32 s1, s0  }
0xbd: {  	s0 =	sadd.s32 $0x8F2B, s0  }
0xbe: {  	[sflag:s0] =	ssyncadd.remote.s32 $0x1  }
0xbf: {  	_ =	sfence.sel $0xFFFF  }
0xc0: {  	[dreg:$0x0] =	wrdreg $0xFFFFFFFF;
	(pc) =	sbr.abs _section_cstart, $3  }
0xc1: {  	[dreg:$0x1] =	wrdreg $0xFFFFFFFF  }
0xc2: {  	_ =	task.clear_ibuf [dreg:s7], $0x2FFFF;
	_ =	strace $0x9FFFFFFF  }
0xc3: {  	(tm) =	ssettm $0x7FFFFFFF  }
tec
execute0_lowered:
.L_overlay_start_1:
0x0: {  	(tag) =	ssettag $0x1  }
0x1: {  	s6 =	rddreg [dreg:$0x0]  }
0x2: {  	s1 =	srdreg.scid;
	s2 =	rddreg [dreg:$0x1]  }
0x3: {  	s0 =	stileid.u32;
	s3 =	rddreg [dreg:$0x2];
	s4 =	simm.s32 $0x0  }
0x4: {  	s14 =	simm.s32 $0x9000;
	s15 =	simm.s32 $0x3;
	s16 =	simm.s32 $0x2800  }
0x5: {  	s17 =	simm.s32 $0x80;
	s18 =	simm.s32 $0x5000;
	s19 =	simm.s32 $0x7000  }
0x6: {  	s20 =	simm.s32 $0x1;
	s21 =	simm.s32 $0x2;
	s22 =	simm.s32 $0x4F00  }
0x7: {  	s23 =	simm.s32 $0x4F80;
	s5 =	sand.u32 $0x1, s1;
	s8 =	smul.u32 $0x1400, s0  }
0x8: {  	s28 =	sshll.u32 s0, $0x1;
	[smem:$0x7FF] =	sst s4;
	s10 =	smul.u32 $0x28000, s0  }
0x9: {  	s1 =	sor.u32 s5, s28;
	s9 =	smul.u32 $0x14000, s5;
	s5 =	ssub.s32 $0x2, s5  }
0xa: {  	s7 =	smul.u32 $0x500, s1;
	s1 =	rddreg [dreg:$0x3];
	_ =	strace $0x8000004D  }
0xb: {  	s30 =	sshrl.u32 s5, $0x1;
	s31 =	sshrl.u32 s10, $0x2;
	s29 =	sadd.s32 s8, s9  }
0xc: {  	s13 =	ssub.s32 s5, s30;
	s5 =	sadd.s32 s31, s3;
	s11 =	sadd.s32 s7, s6  }
0xd: {  	s12 =	sadd.s32 s29, s6;
	s6 =	sadd.s32 $0x2000, s5;
	s7 =	sadd.s32 $0x4000, s5  }
0xe: {  	s8 =	sadd.s32 $0x6000, s5;
	s9 =	sadd.s32 $0x8000, s5;
	s13 =	smax.u32 s13, $0x1  }
0xf: {  	v0 =	vimm.f32 $0.0e+00;
	s10 =	sadd.s32 $0xC400, s11;
	s11 =	sadd.s32 $0x2400, s11;
	s12 =	sadd.s32 $0x66400, s12  }
.LBB2_1:
0x10: {  	s25 =	simm.s32 $0x100;
	s24 =	simm.s32 $0x0  }
.LBB2_2:
0x11: {  	p0 =	sne.s32 s25, $0x7F00;
	[tilespmem:s24+$0x9030] =	vst v0;
	s26 =	smov.u32 s25;
	s25 =	sadd.s32 $0x100, s25  }
.Ltmp0:
0x12: {  	[tilespmem:s24+$0x9020] =	vst v0;
	(pc) =	sbr.rel @p0 .LBB2_2-.Ltmp0, $3  }
0x13: {  	[tilespmem:s24+$0x9000] =	vst v0  }
0x14: {  	[tilespmem:s24+$0x9010] =	vst v0;
	_ =	sdelay $0x1  }
0x15: {  	s24 =	sshra.s32 s26, $0x2  }
0x16: {  	[tilespmem:s24+$0x9030] =	vst v0  }
0x17: {  	[tilespmem:s24+$0x9020] =	vst v0  }
0x18: {  	[tilespmem:s24+$0x9000] =	vst v0  }
0x19: {  	[tilespmem:s24+$0x9010] =	vst v0  }
0x1a: {  	[spmem:s5] =	stream.linear.scatter [tilespmem:s14], [sflag:$0x3], $0x2000, $0x38;
	[tilespmem:$0x15000] =	vst v63  }
0x1b: {  	_ =	swait.ge [sflag:s15], $0x2000  }
0x1c: {  	[sflag:s15] =	ssyncset.done $0x0  }
0x1d: {  	[sflag:s15] =	ssyncadd.s32 $0xFFFFE000  }
0x1e: {  	[spmem:s6] =	stream.linear.scatter [tilespmem:s14], [sflag:$0x3], $0x2000, $0x38;
	[tilespmem:$0x15000] =	vst v63  }
0x1f: {  	_ =	swait.ge [sflag:s15], $0x2000  }
0x20: {  	[sflag:s15] =	ssyncset.done $0x0  }
0x21: {  	[sflag:s15] =	ssyncadd.s32 $0xFFFFE000  }
0x22: {  	[spmem:s7] =	stream.linear.scatter [tilespmem:s14], [sflag:$0x3], $0x2000, $0x38;
	[tilespmem:$0x15000] =	vst v63  }
0x23: {  	_ =	swait.ge [sflag:s15], $0x2000  }
0x24: {  	[sflag:s15] =	ssyncset.done $0x0  }
0x25: {  	[sflag:s15] =	ssyncadd.s32 $0xFFFFE000  }
0x26: {  	[spmem:s8] =	stream.linear.scatter [tilespmem:s14], [sflag:$0x3], $0x2000, $0x38;
	[tilespmem:$0x15000] =	vst v63  }
0x27: {  	_ =	swait.ge [sflag:s15], $0x2000  }
0x28: {  	[sflag:s15] =	ssyncset.done $0x0  }
0x29: {  	[sflag:s15] =	ssyncadd.s32 $0xFFFFE000  }
0x2a: {  	[spmem:s9] =	stream.linear.scatter [tilespmem:s14], [sflag:$0x3], $0x2000, $0x38;
	[tilespmem:$0x15000] =	vst v63  }
0x2b: {  	_ =	swait.ge [sflag:s15], $0x2000  }
0x2c: {  	[sflag:s15] =	ssyncset.done $0x0  }
0x2d: {  	[sflag:s15] =	ssyncadd.s32 $0xFFFFE000  }
0x2e: {  	s28 =	simm.s32 $0x0;
	[bflag:$0x0] =	sbarrier.arrive $0xFFFF  }
0x2f: {  	[tilespmem:s28], [sflag:$0x3] =	stream.linear.gather [hbm4b:s10+s28], $0x2800, $0x38;
	[tilespmem:$0x15000] =	vst v63  }
0x30: {  	_ =	swait.ge [sflag:s15], $0x2800  }
0x31: {  	[sflag:s15] =	ssyncset.done $0x0  }
0x32: {  	[sflag:s15] =	ssyncadd.s32 $0xFFFFD800  }
0x33: {  	[tilespmem:s16], [sflag:$0x3] =	stream.linear.gather [hbm4b:s11+s28], $0x2800, $0x38;
	[tilespmem:$0x15000] =	vst v63  }
0x34: {  	_ =	swait.ge [sflag:s15], $0x2800  }
0x35: {  	[sflag:s15] =	ssyncset.done $0x0  }
0x36: {  	[sflag:s15] =	ssyncadd.s32 $0xFFFFD800  }
0x37: {  	[tilespmem:s18], [sflag:$0x1] =	stream.indirect.gather [hbm4b:s2+s17], $0x40, s28, s17, $0xb8;
	[tilespmem:$0x15000] =	vst v63  }
0x38: {  	_ = 	snop  }
0x39: {  	[tilespmem:s19], [sflag:$0x2] =	stream.indirect.gather [hbm4b:s2+s17], $0x40, s17, s17, $0xb8;
	[tilespmem:$0x15000] =	vst v63  }
0x3a: {  	_ =	swait.ge [sflag:s20], $0x2000  }
0x3b: {  	[sflag:s20] =	ssyncset.done $0x0  }
0x3c: {  	s29 =	simm.s32 $0x2800;
	[sflag:s20] =	ssyncadd.s32 $0xFFFFE000  }
0x3d: {  	[spmem:s3] =	stream.indirect.scatter.add.f32 [tilespmem:s18], [sflag:$0x3], $0x40, s29, s17, $0xb8;
	[tilespmem:$0x15000] =	vst v63  }
0x3e: {  	_ =	swait.ge [sflag:s15], $0x2000  }
0x3f: {  	[sflag:s15] =	ssyncset.done $0x0  }
0x40: {  	s30 =	simm.s32 $0x100;
	[sflag:s15] =	ssyncadd.s32 $0xFFFFE000  }
0x41: {  	[tilespmem:s18], [sflag:$0x1] =	stream.indirect.gather [hbm4b:s2+s17], $0x40, s30, s17, $0xb8;
	[tilespmem:$0x15000] =	vst v63  }
0x42: {  	_ =	swait.ge [sflag:s21], $0x2000  }
0x43: {  	[sflag:s21] =	ssyncset.done $0x0  }
0x44: {  	s31 =	simm.s32 $0x2880;
	[sflag:s21] =	ssyncadd.s32 $0xFFFFE000  }
0x45: {  	[spmem:s3] =	stream.indirect.scatter.add.f32 [tilespmem:s19], [sflag:$0x3], $0x40, s31, s17, $0xb8;
	[tilespmem:$0x15000] =	vst v63  }
0x46: {  	_ =	swait.ge [sflag:s15], $0x2000  }
0x47: {  	[sflag:s15] =	ssyncset.done $0x0  }
0x48: {  	s24 =	simm.s32 $0x400;
	s25 =	simm.s32 $0x180;
	[sflag:s15] =	ssyncadd.s32 $0xFFFFE000  }
.LBB2_4:
0x49: {  	[tilespmem:s19], [sflag:$0x2] =	stream.indirect.gather [hbm4b:s2+s17], $0x40, s25, s17, $0xb8;
	[tilespmem:$0x15000] =	vst v63  }
0x4a: {  	s25 =	smov.u32 s24  }
0x4b: {  	p0 =	sne.s32 s24, $0x9800;
	s24 =	sadd.s32 $0x400, s24;
	_ =	swait.ge [sflag:s20], $0x2000  }
0x4c: {  	s25 =	sshra.s32 s25, $0x2;
	[sflag:s20] =	ssyncset.done $0x0  }
0x4d: {  	s26 =	sadd.s32 $0x2800, s25;
	[sflag:s20] =	ssyncadd.s32 $0xFFFFE000  }
0x4e: {  	[spmem:s3] =	stream.indirect.scatter.add.f32 [tilespmem:s18], [sflag:$0x3], $0x40, s26, s17, $0xb8;
	[tilespmem:$0x15000] =	vst v63  }
0x4f: {  	_ =	swait.ge [sflag:s15], $0x2000  }
0x50: {  	[sflag:s15] =	ssyncset.done $0x0  }
0x51: {  	s26 =	sadd.s32 $0x100, s25;
	[sflag:s15] =	ssyncadd.s32 $0xFFFFE000  }
0x52: {  	[tilespmem:s18], [sflag:$0x1] =	stream.indirect.gather [hbm4b:s2+s17], $0x40, s26, s17, $0xb8;
	[tilespmem:$0x15000] =	vst v63  }
0x53: {  	_ =	swait.ge [sflag:s21], $0x2000  }
0x54: {  	[sflag:s21] =	ssyncset.done $0x0  }
.Ltmp1:
0x55: {  	s26 =	sadd.s32 $0x2880, s25;
	[sflag:s21] =	ssyncadd.s32 $0xFFFFE000;
	(pc) =	sbr.rel @p0 .LBB2_4-.Ltmp1, $4  }
0x56: {  	[spmem:s3] =	stream.indirect.scatter.add.f32 [tilespmem:s19], [sflag:$0x3], $0x40, s26, s17, $0xb8;
	[tilespmem:$0x15000] =	vst v63  }
0x57: {  	_ =	swait.ge [sflag:s15], $0x2000  }
0x58: {  	[sflag:s15] =	ssyncset.done $0x0  }
0x59: {  	s25 =	sadd.s32 $0x180, s25;
	[sflag:s15] =	ssyncadd.s32 $0xFFFFE000  }
0x5a: {  	[tilespmem:s19], [sflag:$0x2] =	stream.indirect.gather [hbm4b:s2+s17], $0x40, s25, s17, $0xb8;
	[tilespmem:$0x15000] =	vst v63  }
0x5b: {  	_ =	swait.ge [sflag:s20], $0x2000  }
0x5c: {  	[sflag:s20] =	ssyncset.done $0x0  }
0x5d: {  	[sflag:s20] =	ssyncadd.s32 $0xFFFFE000  }
0x5e: {  	[spmem:s3] =	stream.indirect.scatter.add.f32 [tilespmem:s18], [sflag:$0x3], $0x40, s22, s17, $0xb8;
	[tilespmem:$0x15000] =	vst v63  }
0x5f: {  	_ =	swait.ge [sflag:s15], $0x2000  }
0x60: {  	[sflag:s15] =	ssyncset.done $0x0  }
0x61: {  	[sflag:s15] =	ssyncadd.s32 $0xFFFFE000  }
0x62: {  	_ =	swait.ge [sflag:s21], $0x2000  }
0x63: {  	[sflag:s21] =	ssyncset.done $0x0  }
0x64: {  	[sflag:s21] =	ssyncadd.s32 $0xFFFFE000  }
0x65: {  	[spmem:s3] =	stream.indirect.scatter.add.f32 [tilespmem:s19], [sflag:$0x3], $0x40, s23, s17, $0xb8;
	[tilespmem:$0x15000] =	vst v63  }
0x66: {  	_ =	swait.ge [sflag:s15], $0x2000  }
0x67: {  	s24 =	sshll.u32 s0, $0x6;
	s4 =	sadd.s32 $0x1, s4;
	[sflag:s15] =	ssyncset.done $0x0  }
0x68: {  	s31 =	sshrl.u32 s5, $0x3;
	p0 =	sne.s32 s4, s13;
	[sflag:s15] =	ssyncadd.s32 $0xFFFFE000  }
.Ltmp2:
0x69: {  	s24 =	sor.u32 $0x1C03, s24;
	[bflag:$0x0] =	sbarrier.arrive $0xFFFF;
	(pc) =	sbr.rel @p0 .LBB2_1-.Ltmp2, $4  }
0x6a: {  	[hbm:s12], [sflag:s24] =	dma.local [spmem:s31], $0x1400  }
0x6b: {  	_ =	swait.ge [sflag:s15], $0x1400  }
0x6c: {  	[sflag:s15] =	ssyncset.done $0x0  }
0x6d: {  	[sflag:s15] =	ssyncadd.s32 $0xFFFFEC00  }
0x6e: {  	_ =	sfence.sel $0x180000  }
0x6f: {  	[bflag:$0x0] =	sbarrier.arrive $0xFFFF  }
0x70: {  	p0 =	sne.s32 s0, $0x0;
	_ =	strace $0x9000004D  }
0x71: {  	s0 =	sadd.s32 @!p0 $0x100000, s1;
	[bflag:$0x2] =	sbarrier.arrive $0xFFFF  }
0x72: {  	[sflag:s0] =	ssyncadd.tile.s32 @!p0 $0x1;
	_ =	shalt  }
.Lfunc_end2:
_tile_overlayer_lowered:
.L_overlay_start_2:
0x73: {  	(tag) =	ssettag $0x2  }
0x74: {  	s0 =	rddreg [dreg:$0x0];
	s2 =	stileid.u32  }
0x75: {  	s1 =	rddreg [dreg:$0x1];
	p0 =	sne.s32 s2, $0x0  }
0x76: {  	s3 =	rddreg [dreg:$0x2];
	[bflag:$0x3] =	sbarrier.arrive $0xFFFF;
	s2 =	simm.s32 @!p0 $0x1C03  }
0x77: {  	[timem:s3], [sflag:s2] =	dma.local @!p0 [hbm:s0], s1  }
0x78: {  	s0 =	simm.s32 @!p0 $0x3  }
0x79: {  	_ =	swait.ge @!p0 [sflag:s0], s1  }
0x7a: {  	s1 =	ssub.s32 @!p0 $0x0, s1;
	[sflag:s0] =	ssyncset.done @!p0 $0x0  }
0x7b: {  	[sflag:s0] =	ssyncadd.s32 @!p0 s1  }
0x7c: {  	[bflag:$0x3] =	sbarrier.arrive $0xFFFF  }
0x7d: {  	_ =	shalt  }

// kernel: kernel.19.cloned.1.call-start
scs
__scs_entry_jumppad:
0x0: {  	(pc) =	sbr.rel $0x88, $3  }
0x1: {  	(tag) =	ssettag $0x0;
	lr =	simm.s32 $0x1  }
0x2: {  	[smem:$0x3F99] =	sst lr;
	_ =	strace $0xD0000000  }
0x3: {  	_ = 	snop  }
0x4: {  	_ = 	snop  }
0x5: {  	_ = 	snop  }
0x6: {  	_ = 	snop  }
0x7: {  	_ = 	snop  }
__scs_overlays_trampoline_lowered:
0x8: {  	[smem:$0x3FA8] =	sst s0  }
0x9: {  	[smem:$0x3FA9] =	sst s1  }
0xa: {  	[smem:$0x3FAA] =	sst s2  }
0xb: {  	[smem:$0x3FAB] =	sst s3  }
0xc: {  	[smem:$0x3FAC] =	sst s4  }
0xd: {  	[smem:$0x3FAD] =	sst s5  }
0xe: {  	[smem:$0x3FAE] =	sst s6  }
0xf: {  	[smem:$0x3FAF] =	sst s7  }
0x10: {  	[smem:$0x3FB0] =	sst s8  }
0x11: {  	[smem:$0x3FB1] =	sst s9;
	s0 =	simm.s32 @!p0 $0x0  }
0x12: {  	s1 =	sld [smem:$0x3F97];
	s0 =	simm.s32 @p0 $0x1  }
0x13: {  	[smem:$0x3FB2] =	sst s0;
	s0 =	simm.s32 @!p1 $0x0  }
0x14: {  	s2 =	sld [smem:$0x3F96];
	s0 =	simm.s32 @p1 $0x1  }
0x15: {  	[smem:$0x3FB3] =	sst s0;
	s0 =	simm.s32 @!p2 $0x0  }
0x16: {  	s3 =	sld [smem:$0x3FDB];
	s0 =	simm.s32 @p2 $0x1  }
0x17: {  	s4 =	simm.s32 $0x1BF5;
	[smem:$0x3FB5] =	sst s0  }
0x18: {  	s0 =	sld [smem:$0x3F98];
	_ =	swait.ge [sflag:s4], $0x0  }
0x19: {  	s7 =	sld [smem:$0x3F99]  }
0x1a: {  	s8 =	sadd.s32 $0xFFFFE003, lr  }
0x1b: {  	s9 =	sadd.s32 $0xFFFFFEF7, lr;
	s5 =	simm.s32 $0xFFFFFFFF;
	p2 =	slt.u32 s8, $0xFFFFF086  }
0x1c: {  	p1 =	slt.u32 s9, $0xF7A;
	s5 =	simm.s32 @!p2 $0x0  }
0x1d: {  	s5 =	simm.s32 @p1 $0x1;
	p0 =	seq.s32 s7, s2  }
0x1e: {  	s7 =	smul.u32 @!p0 $0xF7A, s2;
	p2 =	seq.s32 @!p0 s5, $0x0  }
0x1f: {  	s9 =	smul.u32 $0xF7A, s1;
	s8 =	simm.s32 @!p0 $0x1BF5;
	p2 =	por !p2, p0  }
0x20: {  	[sflag:s8] =	ssyncset.s32 @!p0 $0xFFFFF086;
	s6 =	sadd.s32 @!p0 s3, s7;
	s7 =	simm.s32 @!p0 $0x108  }
0x21: {  	s3 =	sadd.s32 s3, s9;
	s6 =	sadd.s32 @!p0 $0x88, s6;
	s7 =	simm.s32 @p2 $0x1082  }
0x22: {  	[simem:s7], [sflag:s8] =	dma.local @!p0 [hbm:s6], $0xF7A  }
0x23: {  	s9 =	sor.u32 $0xD0000000, s2;
	s6 =	simm.s32 $0x108;
	_ =	swait.ge @!p0 [sflag:s8], $0x0  }
0x24: {  	s3 =	sadd.s32 $0x88, s3;
	s6 =	simm.s32 @!p1 $0x1082;
	[sflag:s4] =	ssyncset.s32 $0xFFFFF086  }
0x25: {  	[simem:s6], [sflag:s4] =	dma.local [hbm:s3], $0xF7A  }
0x26: {  	[smem:$0x3F99] =	sst s1;
	(tag) =	ssettag s2;
	_ =	strace s9  }
0x27: {  	s1 =	sld [smem:$0x3FA9]  }
0x28: {  	s2 =	sld [smem:$0x3FAA]  }
0x29: {  	s4 =	sld [smem:$0x3FAC]  }
0x2a: {  	p0 =	seq.s32 s5, $0x0;
	s5 =	sld [smem:$0x3FAD]  }
0x2b: {  	s6 =	sld [smem:$0x3FAE]  }
0x2c: {  	s7 =	sld [smem:$0x3FAF]  }
0x2d: {  	s3 =	simm.s32 $0x108;
	s8 =	sld [smem:$0x3FB0]  }
0x2e: {  	s3 =	simm.s32 @!p0 $0x1082;
	s9 =	sld [smem:$0x3FB1]  }
0x2f: {  	lr =	sadd.s32 s0, s3;
	s0 =	sld [smem:$0x3FA8]  }
0x30: {  	s3 =	sld [smem:$0x3FAB]  }
0x31: {  	[smem:$0x3FB4] =	sst s10  }
0x32: {  	s10 =	sld [smem:$0x3FB2];
	_ =	sdelay $0x3  }
0x33: {  	p0 =	seq.s32 s10, $0x1;
	s10 =	sld [smem:$0x3FB4];
	_ =	sdelay $0x3  }
0x34: {  	[smem:$0x3FB4] =	sst s10  }
0x35: {  	s10 =	sld [smem:$0x3FB3];
	_ =	sdelay $0x3  }
0x36: {  	p1 =	seq.s32 s10, $0x1;
	s10 =	sld [smem:$0x3FB4];
	_ =	sdelay $0x3  }
0x37: {  	[smem:$0x3FB4] =	sst s10  }
0x38: {  	s10 =	sld [smem:$0x3FB5]  }
0x39: {  	_ = 	snop;
	(pc) =	sbr.ind lr, $3  }
0x3a: {  	_ = 	snop  }
0x3b: {  	_ = 	snop  }
0x3c: {  	p2 =	seq.s32 s10, $0x1;
	s10 =	sld [smem:$0x3FB4]  }
0x3d: {  	_ =	shalt  }
0x3e: {  	_ =	shalt  }
0x3f: {  	_ =	shalt  }
0x40: {  	_ =	shalt  }
0x41: {  	_ =	shalt  }
0x42: {  	_ =	shalt  }
0x43: {  	_ =	shalt  }
0x44: {  	_ =	shalt  }
0x45: {  	_ =	shalt  }
0x46: {  	_ =	shalt  }
0x47: {  	_ =	shalt  }
0x48: {  	_ =	shalt  }
0x49: {  	_ =	shalt  }
0x4a: {  	_ =	shalt  }
0x4b: {  	_ =	shalt  }
0x4c: {  	_ =	shalt  }
0x4d: {  	_ =	shalt  }
0x4e: {  	_ =	shalt  }
0x4f: {  	_ =	shalt  }
0x50: {  	_ =	shalt  }
0x51: {  	_ =	shalt  }
0x52: {  	_ =	shalt  }
0x53: {  	_ =	shalt  }
0x54: {  	_ =	shalt  }
0x55: {  	_ =	shalt  }
0x56: {  	_ =	shalt  }
0x57: {  	_ =	shalt  }
0x58: {  	_ =	shalt  }
0x59: {  	_ =	shalt  }
0x5a: {  	_ =	shalt  }
0x5b: {  	_ =	shalt  }
0x5c: {  	_ =	shalt  }
0x5d: {  	_ =	shalt  }
0x5e: {  	_ =	shalt  }
0x5f: {  	_ =	shalt  }
0x60: {  	_ =	shalt  }
0x61: {  	_ =	shalt  }
0x62: {  	_ =	shalt  }
0x63: {  	_ =	shalt  }
0x64: {  	_ =	shalt  }
0x65: {  	_ =	shalt  }
0x66: {  	_ =	shalt  }
0x67: {  	_ =	shalt  }
0x68: {  	_ =	shalt  }
0x69: {  	_ =	shalt  }
0x6a: {  	_ =	shalt  }
0x6b: {  	_ =	shalt  }
0x6c: {  	_ =	shalt  }
0x6d: {  	_ =	shalt  }
0x6e: {  	_ =	shalt  }
0x6f: {  	_ =	shalt  }
0x70: {  	_ =	shalt  }
0x71: {  	_ =	shalt  }
0x72: {  	_ =	shalt  }
0x73: {  	_ =	shalt  }
0x74: {  	_ =	shalt  }
0x75: {  	_ =	shalt  }
0x76: {  	_ =	shalt  }
0x77: {  	_ =	shalt  }
0x78: {  	_ =	shalt  }
0x79: {  	_ =	shalt  }
0x7a: {  	_ =	shalt  }
0x7b: {  	_ =	shalt  }
0x7c: {  	_ =	shalt  }
0x7d: {  	_ =	shalt  }
0x7e: {  	_ =	shalt  }
0x7f: {  	_ =	shalt  }
0x80: {  	_ =	shalt  }
0x81: {  	_ =	shalt  }
0x82: {  	_ =	shalt  }
0x83: {  	_ =	shalt  }
0x84: {  	_ =	shalt  }
0x85: {  	_ =	shalt  }
0x86: {  	_ =	shalt  }
0x87: {  	_ =	shalt  }
.Lfunc_end0:
.L_simem_size_0:
called_computation.3_lowered:
.L_overlay_start_0:
0x88: {  	s2 =	sld [smem:$0x3FD9]  }
0x89: {  	s3 =	sld [smem:$0x3FFE];
	_ =	sdelay $0x1  }
0x8a: {  	s1 =	srdreg.scid  }
0x8b: {  	s0 =	sand.u32 $0x1, s1  }
0x8c: {  	s17 =	sshll.u32 s0, $0xA;
	s2 =	sadd.s32 s3, s2  }
0x8d: {  	s2 =	sadd.s32 s2, s17  }
0x8e: {  	[smem:$0x3FC0] =	sst s2  }
0x8f: {  	_ = 	snop  }
0x90: {  	s2 =	sld [smem:$0x3FD0];
	(tm) =	ssettm $0x1  }
0x91: {  	s18 =	sld [smem:$0x3FFB];
	_ =	sdelay $0x3  }
0x92: {  	_ =	strace s18  }
0x93: {  	s3 =	sld [smem:$0x3FFC];
	_ =	sdelay $0x3  }
0x94: {  	_ =	strace s3  }
0x95: {  	s3 =	sld [smem:$0x3FFD];
	_ =	sdelay $0x3  }
0x96: {  	_ =	strace s3  }
0x97: {  	_ =	strace $0x8FFFFFFF  }
0x98: {  	s19 =	sld [smem:$0x3FDB];
	_ =	sdelay $0x1  }
0x99: {  	s4 =	simm.s32 $_scs_section_size  }
0x9a: {  	s5 =	simm.s32 $_size__tile_overlayer_lowered;
	s6 =	simm.s32 $_tile_overlayer_lowered  }
0x9b: {  	s22 =	simm.s32 $0x1BFF;
	s21 =	sshll.u32 s6, $0x1;
	s3 =	sadd.s32 s4, s19  }
0x9c: {  	s7 =	simm.s32 $0x0;
	s20 =	sshll.u32 s5, $0x1;
	s5 =	sadd.s32 s21, s3  }
0x9d: {  	[timem:s7], [sflag:s22] =	dma.local [hbm:s5], s20  }
0x9e: {  	_ =	swait.ge [sflag:s22], s20  }
0x9f: {  	s4 =	ssub.s32 $0x0, s20;
	[sflag:s22] =	ssyncset.done $0x0  }
0xa0: {  	[sflag:s22] =	ssyncadd.s32 s4;
	_ =	sdelay $0x1  }
0xa1: {  	s23 =	simm.s32 $0x1B8B  }
0xa2: {  	_ =	swait.ge [sflag:s23], $0x1  }
0xa3: {  	[sflag:s23] =	ssyncset.done $0x0  }
0xa4: {  	s25 =	simm.s32 $0x1B8E;
	s24 =	sld [smem:$0x3FFE];
	[sflag:s23] =	ssyncadd.s32 $0xFFFFFFFF  }
0xa5: {  	s26 =	simm.s32 $execute0_lowered;
	[smem:$0x3FD2] =	sst s25  }
0xa6: {  	s5 =	sshll.u32 s26, $0x1;
	_ =	strace $0x8000004F;
	[dreg:$0x1] =	wrdreg $0xFFFFFFFF  }
0xa7: {  	s28 =	simm.s32 $_size_execute0_lowered;
	s3 =	sadd.s32 s3, s5;
	[dreg:$0x0] =	wrdreg $0x0  }
0xa8: {  	s5 =	sshll.u32 s28, $0x1;
	[dreg:$0x2] =	wrdreg s3  }
0xa9: {  	[dreg:$0x3] =	wrdreg s5  }
0xaa: {  	[dreg:$0x4] =	wrdreg $0xC0  }
0xab: {  	_ =	task [dreg:s7], $0x5FFFF  }
0xac: {  	[dreg:$0x1] =	wrdreg $0xFFFFFFFF  }
0xad: {  	[dreg:$0x0] =	wrdreg $0x60  }
0xae: {  	[dreg:$0x2] =	wrdreg s24  }
0xaf: {  	[dreg:$0x3] =	wrdreg s2  }
0xb0: {  	[dreg:$0x4] =	wrdreg $0xB0000  }
0xb1: {  	[dreg:$0x5] =	wrdreg $0x9  }
0xb2: {  	_ =	task.clear_ibuf [dreg:s7], $0x6FFFF;
	_ =	strace $0x9000004F  }
0xb3: {  	s29 =	simm.s32 $0x9;
	_ =	strace $0x80000051  }
0xb4: {  	_ =	swait.ge [sflag:s29], $0x1  }
0xb5: {  	[sflag:s29] =	ssyncadd.s32 $0xFFFFFFFF  }
0xb6: {  	_ =	strace $0x90000051  }
0xb7: {  	_ =	sfence  }
0xb8: {  	s30 =	sld [smem:$0x0];
	_ =	sdelay $0x2  }
0xb9: {  	s31 =	sshll.u32 s1, $0xD;
	s1 =	sshrl.u32 s1, $0x2  }
0xba: {  	s3 =	sand.u32 $0x4000, s31;
	s1 =	sadd.s32 s1, s30  }
0xbb: {  	s0 =	sor.u32 s3, s0;
	s1 =	sshll.u32 s1, $0x11  }
0xbc: {  	s0 =	sor.u32 s1, s0  }
0xbd: {  	s0 =	sadd.s32 $0x8F2B, s0  }
0xbe: {  	[sflag:s0] =	ssyncadd.remote.s32 $0x1  }
0xbf: {  	_ =	sfence.sel $0xFFFF  }
0xc0: {  	[dreg:$0x0] =	wrdreg $0xFFFFFFFF;
	(pc) =	sbr.abs _section_cstart, $3  }
0xc1: {  	[dreg:$0x1] =	wrdreg $0xFFFFFFFF  }
0xc2: {  	_ =	task.clear_ibuf [dreg:s7], $0x2FFFF;
	_ =	strace $0x9FFFFFFF  }
0xc3: {  	(tm) =	ssettm $0x7FFFFFFF  }
tec
execute0_lowered:
.L_overlay_start_1:
0x0: {  	(tag) =	ssettag $0x1  }
0x1: {  	s6 =	rddreg [dreg:$0x0]  }
0x2: {  	s1 =	srdreg.scid;
	s2 =	rddreg [dreg:$0x1]  }
0x3: {  	s0 =	stileid.u32;
	s3 =	rddreg [dreg:$0x2];
	s4 =	simm.s32 $0x0  }
0x4: {  	s14 =	simm.s32 $0x9000;
	s15 =	simm.s32 $0x3;
	s16 =	simm.s32 $0x2800  }
0x5: {  	s17 =	simm.s32 $0x80;
	s18 =	simm.s32 $0x5000;
	s19 =	simm.s32 $0x7000  }
0x6: {  	s20 =	simm.s32 $0x1;
	s21 =	simm.s32 $0x2;
	s22 =	simm.s32 $0x4F00  }
0x7: {  	s23 =	simm.s32 $0x4F80;
	s5 =	sand.u32 $0x1, s1;
	s8 =	smul.u32 $0x1400, s0  }
0x8: {  	s28 =	sshll.u32 s0, $0x1;
	[smem:$0x7FF] =	sst s4;
	s10 =	smul.u32 $0x28000, s0  }
0x9: {  	s1 =	sor.u32 s5, s28;
	s9 =	smul.u32 $0x14000, s5;
	s5 =	ssub.s32 $0x2, s5  }
0xa: {  	s7 =	smul.u32 $0x500, s1;
	s1 =	rddreg [dreg:$0x3];
	_ =	strace $0x80000050  }
0xb: {  	s30 =	sshrl.u32 s5, $0x1;
	s31 =	sshrl.u32 s10, $0x2;
	s29 =	sadd.s32 s8, s9  }
0xc: {  	s13 =	ssub.s32 s5, s30;
	s5 =	sadd.s32 s31, s3;
	s11 =	sadd.s32 s7, s6  }
0xd: {  	s12 =	sadd.s32 s29, s6;
	s6 =	sadd.s32 $0x2000, s5;
	s7 =	sadd.s32 $0x4000, s5  }
0xe: {  	s8 =	sadd.s32 $0x6000, s5;
	s9 =	sadd.s32 $0x8000, s5;
	s13 =	smax.u32 s13, $0x1  }
0xf: {  	v0 =	vimm.f32 $0.0e+00;
	s10 =	sadd.s32 $0xC400, s11;
	s11 =	sadd.s32 $0x2400, s11;
	s12 =	sadd.s32 $0x66400, s12  }
.LBB2_1:
0x10: {  	s25 =	simm.s32 $0x100;
	s24 =	simm.s32 $0x0  }
.LBB2_2:
0x11: {  	p0 =	sne.s32 s25, $0x7F00;
	[tilespmem:s24+$0x9030] =	vst v0;
	s26 =	smov.u32 s25;
	s25 =	sadd.s32 $0x100, s25  }
.Ltmp0:
0x12: {  	[tilespmem:s24+$0x9020] =	vst v0;
	(pc) =	sbr.rel @p0 .LBB2_2-.Ltmp0, $3  }
0x13: {  	[tilespmem:s24+$0x9000] =	vst v0  }
0x14: {  	[tilespmem:s24+$0x9010] =	vst v0;
	_ =	sdelay $0x1  }
0x15: {  	s24 =	sshra.s32 s26, $0x2  }
0x16: {  	[tilespmem:s24+$0x9030] =	vst v0  }
0x17: {  	[tilespmem:s24+$0x9020] =	vst v0  }
0x18: {  	[tilespmem:s24+$0x9000] =	vst v0  }
0x19: {  	[tilespmem:s24+$0x9010] =	vst v0  }
0x1a: {  	[spmem:s5] =	stream.linear.scatter [tilespmem:s14], [sflag:$0x3], $0x2000, $0x38;
	[tilespmem:$0x15000] =	vst v63  }
0x1b: {  	_ =	swait.ge [sflag:s15], $0x2000  }
0x1c: {  	[sflag:s15] =	ssyncset.done $0x0  }
0x1d: {  	[sflag:s15] =	ssyncadd.s32 $0xFFFFE000  }
0x1e: {  	[spmem:s6] =	stream.linear.scatter [tilespmem:s14], [sflag:$0x3], $0x2000, $0x38;
	[tilespmem:$0x15000] =	vst v63  }
0x1f: {  	_ =	swait.ge [sflag:s15], $0x2000  }
0x20: {  	[sflag:s15] =	ssyncset.done $0x0  }
0x21: {  	[sflag:s15] =	ssyncadd.s32 $0xFFFFE000  }
0x22: {  	[spmem:s7] =	stream.linear.scatter [tilespmem:s14], [sflag:$0x3], $0x2000, $0x38;
	[tilespmem:$0x15000] =	vst v63  }
0x23: {  	_ =	swait.ge [sflag:s15], $0x2000  }
0x24: {  	[sflag:s15] =	ssyncset.done $0x0  }
0x25: {  	[sflag:s15] =	ssyncadd.s32 $0xFFFFE000  }
0x26: {  	[spmem:s8] =	stream.linear.scatter [tilespmem:s14], [sflag:$0x3], $0x2000, $0x38;
	[tilespmem:$0x15000] =	vst v63  }
0x27: {  	_ =	swait.ge [sflag:s15], $0x2000  }
0x28: {  	[sflag:s15] =	ssyncset.done $0x0  }
0x29: {  	[sflag:s15] =	ssyncadd.s32 $0xFFFFE000  }
0x2a: {  	[spmem:s9] =	stream.linear.scatter [tilespmem:s14], [sflag:$0x3], $0x2000, $0x38;
	[tilespmem:$0x15000] =	vst v63  }
0x2b: {  	_ =	swait.ge [sflag:s15], $0x2000  }
0x2c: {  	[sflag:s15] =	ssyncset.done $0x0  }
0x2d: {  	[sflag:s15] =	ssyncadd.s32 $0xFFFFE000  }
0x2e: {  	s28 =	simm.s32 $0x0;
	[bflag:$0x0] =	sbarrier.arrive $0xFFFF  }
0x2f: {  	[tilespmem:s28], [sflag:$0x3] =	stream.linear.gather [hbm4b:s10+s28], $0x2800, $0x38;
	[tilespmem:$0x15000] =	vst v63  }
0x30: {  	_ =	swait.ge [sflag:s15], $0x2800  }
0x31: {  	[sflag:s15] =	ssyncset.done $0x0  }
0x32: {  	[sflag:s15] =	ssyncadd.s32 $0xFFFFD800  }
0x33: {  	[tilespmem:s16], [sflag:$0x3] =	stream.linear.gather [hbm4b:s11+s28], $0x2800, $0x38;
	[tilespmem:$0x15000] =	vst v63  }
0x34: {  	_ =	swait.ge [sflag:s15], $0x2800  }
0x35: {  	[sflag:s15] =	ssyncset.done $0x0  }
0x36: {  	[sflag:s15] =	ssyncadd.s32 $0xFFFFD800  }
0x37: {  	[tilespmem:s18], [sflag:$0x1] =	stream.indirect.gather [hbm4b:s2+s17], $0x40, s28, s17, $0xb8;
	[tilespmem:$0x15000] =	vst v63  }
0x38: {  	_ = 	snop  }
0x39: {  	[tilespmem:s19], [sflag:$0x2] =	stream.indirect.gather [hbm4b:s2+s17], $0x40, s17, s17, $0xb8;
	[tilespmem:$0x15000] =	vst v63  }
0x3a: {  	_ =	swait.ge [sflag:s20], $0x2000  }
0x3b: {  	[sflag:s20] =	ssyncset.done $0x0  }
0x3c: {  	s29 =	simm.s32 $0x2800;
	[sflag:s20] =	ssyncadd.s32 $0xFFFFE000  }
0x3d: {  	[spmem:s3] =	stream.indirect.scatter.add.f32 [tilespmem:s18], [sflag:$0x3], $0x40, s29, s17, $0xb8;
	[tilespmem:$0x15000] =	vst v63  }
0x3e: {  	_ =	swait.ge [sflag:s15], $0x2000  }
0x3f: {  	[sflag:s15] =	ssyncset.done $0x0  }
0x40: {  	s30 =	simm.s32 $0x100;
	[sflag:s15] =	ssyncadd.s32 $0xFFFFE000  }
0x41: {  	[tilespmem:s18], [sflag:$0x1] =	stream.indirect.gather [hbm4b:s2+s17], $0x40, s30, s17, $0xb8;
	[tilespmem:$0x15000] =	vst v63  }
0x42: {  	_ =	swait.ge [sflag:s21], $0x2000  }
0x43: {  	[sflag:s21] =	ssyncset.done $0x0  }
0x44: {  	s31 =	simm.s32 $0x2880;
	[sflag:s21] =	ssyncadd.s32 $0xFFFFE000  }
0x45: {  	[spmem:s3] =	stream.indirect.scatter.add.f32 [tilespmem:s19], [sflag:$0x3], $0x40, s31, s17, $0xb8;
	[tilespmem:$0x15000] =	vst v63  }
0x46: {  	_ =	swait.ge [sflag:s15], $0x2000  }
0x47: {  	[sflag:s15] =	ssyncset.done $0x0  }
0x48: {  	s24 =	simm.s32 $0x400;
	s25 =	simm.s32 $0x180;
	[sflag:s15] =	ssyncadd.s32 $0xFFFFE000  }
.LBB2_4:
0x49: {  	[tilespmem:s19], [sflag:$0x2] =	stream.indirect.gather [hbm4b:s2+s17], $0x40, s25, s17, $0xb8;
	[tilespmem:$0x15000] =	vst v63  }
0x4a: {  	s25 =	smov.u32 s24  }
0x4b: {  	p0 =	sne.s32 s24, $0x9800;
	s24 =	sadd.s32 $0x400, s24;
	_ =	swait.ge [sflag:s20], $0x2000  }
0x4c: {  	s25 =	sshra.s32 s25, $0x2;
	[sflag:s20] =	ssyncset.done $0x0  }
0x4d: {  	s26 =	sadd.s32 $0x2800, s25;
	[sflag:s20] =	ssyncadd.s32 $0xFFFFE000  }
0x4e: {  	[spmem:s3] =	stream.indirect.scatter.add.f32 [tilespmem:s18], [sflag:$0x3], $0x40, s26, s17, $0xb8;
	[tilespmem:$0x15000] =	vst v63  }
0x4f: {  	_ =	swait.ge [sflag:s15], $0x2000  }
0x50: {  	[sflag:s15] =	ssyncset.done $0x0  }
0x51: {  	s26 =	sadd.s32 $0x100, s25;
	[sflag:s15] =	ssyncadd.s32 $0xFFFFE000  }
0x52: {  	[tilespmem:s18], [sflag:$0x1] =	stream.indirect.gather [hbm4b:s2+s17], $0x40, s26, s17, $0xb8;
	[tilespmem:$0x15000] =	vst v63  }
0x53: {  	_ =	swait.ge [sflag:s21], $0x2000  }
0x54: {  	[sflag:s21] =	ssyncset.done $0x0  }
.Ltmp1:
0x55: {  	s26 =	sadd.s32 $0x2880, s25;
	[sflag:s21] =	ssyncadd.s32 $0xFFFFE000;
	(pc) =	sbr.rel @p0 .LBB2_4-.Ltmp1, $4  }
0x56: {  	[spmem:s3] =	stream.indirect.scatter.add.f32 [tilespmem:s19], [sflag:$0x3], $0x40, s26, s17, $0xb8;
	[tilespmem:$0x15000] =	vst v63  }
0x57: {  	_ =	swait.ge [sflag:s15], $0x2000  }
0x58: {  	[sflag:s15] =	ssyncset.done $0x0  }
0x59: {  	s25 =	sadd.s32 $0x180, s25;
	[sflag:s15] =	ssyncadd.s32 $0xFFFFE000  }
0x5a: {  	[tilespmem:s19], [sflag:$0x2] =	stream.indirect.gather [hbm4b:s2+s17], $0x40, s25, s17, $0xb8;
	[tilespmem:$0x15000] =	vst v63  }
0x5b: {  	_ =	swait.ge [sflag:s20], $0x2000  }
0x5c: {  	[sflag:s20] =	ssyncset.done $0x0  }
0x5d: {  	[sflag:s20] =	ssyncadd.s32 $0xFFFFE000  }
0x5e: {  	[spmem:s3] =	stream.indirect.scatter.add.f32 [tilespmem:s18], [sflag:$0x3], $0x40, s22, s17, $0xb8;
	[tilespmem:$0x15000] =	vst v63  }
0x5f: {  	_ =	swait.ge [sflag:s15], $0x2000  }
0x60: {  	[sflag:s15] =	ssyncset.done $0x0  }
0x61: {  	[sflag:s15] =	ssyncadd.s32 $0xFFFFE000  }
0x62: {  	_ =	swait.ge [sflag:s21], $0x2000  }
0x63: {  	[sflag:s21] =	ssyncset.done $0x0  }
0x64: {  	[sflag:s21] =	ssyncadd.s32 $0xFFFFE000  }
0x65: {  	[spmem:s3] =	stream.indirect.scatter.add.f32 [tilespmem:s19], [sflag:$0x3], $0x40, s23, s17, $0xb8;
	[tilespmem:$0x15000] =	vst v63  }
0x66: {  	_ =	swait.ge [sflag:s15], $0x2000  }
0x67: {  	s24 =	sshll.u32 s0, $0x6;
	s4 =	sadd.s32 $0x1, s4;
	[sflag:s15] =	ssyncset.done $0x0  }
0x68: {  	s31 =	sshrl.u32 s5, $0x3;
	p0 =	sne.s32 s4, s13;
	[sflag:s15] =	ssyncadd.s32 $0xFFFFE000  }
.Ltmp2:
0x69: {  	s24 =	sor.u32 $0x1C03, s24;
	[bflag:$0x0] =	sbarrier.arrive $0xFFFF;
	(pc) =	sbr.rel @p0 .LBB2_1-.Ltmp2, $4  }
0x6a: {  	[hbm:s12], [sflag:s24] =	dma.local [spmem:s31], $0x1400  }
0x6b: {  	_ =	swait.ge [sflag:s15], $0x1400  }
0x6c: {  	[sflag:s15] =	ssyncset.done $0x0  }
0x6d: {  	[sflag:s15] =	ssyncadd.s32 $0xFFFFEC00  }
0x6e: {  	_ =	sfence.sel $0x180000  }
0x6f: {  	[bflag:$0x0] =	sbarrier.arrive $0xFFFF  }
0x70: {  	p0 =	sne.s32 s0, $0x0;
	_ =	strace $0x90000050  }
0x71: {  	s0 =	sadd.s32 @!p0 $0x100000, s1;
	[bflag:$0x2] =	sbarrier.arrive $0xFFFF  }
0x72: {  	[sflag:s0] =	ssyncadd.tile.s32 @!p0 $0x1;
	_ =	shalt  }
.Lfunc_end2:
_tile_overlayer_lowered:
.L_overlay_start_2:
0x73: {  	(tag) =	ssettag $0x2  }
0x74: {  	s0 =	rddreg [dreg:$0x0];
	s2 =	stileid.u32  }
0x75: {  	s1 =	rddreg [dreg:$0x1];
	p0 =	sne.s32 s2, $0x0  }
0x76: {  	s3 =	rddreg [dreg:$0x2];
	[bflag:$0x3] =	sbarrier.arrive $0xFFFF;
	s2 =	simm.s32 @!p0 $0x1C03  }
0x77: {  	[timem:s3], [sflag:s2] =	dma.local @!p0 [hbm:s0], s1  }
0x78: {  	s0 =	simm.s32 @!p0 $0x3  }
0x79: {  	_ =	swait.ge @!p0 [sflag:s0], s1  }
0x7a: {  	s1 =	ssub.s32 @!p0 $0x0, s1;
	[sflag:s0] =	ssyncset.done @!p0 $0x0  }
0x7b: {  	[sflag:s0] =	ssyncadd.s32 @!p0 s1  }
0x7c: {  	[bflag:$0x3] =	sbarrier.arrive $0xFFFF  }
0x7d: {  	_ =	shalt  }

</sc_bundles>
